<compile_context>
chip_gen: v7x
topology: tpu7x:2x2x1
jax: 0.10.2.dev20260603
libtpu: 0.0.44.dev20260713+nightly
codegen_flags: <defaults>
</compile_context>

<pallas_src>
import functools

import jax
import jax.numpy as jnp
from jax import lax
from jax.experimental import pallas as pl
from jax.experimental.pallas import tpu as pltpu
from jax.experimental.pallas import tpu_sc as plsc

VOCAB = 1000
B_TOT = 1024 * 50
NC, NS = 2, 16
NW = NC * NS
CH = 32
NBUF = 2
NCH = B_TOT // CH // NW


@functools.partial(
    pl.kernel,
    out_type=jax.ShapeDtypeStruct((B_TOT, VOCAB), jnp.float32),
    mesh=plsc.VectorSubcoreMesh(core_axis_name="c", subcore_axis_name="s"),
    scratch_types=[
        pltpu.VMEM((NBUF, CH, VOCAB), jnp.float32),
        pltpu.SemaphoreType.DMA,
    ],
    compiler_params=pltpu.CompilerParams(use_tc_tiling_on_sc=False),
)
def _sc_store_only(idx_hbm, table_hbm, out_hbm, rows_v, sem_s):
    sid = lax.axis_index("s")
    wid = sid * NC + lax.axis_index("c")

    stores = [None] * NCH
    for c in range(NCH):
        if c >= NBUF:
            stores[c - NBUF].wait()
        stores[c] = pltpu.async_copy(
            rows_v.at[c % NBUF],
            out_hbm.at[pl.ds((c * NW + wid) * CH, CH)],
            sem_s,
        )
    for c in range(NCH - NBUF, NCH):
        stores[c].wait()


def kernel(idx, table):
    b, s = idx.shape
    idx_flat = idx.reshape(-1).astype(jnp.int32)
    out = _sc_store_only(idx_flat, table)
    return out.reshape(b, s, VOCAB)

# --- scband reference (transcript-rebuilt; emitter-appended) ---
"""Pipeline reference for scband-bigram-language-model-44169443672421 (READ-ONLY COPY).

The authoritative reference and input builder live on the scoring server;
editing this copy changes nothing except your own understanding.
"""

import jax, jax.numpy as jnp
import numpy as np

VOCAB = 1000
BATCH = 1024
SEQ = 50

def setup_inputs(seed: int = 0) -> dict:
    key = jax.random.key(seed)
    k_idx, k_tab = jax.random.split(key)
    idx = jax.random.randint(k_idx, (BATCH, SEQ), 0, VOCAB, dtype=jnp.int64 if jax.config.jax_enable_x64 else jnp.int32)
    # Keras Embedding default init: uniform(-0.05, 0.05)
    table = jax.random.uniform(k_tab, (VOCAB, VOCAB), dtype=jnp.float32, minval=-0.05, maxval=0.05)
    return {"idx": idx, "table": table}

def reference(idx, table):
    # BigramLanguageModel.call with targets=None:
    # logits = token_embedding_table(idx) -> [B, S, vocab]
    logits = jnp.take(table, idx, axis=0)
    return logits

if __name__ == "__main__":
    import jax
    _d = setup_inputs()
    print(jax.jit(kernel)(*tuple(_d.values())))

</pallas_src>

<mosaic_0001>
#map = affine_map<(d0, d1) -> (0)>
#map1 = affine_map<(d0, d1) -> (0, 0)>
module attributes {stable_mosaic.version = 14 : i64} {
  func.func @_sc_store_only(%arg0: i32, %arg1: i32, %arg2: memref<51200xi32, #tpu.memory_space<hbm>>, %arg3: memref<1000x1000xf32, #tpu.memory_space<hbm>>, %arg4: memref<51200x1000xf32, #tpu.memory_space<hbm>>, %arg5: memref<2x32x1000xf32, #tpu.memory_space<vmem>>, %arg6: memref<!tpu.dma_semaphore, #tpu.memory_space<semaphore_mem>>) attributes {dimension_semantics = [#tpu.dimension_semantics<core_parallel>, #tpu.dimension_semantics<subcore_parallel>], iteration_bounds = array<i64: 2, 16>, scalar_prefetch = 0 : i64, scratch_operands = 2 : i64, tpu.core_type = #tpu.core_type<sc_vector_subcore>, window_params = [{transform_indices = #map}, {transform_indices = #map1}, {transform_indices = #map1}]} {
    %mul3A = arith.constant 2 : i32
    %mul3A_0 = arith.muli %arg1, %mul3A : i32
    %add3A = arith.addi %mul3A_0, %arg0 : i32
    %add3A_1 = arith.constant 0 : i32
    %add3A_2 = arith.addi %add3A_1, %add3A : i32
    %mul3A_3 = arith.constant 32 : i32
    %mul3A_4 = arith.muli %add3A_2, %mul3A_3 : i32
    %dma_start3A = arith.constant 0 : i32
    %dma_start3A_5 = arith.constant 0 : i32
    %dma_start3A_6 = arith.constant 0 : i32
    %dma_start3A_7 = tpu.memref_slice %arg5[%dma_start3A, %dma_start3A_5, %dma_start3A_6] : memref<2x32x1000xf32, #tpu.memory_space<vmem>> -> memref<1x32x1000xf32, #tpu.memory_space<vmem>>
    %dma_start3A_8 = tpu.memref_squeeze %dma_start3A_7 : memref<1x32x1000xf32, #tpu.memory_space<vmem>> -> memref<32x1000xf32, #tpu.memory_space<vmem>>
    %dma_start3A_9 = arith.constant 0 : i32
    %dma_start3A_10 = tpu.memref_slice %arg4[%mul3A_4, %dma_start3A_9] : memref<51200x1000xf32, #tpu.memory_space<hbm>> -> memref<32x1000xf32, #tpu.memory_space<hbm>>
    %dma_start3A_11 = arith.constant 0 : i32
    %dma_start3A_12 = tpu.memref_slice %arg4[%mul3A_4, %dma_start3A_11] : memref<51200x1000xf32, #tpu.memory_space<hbm>> -> memref<32x1000xf32, #tpu.memory_space<hbm>>
    %dma_start3A_13 = arith.constant 0 : i32
    %dma_start3A_14 = arith.constant 0 : i32
    %dma_start3A_15 = tpu.memref_slice %arg5[%dma_start3A, %dma_start3A_13, %dma_start3A_14] : memref<2x32x1000xf32, #tpu.memory_space<vmem>> -> memref<1x32x1000xf32, #tpu.memory_space<vmem>>
    %dma_start3A_16 = tpu.memref_squeeze %dma_start3A_15 : memref<1x32x1000xf32, #tpu.memory_space<vmem>> -> memref<32x1000xf32, #tpu.memory_space<vmem>>
    tpu.enqueue_dma source(%dma_start3A_16 : memref<32x1000xf32, #tpu.memory_space<vmem>>) target(%dma_start3A_12 : memref<32x1000xf32, #tpu.memory_space<hbm>>) target_semaphore(%arg6 : memref<!tpu.dma_semaphore, #tpu.memory_space<semaphore_mem>>)
    %add3A_17 = arith.constant 32 : i32
    %add3A_18 = arith.addi %add3A_17, %add3A : i32
    %mul3A_19 = arith.constant 32 : i32
    %mul3A_20 = arith.muli %add3A_18, %mul3A_19 : i32
    %dma_start3A_21 = arith.constant 1 : i32
    %dma_start3A_22 = arith.constant 0 : i32
    %dma_start3A_23 = arith.constant 0 : i32
    %dma_start3A_24 = tpu.memref_slice %arg5[%dma_start3A_21, %dma_start3A_22, %dma_start3A_23] : memref<2x32x1000xf32, #tpu.memory_space<vmem>> -> memref<1x32x1000xf32, #tpu.memory_space<vmem>>
    %dma_start3A_25 = tpu.memref_squeeze %dma_start3A_24 : memref<1x32x1000xf32, #tpu.memory_space<vmem>> -> memref<32x1000xf32, #tpu.memory_space<vmem>>
    %dma_start3A_26 = arith.constant 0 : i32
    %dma_start3A_27 = tpu.memref_slice %arg4[%mul3A_20, %dma_start3A_26] : memref<51200x1000xf32, #tpu.memory_space<hbm>> -> memref<32x1000xf32, #tpu.memory_space<hbm>>
    %dma_start3A_28 = arith.constant 0 : i32
    %dma_start3A_29 = tpu.memref_slice %arg4[%mul3A_20, %dma_start3A_28] : memref<51200x1000xf32, #tpu.memory_space<hbm>> -> memref<32x1000xf32, #tpu.memory_space<hbm>>
    %dma_start3A_30 = arith.constant 0 : i32
    %dma_start3A_31 = arith.constant 0 : i32
    %dma_start3A_32 = tpu.memref_slice %arg5[%dma_start3A_21, %dma_start3A_30, %dma_start3A_31] : memref<2x32x1000xf32, #tpu.memory_space<vmem>> -> memref<1x32x1000xf32, #tpu.memory_space<vmem>>
    %dma_start3A_33 = tpu.memref_squeeze %dma_start3A_32 : memref<1x32x1000xf32, #tpu.memory_space<vmem>> -> memref<32x1000xf32, #tpu.memory_space<vmem>>
    tpu.enqueue_dma source(%dma_start3A_33 : memref<32x1000xf32, #tpu.memory_space<vmem>>) target(%dma_start3A_29 : memref<32x1000xf32, #tpu.memory_space<hbm>>) target_semaphore(%arg6 : memref<!tpu.dma_semaphore, #tpu.memory_space<semaphore_mem>>)
    %dma_wait3A = arith.constant 0 : i32
    %dma_wait3A_34 = arith.constant 0 : i32
    %dma_wait3A_35 = arith.constant 0 : i32
    %dma_wait3A_36 = tpu.memref_slice %arg5[%dma_wait3A, %dma_wait3A_34, %dma_wait3A_35] : memref<2x32x1000xf32, #tpu.memory_space<vmem>> -> memref<1x32x1000xf32, #tpu.memory_space<vmem>>
    %dma_wait3A_37 = tpu.memref_squeeze %dma_wait3A_36 : memref<1x32x1000xf32, #tpu.memory_space<vmem>> -> memref<32x1000xf32, #tpu.memory_space<vmem>>
    %dma_wait3A_38 = arith.constant 0 : i32
    %dma_wait3A_39 = tpu.memref_slice %arg4[%mul3A_4, %dma_wait3A_38] : memref<51200x1000xf32, #tpu.memory_space<hbm>> -> memref<32x1000xf32, #tpu.memory_space<hbm>>
    %dma_wait3A_40 = arith.constant 0 : i32
    %dma_wait3A_41 = tpu.memref_slice %arg4[%mul3A_4, %dma_wait3A_40] : memref<51200x1000xf32, #tpu.memory_space<hbm>> -> memref<32x1000xf32, #tpu.memory_space<hbm>>
    %dma_wait3A_42 = arith.constant 0 : i32
    %dma_wait3A_43 = arith.constant 0 : i32
    %dma_wait3A_44 = tpu.memref_slice %arg5[%dma_wait3A, %dma_wait3A_42, %dma_wait3A_43] : memref<2x32x1000xf32, #tpu.memory_space<vmem>> -> memref<1x32x1000xf32, #tpu.memory_space<vmem>>
    %dma_wait3A_45 = tpu.memref_squeeze %dma_wait3A_44 : memref<1x32x1000xf32, #tpu.memory_space<vmem>> -> memref<32x1000xf32, #tpu.memory_space<vmem>>
    tpu.wait_dma2 semaphore(%arg6 : memref<!tpu.dma_semaphore, #tpu.memory_space<semaphore_mem>>) src(%dma_wait3A_45 : memref<32x1000xf32, #tpu.memory_space<vmem>>) dst(%dma_wait3A_41 : memref<32x1000xf32, #tpu.memory_space<hbm>>)
    %add3A_46 = arith.constant 64 : i32
    %add3A_47 = arith.addi %add3A_46, %add3A : i32
    %mul3A_48 = arith.constant 32 : i32
    %mul3A_49 = arith.muli %add3A_47, %mul3A_48 : i32
    %dma_start3A_50 = arith.constant 0 : i32
    %dma_start3A_51 = arith.constant 0 : i32
    %dma_start3A_52 = arith.constant 0 : i32
    %dma_start3A_53 = tpu.memref_slice %arg5[%dma_start3A_50, %dma_start3A_51, %dma_start3A_52] : memref<2x32x1000xf32, #tpu.memory_space<vmem>> -> memref<1x32x1000xf32, #tpu.memory_space<vmem>>
    %dma_start3A_54 = tpu.memref_squeeze %dma_start3A_53 : memref<1x32x1000xf32, #tpu.memory_space<vmem>> -> memref<32x1000xf32, #tpu.memory_space<vmem>>
    %dma_start3A_55 = arith.constant 0 : i32
    %dma_start3A_56 = tpu.memref_slice %arg4[%mul3A_49, %dma_start3A_55] : memref<51200x1000xf32, #tpu.memory_space<hbm>> -> memref<32x1000xf32, #tpu.memory_space<hbm>>
    %dma_start3A_57 = arith.constant 0 : i32
    %dma_start3A_58 = tpu.memref_slice %arg4[%mul3A_49, %dma_start3A_57] : memref<51200x1000xf32, #tpu.memory_space<hbm>> -> memref<32x1000xf32, #tpu.memory_space<hbm>>
    %dma_start3A_59 = arith.constant 0 : i32
    %dma_start3A_60 = arith.constant 0 : i32
    %dma_start3A_61 = tpu.memref_slice %arg5[%dma_start3A_50, %dma_start3A_59, %dma_start3A_60] : memref<2x32x1000xf32, #tpu.memory_space<vmem>> -> memref<1x32x1000xf32, #tpu.memory_space<vmem>>
    %dma_start3A_62 = tpu.memref_squeeze %dma_start3A_61 : memref<1x32x1000xf32, #tpu.memory_space<vmem>> -> memref<32x1000xf32, #tpu.memory_space<vmem>>
    tpu.enqueue_dma source(%dma_start3A_62 : memref<32x1000xf32, #tpu.memory_space<vmem>>) target(%dma_start3A_58 : memref<32x1000xf32, #tpu.memory_space<hbm>>) target_semaphore(%arg6 : memref<!tpu.dma_semaphore, #tpu.memory_space<semaphore_mem>>)
    %dma_wait3A_63 = arith.constant 1 : i32
    %dma_wait3A_64 = arith.constant 0 : i32
    %dma_wait3A_65 = arith.constant 0 : i32
    %dma_wait3A_66 = tpu.memref_slice %arg5[%dma_wait3A_63, %dma_wait3A_64, %dma_wait3A_65] : memref<2x32x1000xf32, #tpu.memory_space<vmem>> -> memref<1x32x1000xf32, #tpu.memory_space<vmem>>
    %dma_wait3A_67 = tpu.memref_squeeze %dma_wait3A_66 : memref<1x32x1000xf32, #tpu.memory_space<vmem>> -> memref<32x1000xf32, #tpu.memory_space<vmem>>
    %dma_wait3A_68 = arith.constant 0 : i32
    %dma_wait3A_69 = tpu.memref_slice %arg4[%mul3A_20, %dma_wait3A_68] : memref<51200x1000xf32, #tpu.memory_space<hbm>> -> memref<32x1000xf32, #tpu.memory_space<hbm>>
    %dma_wait3A_70 = arith.constant 0 : i32
    %dma_wait3A_71 = tpu.memref_slice %arg4[%mul3A_20, %dma_wait3A_70] : memref<51200x1000xf32, #tpu.memory_space<hbm>> -> memref<32x1000xf32, #tpu.memory_space<hbm>>
    %dma_wait3A_72 = arith.constant 0 : i32
    %dma_wait3A_73 = arith.constant 0 : i32
    %dma_wait3A_74 = tpu.memref_slice %arg5[%dma_wait3A_63, %dma_wait3A_72, %dma_wait3A_73] : memref<2x32x1000xf32, #tpu.memory_space<vmem>> -> memref<1x32x1000xf32, #tpu.memory_space<vmem>>
    %dma_wait3A_75 = tpu.memref_squeeze %dma_wait3A_74 : memref<1x32x1000xf32, #tpu.memory_space<vmem>> -> memref<32x1000xf32, #tpu.memory_space<vmem>>
    tpu.wait_dma2 semaphore(%arg6 : memref<!tpu.dma_semaphore, #tpu.memory_space<semaphore_mem>>) src(%dma_wait3A_75 : memref<32x1000xf32, #tpu.memory_space<vmem>>) dst(%dma_wait3A_71 : memref<32x1000xf32, #tpu.memory_space<hbm>>)
    %add3A_76 = arith.constant 96 : i32
    %add3A_77 = arith.addi %add3A_76, %add3A : i32
    %mul3A_78 = arith.constant 32 : i32
    %mul3A_79 = arith.muli %add3A_77, %mul3A_78 : i32
    %dma_start3A_80 = arith.constant 1 : i32
    %dma_start3A_81 = arith.constant 0 : i32
    %dma_start3A_82 = arith.constant 0 : i32
    %dma_start3A_83 = tpu.memref_slice %arg5[%dma_start3A_80, %dma_start3A_81, %dma_start3A_82] : memref<2x32x1000xf32, #tpu.memory_space<vmem>> -> memref<1x32x1000xf32, #tpu.memory_space<vmem>>
    %dma_start3A_84 = tpu.memref_squeeze %dma_start3A_83 : memref<1x32x1000xf32, #tpu.memory_space<vmem>> -> memref<32x1000xf32, #tpu.memory_space<vmem>>
    %dma_start3A_85 = arith.constant 0 : i32
    %dma_start3A_86 = tpu.memref_slice %arg4[%mul3A_79, %dma_start3A_85] : memref<51200x1000xf32, #tpu.memory_space<hbm>> -> memref<32x1000xf32, #tpu.memory_space<hbm>>
    %dma_start3A_87 = arith.constant 0 : i32
    %dma_start3A_88 = tpu.memref_slice %arg4[%mul3A_79, %dma_start3A_87] : memref<51200x1000xf32, #tpu.memory_space<hbm>> -> memref<32x1000xf32, #tpu.memory_space<hbm>>
    %dma_start3A_89 = arith.constant 0 : i32
    %dma_start3A_90 = arith.constant 0 : i32
    %dma_start3A_91 = tpu.memref_slice %arg5[%dma_start3A_80, %dma_start3A_89, %dma_start3A_90] : memref<2x32x1000xf32, #tpu.memory_space<vmem>> -> memref<1x32x1000xf32, #tpu.memory_space<vmem>>
    %dma_start3A_92 = tpu.memref_squeeze %dma_start3A_91 : memref<1x32x1000xf32, #tpu.memory_space<vmem>> -> memref<32x1000xf32, #tpu.memory_space<vmem>>
    tpu.enqueue_dma source(%dma_start3A_92 : memref<32x1000xf32, #tpu.memory_space<vmem>>) target(%dma_start3A_88 : memref<32x1000xf32, #tpu.memory_space<hbm>>) target_semaphore(%arg6 : memref<!tpu.dma_semaphore, #tpu.memory_space<semaphore_mem>>)
    %dma_wait3A_93 = arith.constant 0 : i32
    %dma_wait3A_94 = arith.constant 0 : i32
    %dma_wait3A_95 = arith.constant 0 : i32
    %dma_wait3A_96 = tpu.memref_slice %arg5[%dma_wait3A_93, %dma_wait3A_94, %dma_wait3A_95] : memref<2x32x1000xf32, #tpu.memory_space<vmem>> -> memref<1x32x1000xf32, #tpu.memory_space<vmem>>
    %dma_wait3A_97 = tpu.memref_squeeze %dma_wait3A_96 : memref<1x32x1000xf32, #tpu.memory_space<vmem>> -> memref<32x1000xf32, #tpu.memory_space<vmem>>
    %dma_wait3A_98 = arith.constant 0 : i32
    %dma_wait3A_99 = tpu.memref_slice %arg4[%mul3A_49, %dma_wait3A_98] : memref<51200x1000xf32, #tpu.memory_space<hbm>> -> memref<32x1000xf32, #tpu.memory_space<hbm>>
    %dma_wait3A_100 = arith.constant 0 : i32
    %dma_wait3A_101 = tpu.memref_slice %arg4[%mul3A_49, %dma_wait3A_100] : memref<51200x1000xf32, #tpu.memory_space<hbm>> -> memref<32x1000xf32, #tpu.memory_space<hbm>>
    %dma_wait3A_102 = arith.constant 0 : i32
    %dma_wait3A_103 = arith.constant 0 : i32
    %dma_wait3A_104 = tpu.memref_slice %arg5[%dma_wait3A_93, %dma_wait3A_102, %dma_wait3A_103] : memref<2x32x1000xf32, #tpu.memory_space<vmem>> -> memref<1x32x1000xf32, #tpu.memory_space<vmem>>
    %dma_wait3A_105 = tpu.memref_squeeze %dma_wait3A_104 : memref<1x32x1000xf32, #tpu.memory_space<vmem>> -> memref<32x1000xf32, #tpu.memory_space<vmem>>
    tpu.wait_dma2 semaphore(%arg6 : memref<!tpu.dma_semaphore, #tpu.memory_space<semaphore_mem>>) src(%dma_wait3A_105 : memref<32x1000xf32, #tpu.memory_space<vmem>>) dst(%dma_wait3A_101 : memref<32x1000xf32, #tpu.memory_space<hbm>>)
    %add3A_106 = arith.constant 128 : i32
    %add3A_107 = arith.addi %add3A_106, %add3A : i32
    %mul3A_108 = arith.constant 32 : i32
    %mul3A_109 = arith.muli %add3A_107, %mul3A_108 : i32
    %dma_start3A_110 = arith.constant 0 : i32
    %dma_start3A_111 = arith.constant 0 : i32
    %dma_start3A_112 = arith.constant 0 : i32
    %dma_start3A_113 = tpu.memref_slice %arg5[%dma_start3A_110, %dma_start3A_111, %dma_start3A_112] : memref<2x32x1000xf32, #tpu.memory_space<vmem>> -> memref<1x32x1000xf32, #tpu.memory_space<vmem>>
    %dma_start3A_114 = tpu.memref_squeeze %dma_start3A_113 : memref<1x32x1000xf32, #tpu.memory_space<vmem>> -> memref<32x1000xf32, #tpu.memory_space<vmem>>
    %dma_start3A_115 = arith.constant 0 : i32
    %dma_start3A_116 = tpu.memref_slice %arg4[%mul3A_109, %dma_start3A_115] : memref<51200x1000xf32, #tpu.memory_space<hbm>> -> memref<32x1000xf32, #tpu.memory_space<hbm>>
    %dma_start3A_117 = arith.constant 0 : i32
    %dma_start3A_118 = tpu.memref_slice %arg4[%mul3A_109, %dma_start3A_117] : memref<51200x1000xf32, #tpu.memory_space<hbm>> -> memref<32x1000xf32, #tpu.memory_space<hbm>>
    %dma_start3A_119 = arith.constant 0 : i32
    %dma_start3A_120 = arith.constant 0 : i32
    %dma_start3A_121 = tpu.memref_slice %arg5[%dma_start3A_110, %dma_start3A_119, %dma_start3A_120] : memref<2x32x1000xf32, #tpu.memory_space<vmem>> -> memref<1x32x1000xf32, #tpu.memory_space<vmem>>
    %dma_start3A_122 = tpu.memref_squeeze %dma_start3A_121 : memref<1x32x1000xf32, #tpu.memory_space<vmem>> -> memref<32x1000xf32, #tpu.memory_space<vmem>>
    tpu.enqueue_dma source(%dma_start3A_122 : memref<32x1000xf32, #tpu.memory_space<vmem>>) target(%dma_start3A_118 : memref<32x1000xf32, #tpu.memory_space<hbm>>) target_semaphore(%arg6 : memref<!tpu.dma_semaphore, #tpu.memory_space<semaphore_mem>>)
    %dma_wait3A_123 = arith.constant 1 : i32
    %dma_wait3A_124 = arith.constant 0 : i32
    %dma_wait3A_125 = arith.constant 0 : i32
    %dma_wait3A_126 = tpu.memref_slice %arg5[%dma_wait3A_123, %dma_wait3A_124, %dma_wait3A_125] : memref<2x32x1000xf32, #tpu.memory_space<vmem>> -> memref<1x32x1000xf32, #tpu.memory_space<vmem>>
    %dma_wait3A_127 = tpu.memref_squeeze %dma_wait3A_126 : memref<1x32x1000xf32, #tpu.memory_space<vmem>> -> memref<32x1000xf32, #tpu.memory_space<vmem>>
    %dma_wait3A_128 = arith.constant 0 : i32
    %dma_wait3A_129 = tpu.memref_slice %arg4[%mul3A_79, %dma_wait3A_128] : memref<51200x1000xf32, #tpu.memory_space<hbm>> -> memref<32x1000xf32, #tpu.memory_space<hbm>>
    %dma_wait3A_130 = arith.constant 0 : i32
    %dma_wait3A_131 = tpu.memref_slice %arg4[%mul3A_79, %dma_wait3A_130] : memref<51200x1000xf32, #tpu.memory_space<hbm>> -> memref<32x1000xf32, #tpu.memory_space<hbm>>
    %dma_wait3A_132 = arith.constant 0 : i32
    %dma_wait3A_133 = arith.constant 0 : i32
    %dma_wait3A_134 = tpu.memref_slice %arg5[%dma_wait3A_123, %dma_wait3A_132, %dma_wait3A_133] : memref<2x32x1000xf32, #tpu.memory_space<vmem>> -> memref<1x32x1000xf32, #tpu.memory_space<vmem>>
    %dma_wait3A_135 = tpu.memref_squeeze %dma_wait3A_134 : memref<1x32x1000xf32, #tpu.memory_space<vmem>> -> memref<32x1000xf32, #tpu.memory_space<vmem>>
    tpu.wait_dma2 semaphore(%arg6 : memref<!tpu.dma_semaphore, #tpu.memory_space<semaphore_mem>>) src(%dma_wait3A_135 : memref<32x1000xf32, #tpu.memory_space<vmem>>) dst(%dma_wait3A_131 : memref<32x1000xf32, #tpu.memory_space<hbm>>)
    %add3A_136 = arith.constant 160 : i32
    %add3A_137 = arith.addi %add3A_136, %add3A : i32
    %mul3A_138 = arith.constant 32 : i32
    %mul3A_139 = arith.muli %add3A_137, %mul3A_138 : i32
    %dma_start3A_140 = arith.constant 1 : i32
    %dma_start3A_141 = arith.constant 0 : i32
    %dma_start3A_142 = arith.constant 0 : i32
    %dma_start3A_143 = tpu.memref_slice %arg5[%dma_start3A_140, %dma_start3A_141, %dma_start3A_142] : memref<2x32x1000xf32, #tpu.memory_space<vmem>> -> memref<1x32x1000xf32, #tpu.memory_space<vmem>>
    %dma_start3A_144 = tpu.memref_squeeze %dma_start3A_143 : memref<1x32x1000xf32, #tpu.memory_space<vmem>> -> memref<32x1000xf32, #tpu.memory_space<vmem>>
    %dma_start3A_145 = arith.constant 0 : i32
    %dma_start3A_146 = tpu.memref_slice %arg4[%mul3A_139, %dma_start3A_145] : memref<51200x1000xf32, #tpu.memory_space<hbm>> -> memref<32x1000xf32, #tpu.memory_space<hbm>>
    %dma_start3A_147 = arith.constant 0 : i32
    %dma_start3A_148 = tpu.memref_slice %arg4[%mul3A_139, %dma_start3A_147] : memref<51200x1000xf32, #tpu.memory_space<hbm>> -> memref<32x1000xf32, #tpu.memory_space<hbm>>
    %dma_start3A_149 = arith.constant 0 : i32
    %dma_start3A_150 = arith.constant 0 : i32
    %dma_start3A_151 = tpu.memref_slice %arg5[%dma_start3A_140, %dma_start3A_149, %dma_start3A_150] : memref<2x32x1000xf32, #tpu.memory_space<vmem>> -> memref<1x32x1000xf32, #tpu.memory_space<vmem>>
    %dma_start3A_152 = tpu.memref_squeeze %dma_start3A_151 : memref<1x32x1000xf32, #tpu.memory_space<vmem>> -> memref<32x1000xf32, #tpu.memory_space<vmem>>
    tpu.enqueue_dma source(%dma_start3A_152 : memref<32x1000xf32, #tpu.memory_space<vmem>>) target(%dma_start3A_148 : memref<32x1000xf32, #tpu.memory_space<hbm>>) target_semaphore(%arg6 : memref<!tpu.dma_semaphore, #tpu.memory_space<semaphore_mem>>)
    %dma_wait3A_153 = arith.constant 0 : i32
    %dma_wait3A_154 = arith.constant 0 : i32
    %dma_wait3A_155 = arith.constant 0 : i32
    %dma_wait3A_156 = tpu.memref_slice %arg5[%dma_wait3A_153, %dma_wait3A_154, %dma_wait3A_155] : memref<2x32x1000xf32, #tpu.memory_space<vmem>> -> memref<1x32x1000xf32, #tpu.memory_space<vmem>>
    %dma_wait3A_157 = tpu.memref_squeeze %dma_wait3A_156 : memref<1x32x1000xf32, #tpu.memory_space<vmem>> -> memref<32x1000xf32, #tpu.memory_space<vmem>>
    %dma_wait3A_158 = arith.constant 0 : i32
    %dma_wait3A_159 = tpu.memref_slice %arg4[%mul3A_109, %dma_wait3A_158] : memref<51200x1000xf32, #tpu.memory_space<hbm>> -> memref<32x1000xf32, #tpu.memory_space<hbm>>
    %dma_wait3A_160 = arith.constant 0 : i32
    %dma_wait3A_161 = tpu.memref_slice %arg4[%mul3A_109, %dma_wait3A_160] : memref<51200x1000xf32, #tpu.memory_space<hbm>> -> memref<32x1000xf32, #tpu.memory_space<hbm>>
    %dma_wait3A_162 = arith.constant 0 : i32
    %dma_wait3A_163 = arith.constant 0 : i32
    %dma_wait3A_164 = tpu.memref_slice %arg5[%dma_wait3A_153, %dma_wait3A_162, %dma_wait3A_163] : memref<2x32x1000xf32, #tpu.memory_space<vmem>> -> memref<1x32x1000xf32, #tpu.memory_space<vmem>>
    %dma_wait3A_165 = tpu.memref_squeeze %dma_wait3A_164 : memref<1x32x1000xf32, #tpu.memory_space<vmem>> -> memref<32x1000xf32, #tpu.memory_space<vmem>>
    tpu.wait_dma2 semaphore(%arg6 : memref<!tpu.dma_semaphore, #tpu.memory_space<semaphore_mem>>) src(%dma_wait3A_165 : memref<32x1000xf32, #tpu.memory_space<vmem>>) dst(%dma_wait3A_161 : memref<32x1000xf32, #tpu.memory_space<hbm>>)
    %add3A_166 = arith.constant 192 : i32
    %add3A_167 = arith.addi %add3A_166, %add3A : i32
    %mul3A_168 = arith.constant 32 : i32
    %mul3A_169 = arith.muli %add3A_167, %mul3A_168 : i32
    %dma_start3A_170 = arith.constant 0 : i32
    %dma_start3A_171 = arith.constant 0 : i32
    %dma_start3A_172 = arith.constant 0 : i32
    %dma_start3A_173 = tpu.memref_slice %arg5[%dma_start3A_170, %dma_start3A_171, %dma_start3A_172] : memref<2x32x1000xf32, #tpu.memory_space<vmem>> -> memref<1x32x1000xf32, #tpu.memory_space<vmem>>
    %dma_start3A_174 = tpu.memref_squeeze %dma_start3A_173 : memref<1x32x1000xf32, #tpu.memory_space<vmem>> -> memref<32x1000xf32, #tpu.memory_space<vmem>>
    %dma_start3A_175 = arith.constant 0 : i32
    %dma_start3A_176 = tpu.memref_slice %arg4[%mul3A_169, %dma_start3A_175] : memref<51200x1000xf32, #tpu.memory_space<hbm>> -> memref<32x1000xf32, #tpu.memory_space<hbm>>
    %dma_start3A_177 = arith.constant 0 : i32
    %dma_start3A_178 = tpu.memref_slice %arg4[%mul3A_169, %dma_start3A_177] : memref<51200x1000xf32, #tpu.memory_space<hbm>> -> memref<32x1000xf32, #tpu.memory_space<hbm>>
    %dma_start3A_179 = arith.constant 0 : i32
    %dma_start3A_180 = arith.constant 0 : i32
    %dma_start3A_181 = tpu.memref_slice %arg5[%dma_start3A_170, %dma_start3A_179, %dma_start3A_180] : memref<2x32x1000xf32, #tpu.memory_space<vmem>> -> memref<1x32x1000xf32, #tpu.memory_space<vmem>>
    %dma_start3A_182 = tpu.memref_squeeze %dma_start3A_181 : memref<1x32x1000xf32, #tpu.memory_space<vmem>> -> memref<32x1000xf32, #tpu.memory_space<vmem>>
    tpu.enqueue_dma source(%dma_start3A_182 : memref<32x1000xf32, #tpu.memory_space<vmem>>) target(%dma_start3A_178 : memref<32x1000xf32, #tpu.memory_space<hbm>>) target_semaphore(%arg6 : memref<!tpu.dma_semaphore, #tpu.memory_space<semaphore_mem>>)
    %dma_wait3A_183 = arith.constant 1 : i32
    %dma_wait3A_184 = arith.constant 0 : i32
    %dma_wait3A_185 = arith.constant 0 : i32
    %dma_wait3A_186 = tpu.memref_slice %arg5[%dma_wait3A_183, %dma_wait3A_184, %dma_wait3A_185] : memref<2x32x1000xf32, #tpu.memory_space<vmem>> -> memref<1x32x1000xf32, #tpu.memory_space<vmem>>
    %dma_wait3A_187 = tpu.memref_squeeze %dma_wait3A_186 : memref<1x32x1000xf32, #tpu.memory_space<vmem>> -> memref<32x1000xf32, #tpu.memory_space<vmem>>
    %dma_wait3A_188 = arith.constant 0 : i32
    %dma_wait3A_189 = tpu.memref_slice %arg4[%mul3A_139, %dma_wait3A_188] : memref<51200x1000xf32, #tpu.memory_space<hbm>> -> memref<32x1000xf32, #tpu.memory_space<hbm>>
    %dma_wait3A_190 = arith.constant 0 : i32
    %dma_wait3A_191 = tpu.memref_slice %arg4[%mul3A_139, %dma_wait3A_190] : memref<51200x1000xf32, #tpu.memory_space<hbm>> -> memref<32x1000xf32, #tpu.memory_space<hbm>>
    %dma_wait3A_192 = arith.constant 0 : i32
    %dma_wait3A_193 = arith.constant 0 : i32
    %dma_wait3A_194 = tpu.memref_slice %arg5[%dma_wait3A_183, %dma_wait3A_192, %dma_wait3A_193] : memref<2x32x1000xf32, #tpu.memory_space<vmem>> -> memref<1x32x1000xf32, #tpu.memory_space<vmem>>
    %dma_wait3A_195 = tpu.memref_squeeze %dma_wait3A_194 : memref<1x32x1000xf32, #tpu.memory_space<vmem>> -> memref<32x1000xf32, #tpu.memory_space<vmem>>
    tpu.wait_dma2 semaphore(%arg6 : memref<!tpu.dma_semaphore, #tpu.memory_space<semaphore_mem>>) src(%dma_wait3A_195 : memref<32x1000xf32, #tpu.memory_space<vmem>>) dst(%dma_wait3A_191 : memref<32x1000xf32, #tpu.memory_space<hbm>>)
    %add3A_196 = arith.constant 224 : i32
    %add3A_197 = arith.addi %add3A_196, %add3A : i32
    %mul3A_198 = arith.constant 32 : i32
    %mul3A_199 = arith.muli %add3A_197, %mul3A_198 : i32
    %dma_start3A_200 = arith.constant 1 : i32
    %dma_start3A_201 = arith.constant 0 : i32
    %dma_start3A_202 = arith.constant 0 : i32
    %dma_start3A_203 = tpu.memref_slice %arg5[%dma_start3A_200, %dma_start3A_201, %dma_start3A_202] : memref<2x32x1000xf32, #tpu.memory_space<vmem>> -> memref<1x32x1000xf32, #tpu.memory_space<vmem>>
    %dma_start3A_204 = tpu.memref_squeeze %dma_start3A_203 : memref<1x32x1000xf32, #tpu.memory_space<vmem>> -> memref<32x1000xf32, #tpu.memory_space<vmem>>
    %dma_start3A_205 = arith.constant 0 : i32
    %dma_start3A_206 = tpu.memref_slice %arg4[%mul3A_199, %dma_start3A_205] : memref<51200x1000xf32, #tpu.memory_space<hbm>> -> memref<32x1000xf32, #tpu.memory_space<hbm>>
    %dma_start3A_207 = arith.constant 0 : i32
    %dma_start3A_208 = tpu.memref_slice %arg4[%mul3A_199, %dma_start3A_207] : memref<51200x1000xf32, #tpu.memory_space<hbm>> -> memref<32x1000xf32, #tpu.memory_space<hbm>>
    %dma_start3A_209 = arith.constant 0 : i32
    %dma_start3A_210 = arith.constant 0 : i32
    %dma_start3A_211 = tpu.memref_slice %arg5[%dma_start3A_200, %dma_start3A_209, %dma_start3A_210] : memref<2x32x1000xf32, #tpu.memory_space<vmem>> -> memref<1x32x1000xf32, #tpu.memory_space<vmem>>
    %dma_start3A_212 = tpu.memref_squeeze %dma_start3A_211 : memref<1x32x1000xf32, #tpu.memory_space<vmem>> -> memref<32x1000xf32, #tpu.memory_space<vmem>>
    tpu.enqueue_dma source(%dma_start3A_212 : memref<32x1000xf32, #tpu.memory_space<vmem>>) target(%dma_start3A_208 : memref<32x1000xf32, #tpu.memory_space<hbm>>) target_semaphore(%arg6 : memref<!tpu.dma_semaphore, #tpu.memory_space<semaphore_mem>>)
    %dma_wait3A_213 = arith.constant 0 : i32
    %dma_wait3A_214 = arith.constant 0 : i32
    %dma_wait3A_215 = arith.constant 0 : i32
    %dma_wait3A_216 = tpu.memref_slice %arg5[%dma_wait3A_213, %dma_wait3A_214, %dma_wait3A_215] : memref<2x32x1000xf32, #tpu.memory_space<vmem>> -> memref<1x32x1000xf32, #tpu.memory_space<vmem>>
    %dma_wait3A_217 = tpu.memref_squeeze %dma_wait3A_216 : memref<1x32x1000xf32, #tpu.memory_space<vmem>> -> memref<32x1000xf32, #tpu.memory_space<vmem>>
    %dma_wait3A_218 = arith.constant 0 : i32
    %dma_wait3A_219 = tpu.memref_slice %arg4[%mul3A_169, %dma_wait3A_218] : memref<51200x1000xf32, #tpu.memory_space<hbm>> -> memref<32x1000xf32, #tpu.memory_space<hbm>>
    %dma_wait3A_220 = arith.constant 0 : i32
    %dma_wait3A_221 = tpu.memref_slice %arg4[%mul3A_169, %dma_wait3A_220] : memref<51200x1000xf32, #tpu.memory_space<hbm>> -> memref<32x1000xf32, #tpu.memory_space<hbm>>
    %dma_wait3A_222 = arith.constant 0 : i32
    %dma_wait3A_223 = arith.constant 0 : i32
    %dma_wait3A_224 = tpu.memref_slice %arg5[%dma_wait3A_213, %dma_wait3A_222, %dma_wait3A_223] : memref<2x32x1000xf32, #tpu.memory_space<vmem>> -> memref<1x32x1000xf32, #tpu.memory_space<vmem>>
    %dma_wait3A_225 = tpu.memref_squeeze %dma_wait3A_224 : memref<1x32x1000xf32, #tpu.memory_space<vmem>> -> memref<32x1000xf32, #tpu.memory_space<vmem>>
    tpu.wait_dma2 semaphore(%arg6 : memref<!tpu.dma_semaphore, #tpu.memory_space<semaphore_mem>>) src(%dma_wait3A_225 : memref<32x1000xf32, #tpu.memory_space<vmem>>) dst(%dma_wait3A_221 : memref<32x1000xf32, #tpu.memory_space<hbm>>)
    %add3A_226 = arith.constant 256 : i32
    %add3A_227 = arith.addi %add3A_226, %add3A : i32
    %mul3A_228 = arith.constant 32 : i32
    %mul3A_229 = arith.muli %add3A_227, %mul3A_228 : i32
    %dma_start3A_230 = arith.constant 0 : i32
    %dma_start3A_231 = arith.constant 0 : i32
    %dma_start3A_232 = arith.constant 0 : i32
    %dma_start3A_233 = tpu.memref_slice %arg5[%dma_start3A_230, %dma_start3A_231, %dma_start3A_232] : memref<2x32x1000xf32, #tpu.memory_space<vmem>> -> memref<1x32x1000xf32, #tpu.memory_space<vmem>>
    %dma_start3A_234 = tpu.memref_squeeze %dma_start3A_233 : memref<1x32x1000xf32, #tpu.memory_space<vmem>> -> memref<32x1000xf32, #tpu.memory_space<vmem>>
    %dma_start3A_235 = arith.constant 0 : i32
    %dma_start3A_236 = tpu.memref_slice %arg4[%mul3A_229, %dma_start3A_235] : memref<51200x1000xf32, #tpu.memory_space<hbm>> -> memref<32x1000xf32, #tpu.memory_space<hbm>>
    %dma_start3A_237 = arith.constant 0 : i32
    %dma_start3A_238 = tpu.memref_slice %arg4[%mul3A_229, %dma_start3A_237] : memref<51200x1000xf32, #tpu.memory_space<hbm>> -> memref<32x1000xf32, #tpu.memory_space<hbm>>
    %dma_start3A_239 = arith.constant 0 : i32
    %dma_start3A_240 = arith.constant 0 : i32
    %dma_start3A_241 = tpu.memref_slice %arg5[%dma_start3A_230, %dma_start3A_239, %dma_start3A_240] : memref<2x32x1000xf32, #tpu.memory_space<vmem>> -> memref<1x32x1000xf32, #tpu.memory_space<vmem>>
    %dma_start3A_242 = tpu.memref_squeeze %dma_start3A_241 : memref<1x32x1000xf32, #tpu.memory_space<vmem>> -> memref<32x1000xf32, #tpu.memory_space<vmem>>
    tpu.enqueue_dma source(%dma_start3A_242 : memref<32x1000xf32, #tpu.memory_space<vmem>>) target(%dma_start3A_238 : memref<32x1000xf32, #tpu.memory_space<hbm>>) target_semaphore(%arg6 : memref<!tpu.dma_semaphore, #tpu.memory_space<semaphore_mem>>)
    %dma_wait3A_243 = arith.constant 1 : i32
    %dma_wait3A_244 = arith.constant 0 : i32
    %dma_wait3A_245 = arith.constant 0 : i32
    %dma_wait3A_246 = tpu.memref_slice %arg5[%dma_wait3A_243, %dma_wait3A_244, %dma_wait3A_245] : memref<2x32x1000xf32, #tpu.memory_space<vmem>> -> memref<1x32x1000xf32, #tpu.memory_space<vmem>>
    %dma_wait3A_247 = tpu.memref_squeeze %dma_wait3A_246 : memref<1x32x1000xf32, #tpu.memory_space<vmem>> -> memref<32x1000xf32, #tpu.memory_space<vmem>>
    %dma_wait3A_248 = arith.constant 0 : i32
    %dma_wait3A_249 = tpu.memref_slice %arg4[%mul3A_199, %dma_wait3A_248] : memref<51200x1000xf32, #tpu.memory_space<hbm>> -> memref<32x1000xf32, #tpu.memory_space<hbm>>
    %dma_wait3A_250 = arith.constant 0 : i32
    %dma_wait3A_251 = tpu.memref_slice %arg4[%mul3A_199, %dma_wait3A_250] : memref<51200x1000xf32, #tpu.memory_space<hbm>> -> memref<32x1000xf32, #tpu.memory_space<hbm>>
    %dma_wait3A_252 = arith.constant 0 : i32
    %dma_wait3A_253 = arith.constant 0 : i32
    %dma_wait3A_254 = tpu.memref_slice %arg5[%dma_wait3A_243, %dma_wait3A_252, %dma_wait3A_253] : memref<2x32x1000xf32, #tpu.memory_space<vmem>> -> memref<1x32x1000xf32, #tpu.memory_space<vmem>>
    %dma_wait3A_255 = tpu.memref_squeeze %dma_wait3A_254 : memref<1x32x1000xf32, #tpu.memory_space<vmem>> -> memref<32x1000xf32, #tpu.memory_space<vmem>>
    tpu.wait_dma2 semaphore(%arg6 : memref<!tpu.dma_semaphore, #tpu.memory_space<semaphore_mem>>) src(%dma_wait3A_255 : memref<32x1000xf32, #tpu.memory_space<vmem>>) dst(%dma_wait3A_251 : memref<32x1000xf32, #tpu.memory_space<hbm>>)
    %add3A_256 = arith.constant 288 : i32
    %add3A_257 = arith.addi %add3A_256, %add3A : i32
    %mul3A_258 = arith.constant 32 : i32
    %mul3A_259 = arith.muli %add3A_257, %mul3A_258 : i32
    %dma_start3A_260 = arith.constant 1 : i32
    %dma_start3A_261 = arith.constant 0 : i32
    %dma_start3A_262 = arith.constant 0 : i32
    %dma_start3A_263 = tpu.memref_slice %arg5[%dma_start3A_260, %dma_start3A_261, %dma_start3A_262] : memref<2x32x1000xf32, #tpu.memory_space<vmem>> -> memref<1x32x1000xf32, #tpu.memory_space<vmem>>
    %dma_start3A_264 = tpu.memref_squeeze %dma_start3A_263 : memref<1x32x1000xf32, #tpu.memory_space<vmem>> -> memref<32x1000xf32, #tpu.memory_space<vmem>>
    %dma_start3A_265 = arith.constant 0 : i32
    %dma_start3A_266 = tpu.memref_slice %arg4[%mul3A_259, %dma_start3A_265] : memref<51200x1000xf32, #tpu.memory_space<hbm>> -> memref<32x1000xf32, #tpu.memory_space<hbm>>
    %dma_start3A_267 = arith.constant 0 : i32
    %dma_start3A_268 = tpu.memref_slice %arg4[%mul3A_259, %dma_start3A_267] : memref<51200x1000xf32, #tpu.memory_space<hbm>> -> memref<32x1000xf32, #tpu.memory_space<hbm>>
    %dma_start3A_269 = arith.constant 0 : i32
    %dma_start3A_270 = arith.constant 0 : i32
    %dma_start3A_271 = tpu.memref_slice %arg5[%dma_start3A_260, %dma_start3A_269, %dma_start3A_270] : memref<2x32x1000xf32, #tpu.memory_space<vmem>> -> memref<1x32x1000xf32, #tpu.memory_space<vmem>>
    %dma_start3A_272 = tpu.memref_squeeze %dma_start3A_271 : memref<1x32x1000xf32, #tpu.memory_space<vmem>> -> memref<32x1000xf32, #tpu.memory_space<vmem>>
    tpu.enqueue_dma source(%dma_start3A_272 : memref<32x1000xf32, #tpu.memory_space<vmem>>) target(%dma_start3A_268 : memref<32x1000xf32, #tpu.memory_space<hbm>>) target_semaphore(%arg6 : memref<!tpu.dma_semaphore, #tpu.memory_space<semaphore_mem>>)
    %dma_wait3A_273 = arith.constant 0 : i32
    %dma_wait3A_274 = arith.constant 0 : i32
    %dma_wait3A_275 = arith.constant 0 : i32
    %dma_wait3A_276 = tpu.memref_slice %arg5[%dma_wait3A_273, %dma_wait3A_274, %dma_wait3A_275] : memref<2x32x1000xf32, #tpu.memory_space<vmem>> -> memref<1x32x1000xf32, #tpu.memory_space<vmem>>
    %dma_wait3A_277 = tpu.memref_squeeze %dma_wait3A_276 : memref<1x32x1000xf32, #tpu.memory_space<vmem>> -> memref<32x1000xf32, #tpu.memory_space<vmem>>
    %dma_wait3A_278 = arith.constant 0 : i32
    %dma_wait3A_279 = tpu.memref_slice %arg4[%mul3A_229, %dma_wait3A_278] : memref<51200x1000xf32, #tpu.memory_space<hbm>> -> memref<32x1000xf32, #tpu.memory_space<hbm>>
    %dma_wait3A_280 = arith.constant 0 : i32
    %dma_wait3A_281 = tpu.memref_slice %arg4[%mul3A_229, %dma_wait3A_280] : memref<51200x1000xf32, #tpu.memory_space<hbm>> -> memref<32x1000xf32, #tpu.memory_space<hbm>>
    %dma_wait3A_282 = arith.constant 0 : i32
    %dma_wait3A_283 = arith.constant 0 : i32
    %dma_wait3A_284 = tpu.memref_slice %arg5[%dma_wait3A_273, %dma_wait3A_282, %dma_wait3A_283] : memref<2x32x1000xf32, #tpu.memory_space<vmem>> -> memref<1x32x1000xf32, #tpu.memory_space<vmem>>
    %dma_wait3A_285 = tpu.memref_squeeze %dma_wait3A_284 : memref<1x32x1000xf32, #tpu.memory_space<vmem>> -> memref<32x1000xf32, #tpu.memory_space<vmem>>
    tpu.wait_dma2 semaphore(%arg6 : memref<!tpu.dma_semaphore, #tpu.memory_space<semaphore_mem>>) src(%dma_wait3A_285 : memref<32x1000xf32, #tpu.memory_space<vmem>>) dst(%dma_wait3A_281 : memref<32x1000xf32, #tpu.memory_space<hbm>>)
    %add3A_286 = arith.constant 320 : i32
    %add3A_287 = arith.addi %add3A_286, %add3A : i32
    %mul3A_288 = arith.constant 32 : i32
    %mul3A_289 = arith.muli %add3A_287, %mul3A_288 : i32
    %dma_start3A_290 = arith.constant 0 : i32
    %dma_start3A_291 = arith.constant 0 : i32
    %dma_start3A_292 = arith.constant 0 : i32
    %dma_start3A_293 = tpu.memref_slice %arg5[%dma_start3A_290, %dma_start3A_291, %dma_start3A_292] : memref<2x32x1000xf32, #tpu.memory_space<vmem>> -> memref<1x32x1000xf32, #tpu.memory_space<vmem>>
    %dma_start3A_294 = tpu.memref_squeeze %dma_start3A_293 : memref<1x32x1000xf32, #tpu.memory_space<vmem>> -> memref<32x1000xf32, #tpu.memory_space<vmem>>
    %dma_start3A_295 = arith.constant 0 : i32
    %dma_start3A_296 = tpu.memref_slice %arg4[%mul3A_289, %dma_start3A_295] : memref<51200x1000xf32, #tpu.memory_space<hbm>> -> memref<32x1000xf32, #tpu.memory_space<hbm>>
    %dma_start3A_297 = arith.constant 0 : i32
    %dma_start3A_298 = tpu.memref_slice %arg4[%mul3A_289, %dma_start3A_297] : memref<51200x1000xf32, #tpu.memory_space<hbm>> -> memref<32x1000xf32, #tpu.memory_space<hbm>>
    %dma_start3A_299 = arith.constant 0 : i32
    %dma_start3A_300 = arith.constant 0 : i32
    %dma_start3A_301 = tpu.memref_slice %arg5[%dma_start3A_290, %dma_start3A_299, %dma_start3A_300] : memref<2x32x1000xf32, #tpu.memory_space<vmem>> -> memref<1x32x1000xf32, #tpu.memory_space<vmem>>
    %dma_start3A_302 = tpu.memref_squeeze %dma_start3A_301 : memref<1x32x1000xf32, #tpu.memory_space<vmem>> -> memref<32x1000xf32, #tpu.memory_space<vmem>>
    tpu.enqueue_dma source(%dma_start3A_302 : memref<32x1000xf32, #tpu.memory_space<vmem>>) target(%dma_start3A_298 : memref<32x1000xf32, #tpu.memory_space<hbm>>) target_semaphore(%arg6 : memref<!tpu.dma_semaphore, #tpu.memory_space<semaphore_mem>>)
    %dma_wait3A_303 = arith.constant 1 : i32
    %dma_wait3A_304 = arith.constant 0 : i32
    %dma_wait3A_305 = arith.constant 0 : i32
    %dma_wait3A_306 = tpu.memref_slice %arg5[%dma_wait3A_303, %dma_wait3A_304, %dma_wait3A_305] : memref<2x32x1000xf32, #tpu.memory_space<vmem>> -> memref<1x32x1000xf32, #tpu.memory_space<vmem>>
    %dma_wait3A_307 = tpu.memref_squeeze %dma_wait3A_306 : memref<1x32x1000xf32, #tpu.memory_space<vmem>> -> memref<32x1000xf32, #tpu.memory_space<vmem>>
    %dma_wait3A_308 = arith.constant 0 : i32
    %dma_wait3A_309 = tpu.memref_slice %arg4[%mul3A_259, %dma_wait3A_308] : memref<51200x1000xf32, #tpu.memory_space<hbm>> -> memref<32x1000xf32, #tpu.memory_space<hbm>>
    %dma_wait3A_310 = arith.constant 0 : i32
    %dma_wait3A_311 = tpu.memref_slice %arg4[%mul3A_259, %dma_wait3A_310] : memref<51200x1000xf32, #tpu.memory_space<hbm>> -> memref<32x1000xf32, #tpu.memory_space<hbm>>
    %dma_wait3A_312 = arith.constant 0 : i32
    %dma_wait3A_313 = arith.constant 0 : i32
    %dma_wait3A_314 = tpu.memref_slice %arg5[%dma_wait3A_303, %dma_wait3A_312, %dma_wait3A_313] : memref<2x32x1000xf32, #tpu.memory_space<vmem>> -> memref<1x32x1000xf32, #tpu.memory_space<vmem>>
    %dma_wait3A_315 = tpu.memref_squeeze %dma_wait3A_314 : memref<1x32x1000xf32, #tpu.memory_space<vmem>> -> memref<32x1000xf32, #tpu.memory_space<vmem>>
    tpu.wait_dma2 semaphore(%arg6 : memref<!tpu.dma_semaphore, #tpu.memory_space<semaphore_mem>>) src(%dma_wait3A_315 : memref<32x1000xf32, #tpu.memory_space<vmem>>) dst(%dma_wait3A_311 : memref<32x1000xf32, #tpu.memory_space<hbm>>)
    %add3A_316 = arith.constant 352 : i32
    %add3A_317 = arith.addi %add3A_316, %add3A : i32
    %mul3A_318 = arith.constant 32 : i32
    %mul3A_319 = arith.muli %add3A_317, %mul3A_318 : i32
    %dma_start3A_320 = arith.constant 1 : i32
    %dma_start3A_321 = arith.constant 0 : i32
    %dma_start3A_322 = arith.constant 0 : i32
    %dma_start3A_323 = tpu.memref_slice %arg5[%dma_start3A_320, %dma_start3A_321, %dma_start3A_322] : memref<2x32x1000xf32, #tpu.memory_space<vmem>> -> memref<1x32x1000xf32, #tpu.memory_space<vmem>>
    %dma_start3A_324 = tpu.memref_squeeze %dma_start3A_323 : memref<1x32x1000xf32, #tpu.memory_space<vmem>> -> memref<32x1000xf32, #tpu.memory_space<vmem>>
    %dma_start3A_325 = arith.constant 0 : i32
    %dma_start3A_326 = tpu.memref_slice %arg4[%mul3A_319, %dma_start3A_325] : memref<51200x1000xf32, #tpu.memory_space<hbm>> -> memref<32x1000xf32, #tpu.memory_space<hbm>>
    %dma_start3A_327 = arith.constant 0 : i32
    %dma_start3A_328 = tpu.memref_slice %arg4[%mul3A_319, %dma_start3A_327] : memref<51200x1000xf32, #tpu.memory_space<hbm>> -> memref<32x1000xf32, #tpu.memory_space<hbm>>
    %dma_start3A_329 = arith.constant 0 : i32
    %dma_start3A_330 = arith.constant 0 : i32
    %dma_start3A_331 = tpu.memref_slice %arg5[%dma_start3A_320, %dma_start3A_329, %dma_start3A_330] : memref<2x32x1000xf32, #tpu.memory_space<vmem>> -> memref<1x32x1000xf32, #tpu.memory_space<vmem>>
    %dma_start3A_332 = tpu.memref_squeeze %dma_start3A_331 : memref<1x32x1000xf32, #tpu.memory_space<vmem>> -> memref<32x1000xf32, #tpu.memory_space<vmem>>
    tpu.enqueue_dma source(%dma_start3A_332 : memref<32x1000xf32, #tpu.memory_space<vmem>>) target(%dma_start3A_328 : memref<32x1000xf32, #tpu.memory_space<hbm>>) target_semaphore(%arg6 : memref<!tpu.dma_semaphore, #tpu.memory_space<semaphore_mem>>)
    %dma_wait3A_333 = arith.constant 0 : i32
    %dma_wait3A_334 = arith.constant 0 : i32
    %dma_wait3A_335 = arith.constant 0 : i32
    %dma_wait3A_336 = tpu.memref_slice %arg5[%dma_wait3A_333, %dma_wait3A_334, %dma_wait3A_335] : memref<2x32x1000xf32, #tpu.memory_space<vmem>> -> memref<1x32x1000xf32, #tpu.memory_space<vmem>>
    %dma_wait3A_337 = tpu.memref_squeeze %dma_wait3A_336 : memref<1x32x1000xf32, #tpu.memory_space<vmem>> -> memref<32x1000xf32, #tpu.memory_space<vmem>>
    %dma_wait3A_338 = arith.constant 0 : i32
    %dma_wait3A_339 = tpu.memref_slice %arg4[%mul3A_289, %dma_wait3A_338] : memref<51200x1000xf32, #tpu.memory_space<hbm>> -> memref<32x1000xf32, #tpu.memory_space<hbm>>
    %dma_wait3A_340 = arith.constant 0 : i32
    %dma_wait3A_341 = tpu.memref_slice %arg4[%mul3A_289, %dma_wait3A_340] : memref<51200x1000xf32, #tpu.memory_space<hbm>> -> memref<32x1000xf32, #tpu.memory_space<hbm>>
    %dma_wait3A_342 = arith.constant 0 : i32
    %dma_wait3A_343 = arith.constant 0 : i32
    %dma_wait3A_344 = tpu.memref_slice %arg5[%dma_wait3A_333, %dma_wait3A_342, %dma_wait3A_343] : memref<2x32x1000xf32, #tpu.memory_space<vmem>> -> memref<1x32x1000xf32, #tpu.memory_space<vmem>>
    %dma_wait3A_345 = tpu.memref_squeeze %dma_wait3A_344 : memref<1x32x1000xf32, #tpu.memory_space<vmem>> -> memref<32x1000xf32, #tpu.memory_space<vmem>>
    tpu.wait_dma2 semaphore(%arg6 : memref<!tpu.dma_semaphore, #tpu.memory_space<semaphore_mem>>) src(%dma_wait3A_345 : memref<32x1000xf32, #tpu.memory_space<vmem>>) dst(%dma_wait3A_341 : memref<32x1000xf32, #tpu.memory_space<hbm>>)
    %add3A_346 = arith.constant 384 : i32
    %add3A_347 = arith.addi %add3A_346, %add3A : i32
    %mul3A_348 = arith.constant 32 : i32
    %mul3A_349 = arith.muli %add3A_347, %mul3A_348 : i32
    %dma_start3A_350 = arith.constant 0 : i32
    %dma_start3A_351 = arith.constant 0 : i32
    %dma_start3A_352 = arith.constant 0 : i32
    %dma_start3A_353 = tpu.memref_slice %arg5[%dma_start3A_350, %dma_start3A_351, %dma_start3A_352] : memref<2x32x1000xf32, #tpu.memory_space<vmem>> -> memref<1x32x1000xf32, #tpu.memory_space<vmem>>
    %dma_start3A_354 = tpu.memref_squeeze %dma_start3A_353 : memref<1x32x1000xf32, #tpu.memory_space<vmem>> -> memref<32x1000xf32, #tpu.memory_space<vmem>>
    %dma_start3A_355 = arith.constant 0 : i32
    %dma_start3A_356 = tpu.memref_slice %arg4[%mul3A_349, %dma_start3A_355] : memref<51200x1000xf32, #tpu.memory_space<hbm>> -> memref<32x1000xf32, #tpu.memory_space<hbm>>
    %dma_start3A_357 = arith.constant 0 : i32
    %dma_start3A_358 = tpu.memref_slice %arg4[%mul3A_349, %dma_start3A_357] : memref<51200x1000xf32, #tpu.memory_space<hbm>> -> memref<32x1000xf32, #tpu.memory_space<hbm>>
    %dma_start3A_359 = arith.constant 0 : i32
    %dma_start3A_360 = arith.constant 0 : i32
    %dma_start3A_361 = tpu.memref_slice %arg5[%dma_start3A_350, %dma_start3A_359, %dma_start3A_360] : memref<2x32x1000xf32, #tpu.memory_space<vmem>> -> memref<1x32x1000xf32, #tpu.memory_space<vmem>>
    %dma_start3A_362 = tpu.memref_squeeze %dma_start3A_361 : memref<1x32x1000xf32, #tpu.memory_space<vmem>> -> memref<32x1000xf32, #tpu.memory_space<vmem>>
    tpu.enqueue_dma source(%dma_start3A_362 : memref<32x1000xf32, #tpu.memory_space<vmem>>) target(%dma_start3A_358 : memref<32x1000xf32, #tpu.memory_space<hbm>>) target_semaphore(%arg6 : memref<!tpu.dma_semaphore, #tpu.memory_space<semaphore_mem>>)
    %dma_wait3A_363 = arith.constant 1 : i32
    %dma_wait3A_364 = arith.constant 0 : i32
    %dma_wait3A_365 = arith.constant 0 : i32
    %dma_wait3A_366 = tpu.memref_slice %arg5[%dma_wait3A_363, %dma_wait3A_364, %dma_wait3A_365] : memref<2x32x1000xf32, #tpu.memory_space<vmem>> -> memref<1x32x1000xf32, #tpu.memory_space<vmem>>
    %dma_wait3A_367 = tpu.memref_squeeze %dma_wait3A_366 : memref<1x32x1000xf32, #tpu.memory_space<vmem>> -> memref<32x1000xf32, #tpu.memory_space<vmem>>
    %dma_wait3A_368 = arith.constant 0 : i32
    %dma_wait3A_369 = tpu.memref_slice %arg4[%mul3A_319, %dma_wait3A_368] : memref<51200x1000xf32, #tpu.memory_space<hbm>> -> memref<32x1000xf32, #tpu.memory_space<hbm>>
    %dma_wait3A_370 = arith.constant 0 : i32
    %dma_wait3A_371 = tpu.memref_slice %arg4[%mul3A_319, %dma_wait3A_370] : memref<51200x1000xf32, #tpu.memory_space<hbm>> -> memref<32x1000xf32, #tpu.memory_space<hbm>>
    %dma_wait3A_372 = arith.constant 0 : i32
    %dma_wait3A_373 = arith.constant 0 : i32
    %dma_wait3A_374 = tpu.memref_slice %arg5[%dma_wait3A_363, %dma_wait3A_372, %dma_wait3A_373] : memref<2x32x1000xf32, #tpu.memory_space<vmem>> -> memref<1x32x1000xf32, #tpu.memory_space<vmem>>
    %dma_wait3A_375 = tpu.memref_squeeze %dma_wait3A_374 : memref<1x32x1000xf32, #tpu.memory_space<vmem>> -> memref<32x1000xf32, #tpu.memory_space<vmem>>
    tpu.wait_dma2 semaphore(%arg6 : memref<!tpu.dma_semaphore, #tpu.memory_space<semaphore_mem>>) src(%dma_wait3A_375 : memref<32x1000xf32, #tpu.memory_space<vmem>>) dst(%dma_wait3A_371 : memref<32x1000xf32, #tpu.memory_space<hbm>>)
    %add3A_376 = arith.constant 416 : i32
    %add3A_377 = arith.addi %add3A_376, %add3A : i32
    %mul3A_378 = arith.constant 32 : i32
    %mul3A_379 = arith.muli %add3A_377, %mul3A_378 : i32
    %dma_start3A_380 = arith.constant 1 : i32
    %dma_start3A_381 = arith.constant 0 : i32
    %dma_start3A_382 = arith.constant 0 : i32
    %dma_start3A_383 = tpu.memref_slice %arg5[%dma_start3A_380, %dma_start3A_381, %dma_start3A_382] : memref<2x32x1000xf32, #tpu.memory_space<vmem>> -> memref<1x32x1000xf32, #tpu.memory_space<vmem>>
    %dma_start3A_384 = tpu.memref_squeeze %dma_start3A_383 : memref<1x32x1000xf32, #tpu.memory_space<vmem>> -> memref<32x1000xf32, #tpu.memory_space<vmem>>
    %dma_start3A_385 = arith.constant 0 : i32
    %dma_start3A_386 = tpu.memref_slice %arg4[%mul3A_379, %dma_start3A_385] : memref<51200x1000xf32, #tpu.memory_space<hbm>> -> memref<32x1000xf32, #tpu.memory_space<hbm>>
    %dma_start3A_387 = arith.constant 0 : i32
    %dma_start3A_388 = tpu.memref_slice %arg4[%mul3A_379, %dma_start3A_387] : memref<51200x1000xf32, #tpu.memory_space<hbm>> -> memref<32x1000xf32, #tpu.memory_space<hbm>>
    %dma_start3A_389 = arith.constant 0 : i32
    %dma_start3A_390 = arith.constant 0 : i32
    %dma_start3A_391 = tpu.memref_slice %arg5[%dma_start3A_380, %dma_start3A_389, %dma_start3A_390] : memref<2x32x1000xf32, #tpu.memory_space<vmem>> -> memref<1x32x1000xf32, #tpu.memory_space<vmem>>
    %dma_start3A_392 = tpu.memref_squeeze %dma_start3A_391 : memref<1x32x1000xf32, #tpu.memory_space<vmem>> -> memref<32x1000xf32, #tpu.memory_space<vmem>>
    tpu.enqueue_dma source(%dma_start3A_392 : memref<32x1000xf32, #tpu.memory_space<vmem>>) target(%dma_start3A_388 : memref<32x1000xf32, #tpu.memory_space<hbm>>) target_semaphore(%arg6 : memref<!tpu.dma_semaphore, #tpu.memory_space<semaphore_mem>>)
    %dma_wait3A_393 = arith.constant 0 : i32
    %dma_wait3A_394 = arith.constant 0 : i32
    %dma_wait3A_395 = arith.constant 0 : i32
    %dma_wait3A_396 = tpu.memref_slice %arg5[%dma_wait3A_393, %dma_wait3A_394, %dma_wait3A_395] : memref<2x32x1000xf32, #tpu.memory_space<vmem>> -> memref<1x32x1000xf32, #tpu.memory_space<vmem>>
    %dma_wait3A_397 = tpu.memref_squeeze %dma_wait3A_396 : memref<1x32x1000xf32, #tpu.memory_space<vmem>> -> memref<32x1000xf32, #tpu.memory_space<vmem>>
    %dma_wait3A_398 = arith.constant 0 : i32
    %dma_wait3A_399 = tpu.memref_slice %arg4[%mul3A_349, %dma_wait3A_398] : memref<51200x1000xf32, #tpu.memory_space<hbm>> -> memref<32x1000xf32, #tpu.memory_space<hbm>>
    %dma_wait3A_400 = arith.constant 0 : i32
    %dma_wait3A_401 = tpu.memref_slice %arg4[%mul3A_349, %dma_wait3A_400] : memref<51200x1000xf32, #tpu.memory_space<hbm>> -> memref<32x1000xf32, #tpu.memory_space<hbm>>
    %dma_wait3A_402 = arith.constant 0 : i32
    %dma_wait3A_403 = arith.constant 0 : i32
    %dma_wait3A_404 = tpu.memref_slice %arg5[%dma_wait3A_393, %dma_wait3A_402, %dma_wait3A_403] : memref<2x32x1000xf32, #tpu.memory_space<vmem>> -> memref<1x32x1000xf32, #tpu.memory_space<vmem>>
    %dma_wait3A_405 = tpu.memref_squeeze %dma_wait3A_404 : memref<1x32x1000xf32, #tpu.memory_space<vmem>> -> memref<32x1000xf32, #tpu.memory_space<vmem>>
    tpu.wait_dma2 semaphore(%arg6 : memref<!tpu.dma_semaphore, #tpu.memory_space<semaphore_mem>>) src(%dma_wait3A_405 : memref<32x1000xf32, #tpu.memory_space<vmem>>) dst(%dma_wait3A_401 : memref<32x1000xf32, #tpu.memory_space<hbm>>)
    %add3A_406 = arith.constant 448 : i32
    %add3A_407 = arith.addi %add3A_406, %add3A : i32
    %mul3A_408 = arith.constant 32 : i32
    %mul3A_409 = arith.muli %add3A_407, %mul3A_408 : i32
    %dma_start3A_410 = arith.constant 0 : i32
    %dma_start3A_411 = arith.constant 0 : i32
    %dma_start3A_412 = arith.constant 0 : i32
    %dma_start3A_413 = tpu.memref_slice %arg5[%dma_start3A_410, %dma_start3A_411, %dma_start3A_412] : memref<2x32x1000xf32, #tpu.memory_space<vmem>> -> memref<1x32x1000xf32, #tpu.memory_space<vmem>>
    %dma_start3A_414 = tpu.memref_squeeze %dma_start3A_413 : memref<1x32x1000xf32, #tpu.memory_space<vmem>> -> memref<32x1000xf32, #tpu.memory_space<vmem>>
    %dma_start3A_415 = arith.constant 0 : i32
    %dma_start3A_416 = tpu.memref_slice %arg4[%mul3A_409, %dma_start3A_415] : memref<51200x1000xf32, #tpu.memory_space<hbm>> -> memref<32x1000xf32, #tpu.memory_space<hbm>>
    %dma_start3A_417 = arith.constant 0 : i32
    %dma_start3A_418 = tpu.memref_slice %arg4[%mul3A_409, %dma_start3A_417] : memref<51200x1000xf32, #tpu.memory_space<hbm>> -> memref<32x1000xf32, #tpu.memory_space<hbm>>
    %dma_start3A_419 = arith.constant 0 : i32
    %dma_start3A_420 = arith.constant 0 : i32
    %dma_start3A_421 = tpu.memref_slice %arg5[%dma_start3A_410, %dma_start3A_419, %dma_start3A_420] : memref<2x32x1000xf32, #tpu.memory_space<vmem>> -> memref<1x32x1000xf32, #tpu.memory_space<vmem>>
    %dma_start3A_422 = tpu.memref_squeeze %dma_start3A_421 : memref<1x32x1000xf32, #tpu.memory_space<vmem>> -> memref<32x1000xf32, #tpu.memory_space<vmem>>
    tpu.enqueue_dma source(%dma_start3A_422 : memref<32x1000xf32, #tpu.memory_space<vmem>>) target(%dma_start3A_418 : memref<32x1000xf32, #tpu.memory_space<hbm>>) target_semaphore(%arg6 : memref<!tpu.dma_semaphore, #tpu.memory_space<semaphore_mem>>)
    %dma_wait3A_423 = arith.constant 1 : i32
    %dma_wait3A_424 = arith.constant 0 : i32
    %dma_wait3A_425 = arith.constant 0 : i32
    %dma_wait3A_426 = tpu.memref_slice %arg5[%dma_wait3A_423, %dma_wait3A_424, %dma_wait3A_425] : memref<2x32x1000xf32, #tpu.memory_space<vmem>> -> memref<1x32x1000xf32, #tpu.memory_space<vmem>>
    %dma_wait3A_427 = tpu.memref_squeeze %dma_wait3A_426 : memref<1x32x1000xf32, #tpu.memory_space<vmem>> -> memref<32x1000xf32, #tpu.memory_space<vmem>>
    %dma_wait3A_428 = arith.constant 0 : i32
    %dma_wait3A_429 = tpu.memref_slice %arg4[%mul3A_379, %dma_wait3A_428] : memref<51200x1000xf32, #tpu.memory_space<hbm>> -> memref<32x1000xf32, #tpu.memory_space<hbm>>
    %dma_wait3A_430 = arith.constant 0 : i32
    %dma_wait3A_431 = tpu.memref_slice %arg4[%mul3A_379, %dma_wait3A_430] : memref<51200x1000xf32, #tpu.memory_space<hbm>> -> memref<32x1000xf32, #tpu.memory_space<hbm>>
    %dma_wait3A_432 = arith.constant 0 : i32
    %dma_wait3A_433 = arith.constant 0 : i32
    %dma_wait3A_434 = tpu.memref_slice %arg5[%dma_wait3A_423, %dma_wait3A_432, %dma_wait3A_433] : memref<2x32x1000xf32, #tpu.memory_space<vmem>> -> memref<1x32x1000xf32, #tpu.memory_space<vmem>>
    %dma_wait3A_435 = tpu.memref_squeeze %dma_wait3A_434 : memref<1x32x1000xf32, #tpu.memory_space<vmem>> -> memref<32x1000xf32, #tpu.memory_space<vmem>>
    tpu.wait_dma2 semaphore(%arg6 : memref<!tpu.dma_semaphore, #tpu.memory_space<semaphore_mem>>) src(%dma_wait3A_435 : memref<32x1000xf32, #tpu.memory_space<vmem>>) dst(%dma_wait3A_431 : memref<32x1000xf32, #tpu.memory_space<hbm>>)
    %add3A_436 = arith.constant 480 : i32
    %add3A_437 = arith.addi %add3A_436, %add3A : i32
    %mul3A_438 = arith.constant 32 : i32
    %mul3A_439 = arith.muli %add3A_437, %mul3A_438 : i32
    %dma_start3A_440 = arith.constant 1 : i32
    %dma_start3A_441 = arith.constant 0 : i32
    %dma_start3A_442 = arith.constant 0 : i32
    %dma_start3A_443 = tpu.memref_slice %arg5[%dma_start3A_440, %dma_start3A_441, %dma_start3A_442] : memref<2x32x1000xf32, #tpu.memory_space<vmem>> -> memref<1x32x1000xf32, #tpu.memory_space<vmem>>
    %dma_start3A_444 = tpu.memref_squeeze %dma_start3A_443 : memref<1x32x1000xf32, #tpu.memory_space<vmem>> -> memref<32x1000xf32, #tpu.memory_space<vmem>>
    %dma_start3A_445 = arith.constant 0 : i32
    %dma_start3A_446 = tpu.memref_slice %arg4[%mul3A_439, %dma_start3A_445] : memref<51200x1000xf32, #tpu.memory_space<hbm>> -> memref<32x1000xf32, #tpu.memory_space<hbm>>
    %dma_start3A_447 = arith.constant 0 : i32
    %dma_start3A_448 = tpu.memref_slice %arg4[%mul3A_439, %dma_start3A_447] : memref<51200x1000xf32, #tpu.memory_space<hbm>> -> memref<32x1000xf32, #tpu.memory_space<hbm>>
    %dma_start3A_449 = arith.constant 0 : i32
    %dma_start3A_450 = arith.constant 0 : i32
    %dma_start3A_451 = tpu.memref_slice %arg5[%dma_start3A_440, %dma_start3A_449, %dma_start3A_450] : memref<2x32x1000xf32, #tpu.memory_space<vmem>> -> memref<1x32x1000xf32, #tpu.memory_space<vmem>>
    %dma_start3A_452 = tpu.memref_squeeze %dma_start3A_451 : memref<1x32x1000xf32, #tpu.memory_space<vmem>> -> memref<32x1000xf32, #tpu.memory_space<vmem>>
    tpu.enqueue_dma source(%dma_start3A_452 : memref<32x1000xf32, #tpu.memory_space<vmem>>) target(%dma_start3A_448 : memref<32x1000xf32, #tpu.memory_space<hbm>>) target_semaphore(%arg6 : memref<!tpu.dma_semaphore, #tpu.memory_space<semaphore_mem>>)
    %dma_wait3A_453 = arith.constant 0 : i32
    %dma_wait3A_454 = arith.constant 0 : i32
    %dma_wait3A_455 = arith.constant 0 : i32
    %dma_wait3A_456 = tpu.memref_slice %arg5[%dma_wait3A_453, %dma_wait3A_454, %dma_wait3A_455] : memref<2x32x1000xf32, #tpu.memory_space<vmem>> -> memref<1x32x1000xf32, #tpu.memory_space<vmem>>
    %dma_wait3A_457 = tpu.memref_squeeze %dma_wait3A_456 : memref<1x32x1000xf32, #tpu.memory_space<vmem>> -> memref<32x1000xf32, #tpu.memory_space<vmem>>
    %dma_wait3A_458 = arith.constant 0 : i32
    %dma_wait3A_459 = tpu.memref_slice %arg4[%mul3A_409, %dma_wait3A_458] : memref<51200x1000xf32, #tpu.memory_space<hbm>> -> memref<32x1000xf32, #tpu.memory_space<hbm>>
    %dma_wait3A_460 = arith.constant 0 : i32
    %dma_wait3A_461 = tpu.memref_slice %arg4[%mul3A_409, %dma_wait3A_460] : memref<51200x1000xf32, #tpu.memory_space<hbm>> -> memref<32x1000xf32, #tpu.memory_space<hbm>>
    %dma_wait3A_462 = arith.constant 0 : i32
    %dma_wait3A_463 = arith.constant 0 : i32
    %dma_wait3A_464 = tpu.memref_slice %arg5[%dma_wait3A_453, %dma_wait3A_462, %dma_wait3A_463] : memref<2x32x1000xf32, #tpu.memory_space<vmem>> -> memref<1x32x1000xf32, #tpu.memory_space<vmem>>
    %dma_wait3A_465 = tpu.memref_squeeze %dma_wait3A_464 : memref<1x32x1000xf32, #tpu.memory_space<vmem>> -> memref<32x1000xf32, #tpu.memory_space<vmem>>
    tpu.wait_dma2 semaphore(%arg6 : memref<!tpu.dma_semaphore, #tpu.memory_space<semaphore_mem>>) src(%dma_wait3A_465 : memref<32x1000xf32, #tpu.memory_space<vmem>>) dst(%dma_wait3A_461 : memref<32x1000xf32, #tpu.memory_space<hbm>>)
    %add3A_466 = arith.constant 512 : i32
    %add3A_467 = arith.addi %add3A_466, %add3A : i32
    %mul3A_468 = arith.constant 32 : i32
    %mul3A_469 = arith.muli %add3A_467, %mul3A_468 : i32
    %dma_start3A_470 = arith.constant 0 : i32
    %dma_start3A_471 = arith.constant 0 : i32
    %dma_start3A_472 = arith.constant 0 : i32
    %dma_start3A_473 = tpu.memref_slice %arg5[%dma_start3A_470, %dma_start3A_471, %dma_start3A_472] : memref<2x32x1000xf32, #tpu.memory_space<vmem>> -> memref<1x32x1000xf32, #tpu.memory_space<vmem>>
    %dma_start3A_474 = tpu.memref_squeeze %dma_start3A_473 : memref<1x32x1000xf32, #tpu.memory_space<vmem>> -> memref<32x1000xf32, #tpu.memory_space<vmem>>
    %dma_start3A_475 = arith.constant 0 : i32
    %dma_start3A_476 = tpu.memref_slice %arg4[%mul3A_469, %dma_start3A_475] : memref<51200x1000xf32, #tpu.memory_space<hbm>> -> memref<32x1000xf32, #tpu.memory_space<hbm>>
    %dma_start3A_477 = arith.constant 0 : i32
    %dma_start3A_478 = tpu.memref_slice %arg4[%mul3A_469, %dma_start3A_477] : memref<51200x1000xf32, #tpu.memory_space<hbm>> -> memref<32x1000xf32, #tpu.memory_space<hbm>>
    %dma_start3A_479 = arith.constant 0 : i32
    %dma_start3A_480 = arith.constant 0 : i32
    %dma_start3A_481 = tpu.memref_slice %arg5[%dma_start3A_470, %dma_start3A_479, %dma_start3A_480] : memref<2x32x1000xf32, #tpu.memory_space<vmem>> -> memref<1x32x1000xf32, #tpu.memory_space<vmem>>
    %dma_start3A_482 = tpu.memref_squeeze %dma_start3A_481 : memref<1x32x1000xf32, #tpu.memory_space<vmem>> -> memref<32x1000xf32, #tpu.memory_space<vmem>>
    tpu.enqueue_dma source(%dma_start3A_482 : memref<32x1000xf32, #tpu.memory_space<vmem>>) target(%dma_start3A_478 : memref<32x1000xf32, #tpu.memory_space<hbm>>) target_semaphore(%arg6 : memref<!tpu.dma_semaphore, #tpu.memory_space<semaphore_mem>>)
    %dma_wait3A_483 = arith.constant 1 : i32
    %dma_wait3A_484 = arith.constant 0 : i32
    %dma_wait3A_485 = arith.constant 0 : i32
    %dma_wait3A_486 = tpu.memref_slice %arg5[%dma_wait3A_483, %dma_wait3A_484, %dma_wait3A_485] : memref<2x32x1000xf32, #tpu.memory_space<vmem>> -> memref<1x32x1000xf32, #tpu.memory_space<vmem>>
    %dma_wait3A_487 = tpu.memref_squeeze %dma_wait3A_486 : memref<1x32x1000xf32, #tpu.memory_space<vmem>> -> memref<32x1000xf32, #tpu.memory_space<vmem>>
    %dma_wait3A_488 = arith.constant 0 : i32
    %dma_wait3A_489 = tpu.memref_slice %arg4[%mul3A_439, %dma_wait3A_488] : memref<51200x1000xf32, #tpu.memory_space<hbm>> -> memref<32x1000xf32, #tpu.memory_space<hbm>>
    %dma_wait3A_490 = arith.constant 0 : i32
    %dma_wait3A_491 = tpu.memref_slice %arg4[%mul3A_439, %dma_wait3A_490] : memref<51200x1000xf32, #tpu.memory_space<hbm>> -> memref<32x1000xf32, #tpu.memory_space<hbm>>
    %dma_wait3A_492 = arith.constant 0 : i32
    %dma_wait3A_493 = arith.constant 0 : i32
    %dma_wait3A_494 = tpu.memref_slice %arg5[%dma_wait3A_483, %dma_wait3A_492, %dma_wait3A_493] : memref<2x32x1000xf32, #tpu.memory_space<vmem>> -> memref<1x32x1000xf32, #tpu.memory_space<vmem>>
    %dma_wait3A_495 = tpu.memref_squeeze %dma_wait3A_494 : memref<1x32x1000xf32, #tpu.memory_space<vmem>> -> memref<32x1000xf32, #tpu.memory_space<vmem>>
    tpu.wait_dma2 semaphore(%arg6 : memref<!tpu.dma_semaphore, #tpu.memory_space<semaphore_mem>>) src(%dma_wait3A_495 : memref<32x1000xf32, #tpu.memory_space<vmem>>) dst(%dma_wait3A_491 : memref<32x1000xf32, #tpu.memory_space<hbm>>)
    %add3A_496 = arith.constant 544 : i32
    %add3A_497 = arith.addi %add3A_496, %add3A : i32
    %mul3A_498 = arith.constant 32 : i32
    %mul3A_499 = arith.muli %add3A_497, %mul3A_498 : i32
    %dma_start3A_500 = arith.constant 1 : i32
    %dma_start3A_501 = arith.constant 0 : i32
    %dma_start3A_502 = arith.constant 0 : i32
    %dma_start3A_503 = tpu.memref_slice %arg5[%dma_start3A_500, %dma_start3A_501, %dma_start3A_502] : memref<2x32x1000xf32, #tpu.memory_space<vmem>> -> memref<1x32x1000xf32, #tpu.memory_space<vmem>>
    %dma_start3A_504 = tpu.memref_squeeze %dma_start3A_503 : memref<1x32x1000xf32, #tpu.memory_space<vmem>> -> memref<32x1000xf32, #tpu.memory_space<vmem>>
    %dma_start3A_505 = arith.constant 0 : i32
    %dma_start3A_506 = tpu.memref_slice %arg4[%mul3A_499, %dma_start3A_505] : memref<51200x1000xf32, #tpu.memory_space<hbm>> -> memref<32x1000xf32, #tpu.memory_space<hbm>>
    %dma_start3A_507 = arith.constant 0 : i32
    %dma_start3A_508 = tpu.memref_slice %arg4[%mul3A_499, %dma_start3A_507] : memref<51200x1000xf32, #tpu.memory_space<hbm>> -> memref<32x1000xf32, #tpu.memory_space<hbm>>
    %dma_start3A_509 = arith.constant 0 : i32
    %dma_start3A_510 = arith.constant 0 : i32
    %dma_start3A_511 = tpu.memref_slice %arg5[%dma_start3A_500, %dma_start3A_509, %dma_start3A_510] : memref<2x32x1000xf32, #tpu.memory_space<vmem>> -> memref<1x32x1000xf32, #tpu.memory_space<vmem>>
    %dma_start3A_512 = tpu.memref_squeeze %dma_start3A_511 : memref<1x32x1000xf32, #tpu.memory_space<vmem>> -> memref<32x1000xf32, #tpu.memory_space<vmem>>
    tpu.enqueue_dma source(%dma_start3A_512 : memref<32x1000xf32, #tpu.memory_space<vmem>>) target(%dma_start3A_508 : memref<32x1000xf32, #tpu.memory_space<hbm>>) target_semaphore(%arg6 : memref<!tpu.dma_semaphore, #tpu.memory_space<semaphore_mem>>)
    %dma_wait3A_513 = arith.constant 0 : i32
    %dma_wait3A_514 = arith.constant 0 : i32
    %dma_wait3A_515 = arith.constant 0 : i32
    %dma_wait3A_516 = tpu.memref_slice %arg5[%dma_wait3A_513, %dma_wait3A_514, %dma_wait3A_515] : memref<2x32x1000xf32, #tpu.memory_space<vmem>> -> memref<1x32x1000xf32, #tpu.memory_space<vmem>>
    %dma_wait3A_517 = tpu.memref_squeeze %dma_wait3A_516 : memref<1x32x1000xf32, #tpu.memory_space<vmem>> -> memref<32x1000xf32, #tpu.memory_space<vmem>>
    %dma_wait3A_518 = arith.constant 0 : i32
    %dma_wait3A_519 = tpu.memref_slice %arg4[%mul3A_469, %dma_wait3A_518] : memref<51200x1000xf32, #tpu.memory_space<hbm>> -> memref<32x1000xf32, #tpu.memory_space<hbm>>
    %dma_wait3A_520 = arith.constant 0 : i32
    %dma_wait3A_521 = tpu.memref_slice %arg4[%mul3A_469, %dma_wait3A_520] : memref<51200x1000xf32, #tpu.memory_space<hbm>> -> memref<32x1000xf32, #tpu.memory_space<hbm>>
    %dma_wait3A_522 = arith.constant 0 : i32
    %dma_wait3A_523 = arith.constant 0 : i32
    %dma_wait3A_524 = tpu.memref_slice %arg5[%dma_wait3A_513, %dma_wait3A_522, %dma_wait3A_523] : memref<2x32x1000xf32, #tpu.memory_space<vmem>> -> memref<1x32x1000xf32, #tpu.memory_space<vmem>>
    %dma_wait3A_525 = tpu.memref_squeeze %dma_wait3A_524 : memref<1x32x1000xf32, #tpu.memory_space<vmem>> -> memref<32x1000xf32, #tpu.memory_space<vmem>>
    tpu.wait_dma2 semaphore(%arg6 : memref<!tpu.dma_semaphore, #tpu.memory_space<semaphore_mem>>) src(%dma_wait3A_525 : memref<32x1000xf32, #tpu.memory_space<vmem>>) dst(%dma_wait3A_521 : memref<32x1000xf32, #tpu.memory_space<hbm>>)
    %add3A_526 = arith.constant 576 : i32
    %add3A_527 = arith.addi %add3A_526, %add3A : i32
    %mul3A_528 = arith.constant 32 : i32
    %mul3A_529 = arith.muli %add3A_527, %mul3A_528 : i32
    %dma_start3A_530 = arith.constant 0 : i32
    %dma_start3A_531 = arith.constant 0 : i32
    %dma_start3A_532 = arith.constant 0 : i32
    %dma_start3A_533 = tpu.memref_slice %arg5[%dma_start3A_530, %dma_start3A_531, %dma_start3A_532] : memref<2x32x1000xf32, #tpu.memory_space<vmem>> -> memref<1x32x1000xf32, #tpu.memory_space<vmem>>
    %dma_start3A_534 = tpu.memref_squeeze %dma_start3A_533 : memref<1x32x1000xf32, #tpu.memory_space<vmem>> -> memref<32x1000xf32, #tpu.memory_space<vmem>>
    %dma_start3A_535 = arith.constant 0 : i32
    %dma_start3A_536 = tpu.memref_slice %arg4[%mul3A_529, %dma_start3A_535] : memref<51200x1000xf32, #tpu.memory_space<hbm>> -> memref<32x1000xf32, #tpu.memory_space<hbm>>
    %dma_start3A_537 = arith.constant 0 : i32
    %dma_start3A_538 = tpu.memref_slice %arg4[%mul3A_529, %dma_start3A_537] : memref<51200x1000xf32, #tpu.memory_space<hbm>> -> memref<32x1000xf32, #tpu.memory_space<hbm>>
    %dma_start3A_539 = arith.constant 0 : i32
    %dma_start3A_540 = arith.constant 0 : i32
    %dma_start3A_541 = tpu.memref_slice %arg5[%dma_start3A_530, %dma_start3A_539, %dma_start3A_540] : memref<2x32x1000xf32, #tpu.memory_space<vmem>> -> memref<1x32x1000xf32, #tpu.memory_space<vmem>>
    %dma_start3A_542 = tpu.memref_squeeze %dma_start3A_541 : memref<1x32x1000xf32, #tpu.memory_space<vmem>> -> memref<32x1000xf32, #tpu.memory_space<vmem>>
    tpu.enqueue_dma source(%dma_start3A_542 : memref<32x1000xf32, #tpu.memory_space<vmem>>) target(%dma_start3A_538 : memref<32x1000xf32, #tpu.memory_space<hbm>>) target_semaphore(%arg6 : memref<!tpu.dma_semaphore, #tpu.memory_space<semaphore_mem>>)
    %dma_wait3A_543 = arith.constant 1 : i32
    %dma_wait3A_544 = arith.constant 0 : i32
    %dma_wait3A_545 = arith.constant 0 : i32
    %dma_wait3A_546 = tpu.memref_slice %arg5[%dma_wait3A_543, %dma_wait3A_544, %dma_wait3A_545] : memref<2x32x1000xf32, #tpu.memory_space<vmem>> -> memref<1x32x1000xf32, #tpu.memory_space<vmem>>
    %dma_wait3A_547 = tpu.memref_squeeze %dma_wait3A_546 : memref<1x32x1000xf32, #tpu.memory_space<vmem>> -> memref<32x1000xf32, #tpu.memory_space<vmem>>
    %dma_wait3A_548 = arith.constant 0 : i32
    %dma_wait3A_549 = tpu.memref_slice %arg4[%mul3A_499, %dma_wait3A_548] : memref<51200x1000xf32, #tpu.memory_space<hbm>> -> memref<32x1000xf32, #tpu.memory_space<hbm>>
    %dma_wait3A_550 = arith.constant 0 : i32
    %dma_wait3A_551 = tpu.memref_slice %arg4[%mul3A_499, %dma_wait3A_550] : memref<51200x1000xf32, #tpu.memory_space<hbm>> -> memref<32x1000xf32, #tpu.memory_space<hbm>>
    %dma_wait3A_552 = arith.constant 0 : i32
    %dma_wait3A_553 = arith.constant 0 : i32
    %dma_wait3A_554 = tpu.memref_slice %arg5[%dma_wait3A_543, %dma_wait3A_552, %dma_wait3A_553] : memref<2x32x1000xf32, #tpu.memory_space<vmem>> -> memref<1x32x1000xf32, #tpu.memory_space<vmem>>
    %dma_wait3A_555 = tpu.memref_squeeze %dma_wait3A_554 : memref<1x32x1000xf32, #tpu.memory_space<vmem>> -> memref<32x1000xf32, #tpu.memory_space<vmem>>
    tpu.wait_dma2 semaphore(%arg6 : memref<!tpu.dma_semaphore, #tpu.memory_space<semaphore_mem>>) src(%dma_wait3A_555 : memref<32x1000xf32, #tpu.memory_space<vmem>>) dst(%dma_wait3A_551 : memref<32x1000xf32, #tpu.memory_space<hbm>>)
    %add3A_556 = arith.constant 608 : i32
    %add3A_557 = arith.addi %add3A_556, %add3A : i32
    %mul3A_558 = arith.constant 32 : i32
    %mul3A_559 = arith.muli %add3A_557, %mul3A_558 : i32
    %dma_start3A_560 = arith.constant 1 : i32
    %dma_start3A_561 = arith.constant 0 : i32
    %dma_start3A_562 = arith.constant 0 : i32
    %dma_start3A_563 = tpu.memref_slice %arg5[%dma_start3A_560, %dma_start3A_561, %dma_start3A_562] : memref<2x32x1000xf32, #tpu.memory_space<vmem>> -> memref<1x32x1000xf32, #tpu.memory_space<vmem>>
    %dma_start3A_564 = tpu.memref_squeeze %dma_start3A_563 : memref<1x32x1000xf32, #tpu.memory_space<vmem>> -> memref<32x1000xf32, #tpu.memory_space<vmem>>
    %dma_start3A_565 = arith.constant 0 : i32
    %dma_start3A_566 = tpu.memref_slice %arg4[%mul3A_559, %dma_start3A_565] : memref<51200x1000xf32, #tpu.memory_space<hbm>> -> memref<32x1000xf32, #tpu.memory_space<hbm>>
    %dma_start3A_567 = arith.constant 0 : i32
    %dma_start3A_568 = tpu.memref_slice %arg4[%mul3A_559, %dma_start3A_567] : memref<51200x1000xf32, #tpu.memory_space<hbm>> -> memref<32x1000xf32, #tpu.memory_space<hbm>>
    %dma_start3A_569 = arith.constant 0 : i32
    %dma_start3A_570 = arith.constant 0 : i32
    %dma_start3A_571 = tpu.memref_slice %arg5[%dma_start3A_560, %dma_start3A_569, %dma_start3A_570] : memref<2x32x1000xf32, #tpu.memory_space<vmem>> -> memref<1x32x1000xf32, #tpu.memory_space<vmem>>
    %dma_start3A_572 = tpu.memref_squeeze %dma_start3A_571 : memref<1x32x1000xf32, #tpu.memory_space<vmem>> -> memref<32x1000xf32, #tpu.memory_space<vmem>>
    tpu.enqueue_dma source(%dma_start3A_572 : memref<32x1000xf32, #tpu.memory_space<vmem>>) target(%dma_start3A_568 : memref<32x1000xf32, #tpu.memory_space<hbm>>) target_semaphore(%arg6 : memref<!tpu.dma_semaphore, #tpu.memory_space<semaphore_mem>>)
    %dma_wait3A_573 = arith.constant 0 : i32
    %dma_wait3A_574 = arith.constant 0 : i32
    %dma_wait3A_575 = arith.constant 0 : i32
    %dma_wait3A_576 = tpu.memref_slice %arg5[%dma_wait3A_573, %dma_wait3A_574, %dma_wait3A_575] : memref<2x32x1000xf32, #tpu.memory_space<vmem>> -> memref<1x32x1000xf32, #tpu.memory_space<vmem>>
    %dma_wait3A_577 = tpu.memref_squeeze %dma_wait3A_576 : memref<1x32x1000xf32, #tpu.memory_space<vmem>> -> memref<32x1000xf32, #tpu.memory_space<vmem>>
    %dma_wait3A_578 = arith.constant 0 : i32
    %dma_wait3A_579 = tpu.memref_slice %arg4[%mul3A_529, %dma_wait3A_578] : memref<51200x1000xf32, #tpu.memory_space<hbm>> -> memref<32x1000xf32, #tpu.memory_space<hbm>>
    %dma_wait3A_580 = arith.constant 0 : i32
    %dma_wait3A_581 = tpu.memref_slice %arg4[%mul3A_529, %dma_wait3A_580] : memref<51200x1000xf32, #tpu.memory_space<hbm>> -> memref<32x1000xf32, #tpu.memory_space<hbm>>
    %dma_wait3A_582 = arith.constant 0 : i32
    %dma_wait3A_583 = arith.constant 0 : i32
    %dma_wait3A_584 = tpu.memref_slice %arg5[%dma_wait3A_573, %dma_wait3A_582, %dma_wait3A_583] : memref<2x32x1000xf32, #tpu.memory_space<vmem>> -> memref<1x32x1000xf32, #tpu.memory_space<vmem>>
    %dma_wait3A_585 = tpu.memref_squeeze %dma_wait3A_584 : memref<1x32x1000xf32, #tpu.memory_space<vmem>> -> memref<32x1000xf32, #tpu.memory_space<vmem>>
    tpu.wait_dma2 semaphore(%arg6 : memref<!tpu.dma_semaphore, #tpu.memory_space<semaphore_mem>>) src(%dma_wait3A_585 : memref<32x1000xf32, #tpu.memory_space<vmem>>) dst(%dma_wait3A_581 : memref<32x1000xf32, #tpu.memory_space<hbm>>)
    %add3A_586 = arith.constant 640 : i32
    %add3A_587 = arith.addi %add3A_586, %add3A : i32
    %mul3A_588 = arith.constant 32 : i32
    %mul3A_589 = arith.muli %add3A_587, %mul3A_588 : i32
    %dma_start3A_590 = arith.constant 0 : i32
    %dma_start3A_591 = arith.constant 0 : i32
    %dma_start3A_592 = arith.constant 0 : i32
    %dma_start3A_593 = tpu.memref_slice %arg5[%dma_start3A_590, %dma_start3A_591, %dma_start3A_592] : memref<2x32x1000xf32, #tpu.memory_space<vmem>> -> memref<1x32x1000xf32, #tpu.memory_space<vmem>>
    %dma_start3A_594 = tpu.memref_squeeze %dma_start3A_593 : memref<1x32x1000xf32, #tpu.memory_space<vmem>> -> memref<32x1000xf32, #tpu.memory_space<vmem>>
    %dma_start3A_595 = arith.constant 0 : i32
    %dma_start3A_596 = tpu.memref_slice %arg4[%mul3A_589, %dma_start3A_595] : memref<51200x1000xf32, #tpu.memory_space<hbm>> -> memref<32x1000xf32, #tpu.memory_space<hbm>>
    %dma_start3A_597 = arith.constant 0 : i32
    %dma_start3A_598 = tpu.memref_slice %arg4[%mul3A_589, %dma_start3A_597] : memref<51200x1000xf32, #tpu.memory_space<hbm>> -> memref<32x1000xf32, #tpu.memory_space<hbm>>
    %dma_start3A_599 = arith.constant 0 : i32
    %dma_start3A_600 = arith.constant 0 : i32
    %dma_start3A_601 = tpu.memref_slice %arg5[%dma_start3A_590, %dma_start3A_599, %dma_start3A_600] : memref<2x32x1000xf32, #tpu.memory_space<vmem>> -> memref<1x32x1000xf32, #tpu.memory_space<vmem>>
    %dma_start3A_602 = tpu.memref_squeeze %dma_start3A_601 : memref<1x32x1000xf32, #tpu.memory_space<vmem>> -> memref<32x1000xf32, #tpu.memory_space<vmem>>
    tpu.enqueue_dma source(%dma_start3A_602 : memref<32x1000xf32, #tpu.memory_space<vmem>>) target(%dma_start3A_598 : memref<32x1000xf32, #tpu.memory_space<hbm>>) target_semaphore(%arg6 : memref<!tpu.dma_semaphore, #tpu.memory_space<semaphore_mem>>)
    %dma_wait3A_603 = arith.constant 1 : i32
    %dma_wait3A_604 = arith.constant 0 : i32
    %dma_wait3A_605 = arith.constant 0 : i32
    %dma_wait3A_606 = tpu.memref_slice %arg5[%dma_wait3A_603, %dma_wait3A_604, %dma_wait3A_605] : memref<2x32x1000xf32, #tpu.memory_space<vmem>> -> memref<1x32x1000xf32, #tpu.memory_space<vmem>>
    %dma_wait3A_607 = tpu.memref_squeeze %dma_wait3A_606 : memref<1x32x1000xf32, #tpu.memory_space<vmem>> -> memref<32x1000xf32, #tpu.memory_space<vmem>>
    %dma_wait3A_608 = arith.constant 0 : i32
    %dma_wait3A_609 = tpu.memref_slice %arg4[%mul3A_559, %dma_wait3A_608] : memref<51200x1000xf32, #tpu.memory_space<hbm>> -> memref<32x1000xf32, #tpu.memory_space<hbm>>
    %dma_wait3A_610 = arith.constant 0 : i32
    %dma_wait3A_611 = tpu.memref_slice %arg4[%mul3A_559, %dma_wait3A_610] : memref<51200x1000xf32, #tpu.memory_space<hbm>> -> memref<32x1000xf32, #tpu.memory_space<hbm>>
    %dma_wait3A_612 = arith.constant 0 : i32
    %dma_wait3A_613 = arith.constant 0 : i32
    %dma_wait3A_614 = tpu.memref_slice %arg5[%dma_wait3A_603, %dma_wait3A_612, %dma_wait3A_613] : memref<2x32x1000xf32, #tpu.memory_space<vmem>> -> memref<1x32x1000xf32, #tpu.memory_space<vmem>>
    %dma_wait3A_615 = tpu.memref_squeeze %dma_wait3A_614 : memref<1x32x1000xf32, #tpu.memory_space<vmem>> -> memref<32x1000xf32, #tpu.memory_space<vmem>>
    tpu.wait_dma2 semaphore(%arg6 : memref<!tpu.dma_semaphore, #tpu.memory_space<semaphore_mem>>) src(%dma_wait3A_615 : memref<32x1000xf32, #tpu.memory_space<vmem>>) dst(%dma_wait3A_611 : memref<32x1000xf32, #tpu.memory_space<hbm>>)
    %add3A_616 = arith.constant 672 : i32
    %add3A_617 = arith.addi %add3A_616, %add3A : i32
    %mul3A_618 = arith.constant 32 : i32
    %mul3A_619 = arith.muli %add3A_617, %mul3A_618 : i32
    %dma_start3A_620 = arith.constant 1 : i32
    %dma_start3A_621 = arith.constant 0 : i32
    %dma_start3A_622 = arith.constant 0 : i32
    %dma_start3A_623 = tpu.memref_slice %arg5[%dma_start3A_620, %dma_start3A_621, %dma_start3A_622] : memref<2x32x1000xf32, #tpu.memory_space<vmem>> -> memref<1x32x1000xf32, #tpu.memory_space<vmem>>
    %dma_start3A_624 = tpu.memref_squeeze %dma_start3A_623 : memref<1x32x1000xf32, #tpu.memory_space<vmem>> -> memref<32x1000xf32, #tpu.memory_space<vmem>>
    %dma_start3A_625 = arith.constant 0 : i32
    %dma_start3A_626 = tpu.memref_slice %arg4[%mul3A_619, %dma_start3A_625] : memref<51200x1000xf32, #tpu.memory_space<hbm>> -> memref<32x1000xf32, #tpu.memory_space<hbm>>
    %dma_start3A_627 = arith.constant 0 : i32
    %dma_start3A_628 = tpu.memref_slice %arg4[%mul3A_619, %dma_start3A_627] : memref<51200x1000xf32, #tpu.memory_space<hbm>> -> memref<32x1000xf32, #tpu.memory_space<hbm>>
    %dma_start3A_629 = arith.constant 0 : i32
    %dma_start3A_630 = arith.constant 0 : i32
    %dma_start3A_631 = tpu.memref_slice %arg5[%dma_start3A_620, %dma_start3A_629, %dma_start3A_630] : memref<2x32x1000xf32, #tpu.memory_space<vmem>> -> memref<1x32x1000xf32, #tpu.memory_space<vmem>>
    %dma_start3A_632 = tpu.memref_squeeze %dma_start3A_631 : memref<1x32x1000xf32, #tpu.memory_space<vmem>> -> memref<32x1000xf32, #tpu.memory_space<vmem>>
    tpu.enqueue_dma source(%dma_start3A_632 : memref<32x1000xf32, #tpu.memory_space<vmem>>) target(%dma_start3A_628 : memref<32x1000xf32, #tpu.memory_space<hbm>>) target_semaphore(%arg6 : memref<!tpu.dma_semaphore, #tpu.memory_space<semaphore_mem>>)
    %dma_wait3A_633 = arith.constant 0 : i32
    %dma_wait3A_634 = arith.constant 0 : i32
    %dma_wait3A_635 = arith.constant 0 : i32
    %dma_wait3A_636 = tpu.memref_slice %arg5[%dma_wait3A_633, %dma_wait3A_634, %dma_wait3A_635] : memref<2x32x1000xf32, #tpu.memory_space<vmem>> -> memref<1x32x1000xf32, #tpu.memory_space<vmem>>
    %dma_wait3A_637 = tpu.memref_squeeze %dma_wait3A_636 : memref<1x32x1000xf32, #tpu.memory_space<vmem>> -> memref<32x1000xf32, #tpu.memory_space<vmem>>
    %dma_wait3A_638 = arith.constant 0 : i32
    %dma_wait3A_639 = tpu.memref_slice %arg4[%mul3A_589, %dma_wait3A_638] : memref<51200x1000xf32, #tpu.memory_space<hbm>> -> memref<32x1000xf32, #tpu.memory_space<hbm>>
    %dma_wait3A_640 = arith.constant 0 : i32
    %dma_wait3A_641 = tpu.memref_slice %arg4[%mul3A_589, %dma_wait3A_640] : memref<51200x1000xf32, #tpu.memory_space<hbm>> -> memref<32x1000xf32, #tpu.memory_space<hbm>>
    %dma_wait3A_642 = arith.constant 0 : i32
    %dma_wait3A_643 = arith.constant 0 : i32
    %dma_wait3A_644 = tpu.memref_slice %arg5[%dma_wait3A_633, %dma_wait3A_642, %dma_wait3A_643] : memref<2x32x1000xf32, #tpu.memory_space<vmem>> -> memref<1x32x1000xf32, #tpu.memory_space<vmem>>
    %dma_wait3A_645 = tpu.memref_squeeze %dma_wait3A_644 : memref<1x32x1000xf32, #tpu.memory_space<vmem>> -> memref<32x1000xf32, #tpu.memory_space<vmem>>
    tpu.wait_dma2 semaphore(%arg6 : memref<!tpu.dma_semaphore, #tpu.memory_space<semaphore_mem>>) src(%dma_wait3A_645 : memref<32x1000xf32, #tpu.memory_space<vmem>>) dst(%dma_wait3A_641 : memref<32x1000xf32, #tpu.memory_space<hbm>>)
    %add3A_646 = arith.constant 704 : i32
    %add3A_647 = arith.addi %add3A_646, %add3A : i32
    %mul3A_648 = arith.constant 32 : i32
    %mul3A_649 = arith.muli %add3A_647, %mul3A_648 : i32
    %dma_start3A_650 = arith.constant 0 : i32
    %dma_start3A_651 = arith.constant 0 : i32
    %dma_start3A_652 = arith.constant 0 : i32
    %dma_start3A_653 = tpu.memref_slice %arg5[%dma_start3A_650, %dma_start3A_651, %dma_start3A_652] : memref<2x32x1000xf32, #tpu.memory_space<vmem>> -> memref<1x32x1000xf32, #tpu.memory_space<vmem>>
    %dma_start3A_654 = tpu.memref_squeeze %dma_start3A_653 : memref<1x32x1000xf32, #tpu.memory_space<vmem>> -> memref<32x1000xf32, #tpu.memory_space<vmem>>
    %dma_start3A_655 = arith.constant 0 : i32
    %dma_start3A_656 = tpu.memref_slice %arg4[%mul3A_649, %dma_start3A_655] : memref<51200x1000xf32, #tpu.memory_space<hbm>> -> memref<32x1000xf32, #tpu.memory_space<hbm>>
    %dma_start3A_657 = arith.constant 0 : i32
    %dma_start3A_658 = tpu.memref_slice %arg4[%mul3A_649, %dma_start3A_657] : memref<51200x1000xf32, #tpu.memory_space<hbm>> -> memref<32x1000xf32, #tpu.memory_space<hbm>>
    %dma_start3A_659 = arith.constant 0 : i32
    %dma_start3A_660 = arith.constant 0 : i32
    %dma_start3A_661 = tpu.memref_slice %arg5[%dma_start3A_650, %dma_start3A_659, %dma_start3A_660] : memref<2x32x1000xf32, #tpu.memory_space<vmem>> -> memref<1x32x1000xf32, #tpu.memory_space<vmem>>
    %dma_start3A_662 = tpu.memref_squeeze %dma_start3A_661 : memref<1x32x1000xf32, #tpu.memory_space<vmem>> -> memref<32x1000xf32, #tpu.memory_space<vmem>>
    tpu.enqueue_dma source(%dma_start3A_662 : memref<32x1000xf32, #tpu.memory_space<vmem>>) target(%dma_start3A_658 : memref<32x1000xf32, #tpu.memory_space<hbm>>) target_semaphore(%arg6 : memref<!tpu.dma_semaphore, #tpu.memory_space<semaphore_mem>>)
    %dma_wait3A_663 = arith.constant 1 : i32
    %dma_wait3A_664 = arith.constant 0 : i32
    %dma_wait3A_665 = arith.constant 0 : i32
    %dma_wait3A_666 = tpu.memref_slice %arg5[%dma_wait3A_663, %dma_wait3A_664, %dma_wait3A_665] : memref<2x32x1000xf32, #tpu.memory_space<vmem>> -> memref<1x32x1000xf32, #tpu.memory_space<vmem>>
    %dma_wait3A_667 = tpu.memref_squeeze %dma_wait3A_666 : memref<1x32x1000xf32, #tpu.memory_space<vmem>> -> memref<32x1000xf32, #tpu.memory_space<vmem>>
    %dma_wait3A_668 = arith.constant 0 : i32
    %dma_wait3A_669 = tpu.memref_slice %arg4[%mul3A_619, %dma_wait3A_668] : memref<51200x1000xf32, #tpu.memory_space<hbm>> -> memref<32x1000xf32, #tpu.memory_space<hbm>>
    %dma_wait3A_670 = arith.constant 0 : i32
    %dma_wait3A_671 = tpu.memref_slice %arg4[%mul3A_619, %dma_wait3A_670] : memref<51200x1000xf32, #tpu.memory_space<hbm>> -> memref<32x1000xf32, #tpu.memory_space<hbm>>
    %dma_wait3A_672 = arith.constant 0 : i32
    %dma_wait3A_673 = arith.constant 0 : i32
    %dma_wait3A_674 = tpu.memref_slice %arg5[%dma_wait3A_663, %dma_wait3A_672, %dma_wait3A_673] : memref<2x32x1000xf32, #tpu.memory_space<vmem>> -> memref<1x32x1000xf32, #tpu.memory_space<vmem>>
    %dma_wait3A_675 = tpu.memref_squeeze %dma_wait3A_674 : memref<1x32x1000xf32, #tpu.memory_space<vmem>> -> memref<32x1000xf32, #tpu.memory_space<vmem>>
    tpu.wait_dma2 semaphore(%arg6 : memref<!tpu.dma_semaphore, #tpu.memory_space<semaphore_mem>>) src(%dma_wait3A_675 : memref<32x1000xf32, #tpu.memory_space<vmem>>) dst(%dma_wait3A_671 : memref<32x1000xf32, #tpu.memory_space<hbm>>)
    %add3A_676 = arith.constant 736 : i32
    %add3A_677 = arith.addi %add3A_676, %add3A : i32
    %mul3A_678 = arith.constant 32 : i32
    %mul3A_679 = arith.muli %add3A_677, %mul3A_678 : i32
    %dma_start3A_680 = arith.constant 1 : i32
    %dma_start3A_681 = arith.constant 0 : i32
    %dma_start3A_682 = arith.constant 0 : i32
    %dma_start3A_683 = tpu.memref_slice %arg5[%dma_start3A_680, %dma_start3A_681, %dma_start3A_682] : memref<2x32x1000xf32, #tpu.memory_space<vmem>> -> memref<1x32x1000xf32, #tpu.memory_space<vmem>>
    %dma_start3A_684 = tpu.memref_squeeze %dma_start3A_683 : memref<1x32x1000xf32, #tpu.memory_space<vmem>> -> memref<32x1000xf32, #tpu.memory_space<vmem>>
    %dma_start3A_685 = arith.constant 0 : i32
    %dma_start3A_686 = tpu.memref_slice %arg4[%mul3A_679, %dma_start3A_685] : memref<51200x1000xf32, #tpu.memory_space<hbm>> -> memref<32x1000xf32, #tpu.memory_space<hbm>>
    %dma_start3A_687 = arith.constant 0 : i32
    %dma_start3A_688 = tpu.memref_slice %arg4[%mul3A_679, %dma_start3A_687] : memref<51200x1000xf32, #tpu.memory_space<hbm>> -> memref<32x1000xf32, #tpu.memory_space<hbm>>
    %dma_start3A_689 = arith.constant 0 : i32
    %dma_start3A_690 = arith.constant 0 : i32
    %dma_start3A_691 = tpu.memref_slice %arg5[%dma_start3A_680, %dma_start3A_689, %dma_start3A_690] : memref<2x32x1000xf32, #tpu.memory_space<vmem>> -> memref<1x32x1000xf32, #tpu.memory_space<vmem>>
    %dma_start3A_692 = tpu.memref_squeeze %dma_start3A_691 : memref<1x32x1000xf32, #tpu.memory_space<vmem>> -> memref<32x1000xf32, #tpu.memory_space<vmem>>
    tpu.enqueue_dma source(%dma_start3A_692 : memref<32x1000xf32, #tpu.memory_space<vmem>>) target(%dma_start3A_688 : memref<32x1000xf32, #tpu.memory_space<hbm>>) target_semaphore(%arg6 : memref<!tpu.dma_semaphore, #tpu.memory_space<semaphore_mem>>)
    %dma_wait3A_693 = arith.constant 0 : i32
    %dma_wait3A_694 = arith.constant 0 : i32
    %dma_wait3A_695 = arith.constant 0 : i32
    %dma_wait3A_696 = tpu.memref_slice %arg5[%dma_wait3A_693, %dma_wait3A_694, %dma_wait3A_695] : memref<2x32x1000xf32, #tpu.memory_space<vmem>> -> memref<1x32x1000xf32, #tpu.memory_space<vmem>>
    %dma_wait3A_697 = tpu.memref_squeeze %dma_wait3A_696 : memref<1x32x1000xf32, #tpu.memory_space<vmem>> -> memref<32x1000xf32, #tpu.memory_space<vmem>>
    %dma_wait3A_698 = arith.constant 0 : i32
    %dma_wait3A_699 = tpu.memref_slice %arg4[%mul3A_649, %dma_wait3A_698] : memref<51200x1000xf32, #tpu.memory_space<hbm>> -> memref<32x1000xf32, #tpu.memory_space<hbm>>
    %dma_wait3A_700 = arith.constant 0 : i32
    %dma_wait3A_701 = tpu.memref_slice %arg4[%mul3A_649, %dma_wait3A_700] : memref<51200x1000xf32, #tpu.memory_space<hbm>> -> memref<32x1000xf32, #tpu.memory_space<hbm>>
    %dma_wait3A_702 = arith.constant 0 : i32
    %dma_wait3A_703 = arith.constant 0 : i32
    %dma_wait3A_704 = tpu.memref_slice %arg5[%dma_wait3A_693, %dma_wait3A_702, %dma_wait3A_703] : memref<2x32x1000xf32, #tpu.memory_space<vmem>> -> memref<1x32x1000xf32, #tpu.memory_space<vmem>>
    %dma_wait3A_705 = tpu.memref_squeeze %dma_wait3A_704 : memref<1x32x1000xf32, #tpu.memory_space<vmem>> -> memref<32x1000xf32, #tpu.memory_space<vmem>>
    tpu.wait_dma2 semaphore(%arg6 : memref<!tpu.dma_semaphore, #tpu.memory_space<semaphore_mem>>) src(%dma_wait3A_705 : memref<32x1000xf32, #tpu.memory_space<vmem>>) dst(%dma_wait3A_701 : memref<32x1000xf32, #tpu.memory_space<hbm>>)
    %add3A_706 = arith.constant 768 : i32
    %add3A_707 = arith.addi %add3A_706, %add3A : i32
    %mul3A_708 = arith.constant 32 : i32
    %mul3A_709 = arith.muli %add3A_707, %mul3A_708 : i32
    %dma_start3A_710 = arith.constant 0 : i32
    %dma_start3A_711 = arith.constant 0 : i32
    %dma_start3A_712 = arith.constant 0 : i32
    %dma_start3A_713 = tpu.memref_slice %arg5[%dma_start3A_710, %dma_start3A_711, %dma_start3A_712] : memref<2x32x1000xf32, #tpu.memory_space<vmem>> -> memref<1x32x1000xf32, #tpu.memory_space<vmem>>
    %dma_start3A_714 = tpu.memref_squeeze %dma_start3A_713 : memref<1x32x1000xf32, #tpu.memory_space<vmem>> -> memref<32x1000xf32, #tpu.memory_space<vmem>>
    %dma_start3A_715 = arith.constant 0 : i32
    %dma_start3A_716 = tpu.memref_slice %arg4[%mul3A_709, %dma_start3A_715] : memref<51200x1000xf32, #tpu.memory_space<hbm>> -> memref<32x1000xf32, #tpu.memory_space<hbm>>
    %dma_start3A_717 = arith.constant 0 : i32
    %dma_start3A_718 = tpu.memref_slice %arg4[%mul3A_709, %dma_start3A_717] : memref<51200x1000xf32, #tpu.memory_space<hbm>> -> memref<32x1000xf32, #tpu.memory_space<hbm>>
    %dma_start3A_719 = arith.constant 0 : i32
    %dma_start3A_720 = arith.constant 0 : i32
    %dma_start3A_721 = tpu.memref_slice %arg5[%dma_start3A_710, %dma_start3A_719, %dma_start3A_720] : memref<2x32x1000xf32, #tpu.memory_space<vmem>> -> memref<1x32x1000xf32, #tpu.memory_space<vmem>>
    %dma_start3A_722 = tpu.memref_squeeze %dma_start3A_721 : memref<1x32x1000xf32, #tpu.memory_space<vmem>> -> memref<32x1000xf32, #tpu.memory_space<vmem>>
    tpu.enqueue_dma source(%dma_start3A_722 : memref<32x1000xf32, #tpu.memory_space<vmem>>) target(%dma_start3A_718 : memref<32x1000xf32, #tpu.memory_space<hbm>>) target_semaphore(%arg6 : memref<!tpu.dma_semaphore, #tpu.memory_space<semaphore_mem>>)
    %dma_wait3A_723 = arith.constant 1 : i32
    %dma_wait3A_724 = arith.constant 0 : i32
    %dma_wait3A_725 = arith.constant 0 : i32
    %dma_wait3A_726 = tpu.memref_slice %arg5[%dma_wait3A_723, %dma_wait3A_724, %dma_wait3A_725] : memref<2x32x1000xf32, #tpu.memory_space<vmem>> -> memref<1x32x1000xf32, #tpu.memory_space<vmem>>
    %dma_wait3A_727 = tpu.memref_squeeze %dma_wait3A_726 : memref<1x32x1000xf32, #tpu.memory_space<vmem>> -> memref<32x1000xf32, #tpu.memory_space<vmem>>
    %dma_wait3A_728 = arith.constant 0 : i32
    %dma_wait3A_729 = tpu.memref_slice %arg4[%mul3A_679, %dma_wait3A_728] : memref<51200x1000xf32, #tpu.memory_space<hbm>> -> memref<32x1000xf32, #tpu.memory_space<hbm>>
    %dma_wait3A_730 = arith.constant 0 : i32
    %dma_wait3A_731 = tpu.memref_slice %arg4[%mul3A_679, %dma_wait3A_730] : memref<51200x1000xf32, #tpu.memory_space<hbm>> -> memref<32x1000xf32, #tpu.memory_space<hbm>>
    %dma_wait3A_732 = arith.constant 0 : i32
    %dma_wait3A_733 = arith.constant 0 : i32
    %dma_wait3A_734 = tpu.memref_slice %arg5[%dma_wait3A_723, %dma_wait3A_732, %dma_wait3A_733] : memref<2x32x1000xf32, #tpu.memory_space<vmem>> -> memref<1x32x1000xf32, #tpu.memory_space<vmem>>
    %dma_wait3A_735 = tpu.memref_squeeze %dma_wait3A_734 : memref<1x32x1000xf32, #tpu.memory_space<vmem>> -> memref<32x1000xf32, #tpu.memory_space<vmem>>
    tpu.wait_dma2 semaphore(%arg6 : memref<!tpu.dma_semaphore, #tpu.memory_space<semaphore_mem>>) src(%dma_wait3A_735 : memref<32x1000xf32, #tpu.memory_space<vmem>>) dst(%dma_wait3A_731 : memref<32x1000xf32, #tpu.memory_space<hbm>>)
    %add3A_736 = arith.constant 800 : i32
    %add3A_737 = arith.addi %add3A_736, %add3A : i32
    %mul3A_738 = arith.constant 32 : i32
    %mul3A_739 = arith.muli %add3A_737, %mul3A_738 : i32
    %dma_start3A_740 = arith.constant 1 : i32
    %dma_start3A_741 = arith.constant 0 : i32
    %dma_start3A_742 = arith.constant 0 : i32
    %dma_start3A_743 = tpu.memref_slice %arg5[%dma_start3A_740, %dma_start3A_741, %dma_start3A_742] : memref<2x32x1000xf32, #tpu.memory_space<vmem>> -> memref<1x32x1000xf32, #tpu.memory_space<vmem>>
    %dma_start3A_744 = tpu.memref_squeeze %dma_start3A_743 : memref<1x32x1000xf32, #tpu.memory_space<vmem>> -> memref<32x1000xf32, #tpu.memory_space<vmem>>
    %dma_start3A_745 = arith.constant 0 : i32
    %dma_start3A_746 = tpu.memref_slice %arg4[%mul3A_739, %dma_start3A_745] : memref<51200x1000xf32, #tpu.memory_space<hbm>> -> memref<32x1000xf32, #tpu.memory_space<hbm>>
    %dma_start3A_747 = arith.constant 0 : i32
    %dma_start3A_748 = tpu.memref_slice %arg4[%mul3A_739, %dma_start3A_747] : memref<51200x1000xf32, #tpu.memory_space<hbm>> -> memref<32x1000xf32, #tpu.memory_space<hbm>>
    %dma_start3A_749 = arith.constant 0 : i32
    %dma_start3A_750 = arith.constant 0 : i32
    %dma_start3A_751 = tpu.memref_slice %arg5[%dma_start3A_740, %dma_start3A_749, %dma_start3A_750] : memref<2x32x1000xf32, #tpu.memory_space<vmem>> -> memref<1x32x1000xf32, #tpu.memory_space<vmem>>
    %dma_start3A_752 = tpu.memref_squeeze %dma_start3A_751 : memref<1x32x1000xf32, #tpu.memory_space<vmem>> -> memref<32x1000xf32, #tpu.memory_space<vmem>>
    tpu.enqueue_dma source(%dma_start3A_752 : memref<32x1000xf32, #tpu.memory_space<vmem>>) target(%dma_start3A_748 : memref<32x1000xf32, #tpu.memory_space<hbm>>) target_semaphore(%arg6 : memref<!tpu.dma_semaphore, #tpu.memory_space<semaphore_mem>>)
    %dma_wait3A_753 = arith.constant 0 : i32
    %dma_wait3A_754 = arith.constant 0 : i32
    %dma_wait3A_755 = arith.constant 0 : i32
    %dma_wait3A_756 = tpu.memref_slice %arg5[%dma_wait3A_753, %dma_wait3A_754, %dma_wait3A_755] : memref<2x32x1000xf32, #tpu.memory_space<vmem>> -> memref<1x32x1000xf32, #tpu.memory_space<vmem>>
    %dma_wait3A_757 = tpu.memref_squeeze %dma_wait3A_756 : memref<1x32x1000xf32, #tpu.memory_space<vmem>> -> memref<32x1000xf32, #tpu.memory_space<vmem>>
    %dma_wait3A_758 = arith.constant 0 : i32
    %dma_wait3A_759 = tpu.memref_slice %arg4[%mul3A_709, %dma_wait3A_758] : memref<51200x1000xf32, #tpu.memory_space<hbm>> -> memref<32x1000xf32, #tpu.memory_space<hbm>>
    %dma_wait3A_760 = arith.constant 0 : i32
    %dma_wait3A_761 = tpu.memref_slice %arg4[%mul3A_709, %dma_wait3A_760] : memref<51200x1000xf32, #tpu.memory_space<hbm>> -> memref<32x1000xf32, #tpu.memory_space<hbm>>
    %dma_wait3A_762 = arith.constant 0 : i32
    %dma_wait3A_763 = arith.constant 0 : i32
    %dma_wait3A_764 = tpu.memref_slice %arg5[%dma_wait3A_753, %dma_wait3A_762, %dma_wait3A_763] : memref<2x32x1000xf32, #tpu.memory_space<vmem>> -> memref<1x32x1000xf32, #tpu.memory_space<vmem>>
    %dma_wait3A_765 = tpu.memref_squeeze %dma_wait3A_764 : memref<1x32x1000xf32, #tpu.memory_space<vmem>> -> memref<32x1000xf32, #tpu.memory_space<vmem>>
    tpu.wait_dma2 semaphore(%arg6 : memref<!tpu.dma_semaphore, #tpu.memory_space<semaphore_mem>>) src(%dma_wait3A_765 : memref<32x1000xf32, #tpu.memory_space<vmem>>) dst(%dma_wait3A_761 : memref<32x1000xf32, #tpu.memory_space<hbm>>)
    %add3A_766 = arith.constant 832 : i32
    %add3A_767 = arith.addi %add3A_766, %add3A : i32
    %mul3A_768 = arith.constant 32 : i32
    %mul3A_769 = arith.muli %add3A_767, %mul3A_768 : i32
    %dma_start3A_770 = arith.constant 0 : i32
    %dma_start3A_771 = arith.constant 0 : i32
    %dma_start3A_772 = arith.constant 0 : i32
    %dma_start3A_773 = tpu.memref_slice %arg5[%dma_start3A_770, %dma_start3A_771, %dma_start3A_772] : memref<2x32x1000xf32, #tpu.memory_space<vmem>> -> memref<1x32x1000xf32, #tpu.memory_space<vmem>>
    %dma_start3A_774 = tpu.memref_squeeze %dma_start3A_773 : memref<1x32x1000xf32, #tpu.memory_space<vmem>> -> memref<32x1000xf32, #tpu.memory_space<vmem>>
    %dma_start3A_775 = arith.constant 0 : i32
    %dma_start3A_776 = tpu.memref_slice %arg4[%mul3A_769, %dma_start3A_775] : memref<51200x1000xf32, #tpu.memory_space<hbm>> -> memref<32x1000xf32, #tpu.memory_space<hbm>>
    %dma_start3A_777 = arith.constant 0 : i32
    %dma_start3A_778 = tpu.memref_slice %arg4[%mul3A_769, %dma_start3A_777] : memref<51200x1000xf32, #tpu.memory_space<hbm>> -> memref<32x1000xf32, #tpu.memory_space<hbm>>
    %dma_start3A_779 = arith.constant 0 : i32
    %dma_start3A_780 = arith.constant 0 : i32
    %dma_start3A_781 = tpu.memref_slice %arg5[%dma_start3A_770, %dma_start3A_779, %dma_start3A_780] : memref<2x32x1000xf32, #tpu.memory_space<vmem>> -> memref<1x32x1000xf32, #tpu.memory_space<vmem>>
    %dma_start3A_782 = tpu.memref_squeeze %dma_start3A_781 : memref<1x32x1000xf32, #tpu.memory_space<vmem>> -> memref<32x1000xf32, #tpu.memory_space<vmem>>
    tpu.enqueue_dma source(%dma_start3A_782 : memref<32x1000xf32, #tpu.memory_space<vmem>>) target(%dma_start3A_778 : memref<32x1000xf32, #tpu.memory_space<hbm>>) target_semaphore(%arg6 : memref<!tpu.dma_semaphore, #tpu.memory_space<semaphore_mem>>)
    %dma_wait3A_783 = arith.constant 1 : i32
    %dma_wait3A_784 = arith.constant 0 : i32
    %dma_wait3A_785 = arith.constant 0 : i32
    %dma_wait3A_786 = tpu.memref_slice %arg5[%dma_wait3A_783, %dma_wait3A_784, %dma_wait3A_785] : memref<2x32x1000xf32, #tpu.memory_space<vmem>> -> memref<1x32x1000xf32, #tpu.memory_space<vmem>>
    %dma_wait3A_787 = tpu.memref_squeeze %dma_wait3A_786 : memref<1x32x1000xf32, #tpu.memory_space<vmem>> -> memref<32x1000xf32, #tpu.memory_space<vmem>>
    %dma_wait3A_788 = arith.constant 0 : i32
    %dma_wait3A_789 = tpu.memref_slice %arg4[%mul3A_739, %dma_wait3A_788] : memref<51200x1000xf32, #tpu.memory_space<hbm>> -> memref<32x1000xf32, #tpu.memory_space<hbm>>
    %dma_wait3A_790 = arith.constant 0 : i32
    %dma_wait3A_791 = tpu.memref_slice %arg4[%mul3A_739, %dma_wait3A_790] : memref<51200x1000xf32, #tpu.memory_space<hbm>> -> memref<32x1000xf32, #tpu.memory_space<hbm>>
    %dma_wait3A_792 = arith.constant 0 : i32
    %dma_wait3A_793 = arith.constant 0 : i32
    %dma_wait3A_794 = tpu.memref_slice %arg5[%dma_wait3A_783, %dma_wait3A_792, %dma_wait3A_793] : memref<2x32x1000xf32, #tpu.memory_space<vmem>> -> memref<1x32x1000xf32, #tpu.memory_space<vmem>>
    %dma_wait3A_795 = tpu.memref_squeeze %dma_wait3A_794 : memref<1x32x1000xf32, #tpu.memory_space<vmem>> -> memref<32x1000xf32, #tpu.memory_space<vmem>>
    tpu.wait_dma2 semaphore(%arg6 : memref<!tpu.dma_semaphore, #tpu.memory_space<semaphore_mem>>) src(%dma_wait3A_795 : memref<32x1000xf32, #tpu.memory_space<vmem>>) dst(%dma_wait3A_791 : memref<32x1000xf32, #tpu.memory_space<hbm>>)
    %add3A_796 = arith.constant 864 : i32
    %add3A_797 = arith.addi %add3A_796, %add3A : i32
    %mul3A_798 = arith.constant 32 : i32
    %mul3A_799 = arith.muli %add3A_797, %mul3A_798 : i32
    %dma_start3A_800 = arith.constant 1 : i32
    %dma_start3A_801 = arith.constant 0 : i32
    %dma_start3A_802 = arith.constant 0 : i32
    %dma_start3A_803 = tpu.memref_slice %arg5[%dma_start3A_800, %dma_start3A_801, %dma_start3A_802] : memref<2x32x1000xf32, #tpu.memory_space<vmem>> -> memref<1x32x1000xf32, #tpu.memory_space<vmem>>
    %dma_start3A_804 = tpu.memref_squeeze %dma_start3A_803 : memref<1x32x1000xf32, #tpu.memory_space<vmem>> -> memref<32x1000xf32, #tpu.memory_space<vmem>>
    %dma_start3A_805 = arith.constant 0 : i32
    %dma_start3A_806 = tpu.memref_slice %arg4[%mul3A_799, %dma_start3A_805] : memref<51200x1000xf32, #tpu.memory_space<hbm>> -> memref<32x1000xf32, #tpu.memory_space<hbm>>
    %dma_start3A_807 = arith.constant 0 : i32
    %dma_start3A_808 = tpu.memref_slice %arg4[%mul3A_799, %dma_start3A_807] : memref<51200x1000xf32, #tpu.memory_space<hbm>> -> memref<32x1000xf32, #tpu.memory_space<hbm>>
    %dma_start3A_809 = arith.constant 0 : i32
    %dma_start3A_810 = arith.constant 0 : i32
    %dma_start3A_811 = tpu.memref_slice %arg5[%dma_start3A_800, %dma_start3A_809, %dma_start3A_810] : memref<2x32x1000xf32, #tpu.memory_space<vmem>> -> memref<1x32x1000xf32, #tpu.memory_space<vmem>>
    %dma_start3A_812 = tpu.memref_squeeze %dma_start3A_811 : memref<1x32x1000xf32, #tpu.memory_space<vmem>> -> memref<32x1000xf32, #tpu.memory_space<vmem>>
    tpu.enqueue_dma source(%dma_start3A_812 : memref<32x1000xf32, #tpu.memory_space<vmem>>) target(%dma_start3A_808 : memref<32x1000xf32, #tpu.memory_space<hbm>>) target_semaphore(%arg6 : memref<!tpu.dma_semaphore, #tpu.memory_space<semaphore_mem>>)
    %dma_wait3A_813 = arith.constant 0 : i32
    %dma_wait3A_814 = arith.constant 0 : i32
    %dma_wait3A_815 = arith.constant 0 : i32
    %dma_wait3A_816 = tpu.memref_slice %arg5[%dma_wait3A_813, %dma_wait3A_814, %dma_wait3A_815] : memref<2x32x1000xf32, #tpu.memory_space<vmem>> -> memref<1x32x1000xf32, #tpu.memory_space<vmem>>
    %dma_wait3A_817 = tpu.memref_squeeze %dma_wait3A_816 : memref<1x32x1000xf32, #tpu.memory_space<vmem>> -> memref<32x1000xf32, #tpu.memory_space<vmem>>
    %dma_wait3A_818 = arith.constant 0 : i32
    %dma_wait3A_819 = tpu.memref_slice %arg4[%mul3A_769, %dma_wait3A_818] : memref<51200x1000xf32, #tpu.memory_space<hbm>> -> memref<32x1000xf32, #tpu.memory_space<hbm>>
    %dma_wait3A_820 = arith.constant 0 : i32
    %dma_wait3A_821 = tpu.memref_slice %arg4[%mul3A_769, %dma_wait3A_820] : memref<51200x1000xf32, #tpu.memory_space<hbm>> -> memref<32x1000xf32, #tpu.memory_space<hbm>>
    %dma_wait3A_822 = arith.constant 0 : i32
    %dma_wait3A_823 = arith.constant 0 : i32
    %dma_wait3A_824 = tpu.memref_slice %arg5[%dma_wait3A_813, %dma_wait3A_822, %dma_wait3A_823] : memref<2x32x1000xf32, #tpu.memory_space<vmem>> -> memref<1x32x1000xf32, #tpu.memory_space<vmem>>
    %dma_wait3A_825 = tpu.memref_squeeze %dma_wait3A_824 : memref<1x32x1000xf32, #tpu.memory_space<vmem>> -> memref<32x1000xf32, #tpu.memory_space<vmem>>
    tpu.wait_dma2 semaphore(%arg6 : memref<!tpu.dma_semaphore, #tpu.memory_space<semaphore_mem>>) src(%dma_wait3A_825 : memref<32x1000xf32, #tpu.memory_space<vmem>>) dst(%dma_wait3A_821 : memref<32x1000xf32, #tpu.memory_space<hbm>>)
    %add3A_826 = arith.constant 896 : i32
    %add3A_827 = arith.addi %add3A_826, %add3A : i32
    %mul3A_828 = arith.constant 32 : i32
    %mul3A_829 = arith.muli %add3A_827, %mul3A_828 : i32
    %dma_start3A_830 = arith.constant 0 : i32
    %dma_start3A_831 = arith.constant 0 : i32
    %dma_start3A_832 = arith.constant 0 : i32
    %dma_start3A_833 = tpu.memref_slice %arg5[%dma_start3A_830, %dma_start3A_831, %dma_start3A_832] : memref<2x32x1000xf32, #tpu.memory_space<vmem>> -> memref<1x32x1000xf32, #tpu.memory_space<vmem>>
    %dma_start3A_834 = tpu.memref_squeeze %dma_start3A_833 : memref<1x32x1000xf32, #tpu.memory_space<vmem>> -> memref<32x1000xf32, #tpu.memory_space<vmem>>
    %dma_start3A_835 = arith.constant 0 : i32
    %dma_start3A_836 = tpu.memref_slice %arg4[%mul3A_829, %dma_start3A_835] : memref<51200x1000xf32, #tpu.memory_space<hbm>> -> memref<32x1000xf32, #tpu.memory_space<hbm>>
    %dma_start3A_837 = arith.constant 0 : i32
    %dma_start3A_838 = tpu.memref_slice %arg4[%mul3A_829, %dma_start3A_837] : memref<51200x1000xf32, #tpu.memory_space<hbm>> -> memref<32x1000xf32, #tpu.memory_space<hbm>>
    %dma_start3A_839 = arith.constant 0 : i32
    %dma_start3A_840 = arith.constant 0 : i32
    %dma_start3A_841 = tpu.memref_slice %arg5[%dma_start3A_830, %dma_start3A_839, %dma_start3A_840] : memref<2x32x1000xf32, #tpu.memory_space<vmem>> -> memref<1x32x1000xf32, #tpu.memory_space<vmem>>
    %dma_start3A_842 = tpu.memref_squeeze %dma_start3A_841 : memref<1x32x1000xf32, #tpu.memory_space<vmem>> -> memref<32x1000xf32, #tpu.memory_space<vmem>>
    tpu.enqueue_dma source(%dma_start3A_842 : memref<32x1000xf32, #tpu.memory_space<vmem>>) target(%dma_start3A_838 : memref<32x1000xf32, #tpu.memory_space<hbm>>) target_semaphore(%arg6 : memref<!tpu.dma_semaphore, #tpu.memory_space<semaphore_mem>>)
    %dma_wait3A_843 = arith.constant 1 : i32
    %dma_wait3A_844 = arith.constant 0 : i32
    %dma_wait3A_845 = arith.constant 0 : i32
    %dma_wait3A_846 = tpu.memref_slice %arg5[%dma_wait3A_843, %dma_wait3A_844, %dma_wait3A_845] : memref<2x32x1000xf32, #tpu.memory_space<vmem>> -> memref<1x32x1000xf32, #tpu.memory_space<vmem>>
    %dma_wait3A_847 = tpu.memref_squeeze %dma_wait3A_846 : memref<1x32x1000xf32, #tpu.memory_space<vmem>> -> memref<32x1000xf32, #tpu.memory_space<vmem>>
    %dma_wait3A_848 = arith.constant 0 : i32
    %dma_wait3A_849 = tpu.memref_slice %arg4[%mul3A_799, %dma_wait3A_848] : memref<51200x1000xf32, #tpu.memory_space<hbm>> -> memref<32x1000xf32, #tpu.memory_space<hbm>>
    %dma_wait3A_850 = arith.constant 0 : i32
    %dma_wait3A_851 = tpu.memref_slice %arg4[%mul3A_799, %dma_wait3A_850] : memref<51200x1000xf32, #tpu.memory_space<hbm>> -> memref<32x1000xf32, #tpu.memory_space<hbm>>
    %dma_wait3A_852 = arith.constant 0 : i32
    %dma_wait3A_853 = arith.constant 0 : i32
    %dma_wait3A_854 = tpu.memref_slice %arg5[%dma_wait3A_843, %dma_wait3A_852, %dma_wait3A_853] : memref<2x32x1000xf32, #tpu.memory_space<vmem>> -> memref<1x32x1000xf32, #tpu.memory_space<vmem>>
    %dma_wait3A_855 = tpu.memref_squeeze %dma_wait3A_854 : memref<1x32x1000xf32, #tpu.memory_space<vmem>> -> memref<32x1000xf32, #tpu.memory_space<vmem>>
    tpu.wait_dma2 semaphore(%arg6 : memref<!tpu.dma_semaphore, #tpu.memory_space<semaphore_mem>>) src(%dma_wait3A_855 : memref<32x1000xf32, #tpu.memory_space<vmem>>) dst(%dma_wait3A_851 : memref<32x1000xf32, #tpu.memory_space<hbm>>)
    %add3A_856 = arith.constant 928 : i32
    %add3A_857 = arith.addi %add3A_856, %add3A : i32
    %mul3A_858 = arith.constant 32 : i32
    %mul3A_859 = arith.muli %add3A_857, %mul3A_858 : i32
    %dma_start3A_860 = arith.constant 1 : i32
    %dma_start3A_861 = arith.constant 0 : i32
    %dma_start3A_862 = arith.constant 0 : i32
    %dma_start3A_863 = tpu.memref_slice %arg5[%dma_start3A_860, %dma_start3A_861, %dma_start3A_862] : memref<2x32x1000xf32, #tpu.memory_space<vmem>> -> memref<1x32x1000xf32, #tpu.memory_space<vmem>>
    %dma_start3A_864 = tpu.memref_squeeze %dma_start3A_863 : memref<1x32x1000xf32, #tpu.memory_space<vmem>> -> memref<32x1000xf32, #tpu.memory_space<vmem>>
    %dma_start3A_865 = arith.constant 0 : i32
    %dma_start3A_866 = tpu.memref_slice %arg4[%mul3A_859, %dma_start3A_865] : memref<51200x1000xf32, #tpu.memory_space<hbm>> -> memref<32x1000xf32, #tpu.memory_space<hbm>>
    %dma_start3A_867 = arith.constant 0 : i32
    %dma_start3A_868 = tpu.memref_slice %arg4[%mul3A_859, %dma_start3A_867] : memref<51200x1000xf32, #tpu.memory_space<hbm>> -> memref<32x1000xf32, #tpu.memory_space<hbm>>
    %dma_start3A_869 = arith.constant 0 : i32
    %dma_start3A_870 = arith.constant 0 : i32
    %dma_start3A_871 = tpu.memref_slice %arg5[%dma_start3A_860, %dma_start3A_869, %dma_start3A_870] : memref<2x32x1000xf32, #tpu.memory_space<vmem>> -> memref<1x32x1000xf32, #tpu.memory_space<vmem>>
    %dma_start3A_872 = tpu.memref_squeeze %dma_start3A_871 : memref<1x32x1000xf32, #tpu.memory_space<vmem>> -> memref<32x1000xf32, #tpu.memory_space<vmem>>
    tpu.enqueue_dma source(%dma_start3A_872 : memref<32x1000xf32, #tpu.memory_space<vmem>>) target(%dma_start3A_868 : memref<32x1000xf32, #tpu.memory_space<hbm>>) target_semaphore(%arg6 : memref<!tpu.dma_semaphore, #tpu.memory_space<semaphore_mem>>)
    %dma_wait3A_873 = arith.constant 0 : i32
    %dma_wait3A_874 = arith.constant 0 : i32
    %dma_wait3A_875 = arith.constant 0 : i32
    %dma_wait3A_876 = tpu.memref_slice %arg5[%dma_wait3A_873, %dma_wait3A_874, %dma_wait3A_875] : memref<2x32x1000xf32, #tpu.memory_space<vmem>> -> memref<1x32x1000xf32, #tpu.memory_space<vmem>>
    %dma_wait3A_877 = tpu.memref_squeeze %dma_wait3A_876 : memref<1x32x1000xf32, #tpu.memory_space<vmem>> -> memref<32x1000xf32, #tpu.memory_space<vmem>>
    %dma_wait3A_878 = arith.constant 0 : i32
    %dma_wait3A_879 = tpu.memref_slice %arg4[%mul3A_829, %dma_wait3A_878] : memref<51200x1000xf32, #tpu.memory_space<hbm>> -> memref<32x1000xf32, #tpu.memory_space<hbm>>
    %dma_wait3A_880 = arith.constant 0 : i32
    %dma_wait3A_881 = tpu.memref_slice %arg4[%mul3A_829, %dma_wait3A_880] : memref<51200x1000xf32, #tpu.memory_space<hbm>> -> memref<32x1000xf32, #tpu.memory_space<hbm>>
    %dma_wait3A_882 = arith.constant 0 : i32
    %dma_wait3A_883 = arith.constant 0 : i32
    %dma_wait3A_884 = tpu.memref_slice %arg5[%dma_wait3A_873, %dma_wait3A_882, %dma_wait3A_883] : memref<2x32x1000xf32, #tpu.memory_space<vmem>> -> memref<1x32x1000xf32, #tpu.memory_space<vmem>>
    %dma_wait3A_885 = tpu.memref_squeeze %dma_wait3A_884 : memref<1x32x1000xf32, #tpu.memory_space<vmem>> -> memref<32x1000xf32, #tpu.memory_space<vmem>>
    tpu.wait_dma2 semaphore(%arg6 : memref<!tpu.dma_semaphore, #tpu.memory_space<semaphore_mem>>) src(%dma_wait3A_885 : memref<32x1000xf32, #tpu.memory_space<vmem>>) dst(%dma_wait3A_881 : memref<32x1000xf32, #tpu.memory_space<hbm>>)
    %add3A_886 = arith.constant 960 : i32
    %add3A_887 = arith.addi %add3A_886, %add3A : i32
    %mul3A_888 = arith.constant 32 : i32
    %mul3A_889 = arith.muli %add3A_887, %mul3A_888 : i32
    %dma_start3A_890 = arith.constant 0 : i32
    %dma_start3A_891 = arith.constant 0 : i32
    %dma_start3A_892 = arith.constant 0 : i32
    %dma_start3A_893 = tpu.memref_slice %arg5[%dma_start3A_890, %dma_start3A_891, %dma_start3A_892] : memref<2x32x1000xf32, #tpu.memory_space<vmem>> -> memref<1x32x1000xf32, #tpu.memory_space<vmem>>
    %dma_start3A_894 = tpu.memref_squeeze %dma_start3A_893 : memref<1x32x1000xf32, #tpu.memory_space<vmem>> -> memref<32x1000xf32, #tpu.memory_space<vmem>>
    %dma_start3A_895 = arith.constant 0 : i32
    %dma_start3A_896 = tpu.memref_slice %arg4[%mul3A_889, %dma_start3A_895] : memref<51200x1000xf32, #tpu.memory_space<hbm>> -> memref<32x1000xf32, #tpu.memory_space<hbm>>
    %dma_start3A_897 = arith.constant 0 : i32
    %dma_start3A_898 = tpu.memref_slice %arg4[%mul3A_889, %dma_start3A_897] : memref<51200x1000xf32, #tpu.memory_space<hbm>> -> memref<32x1000xf32, #tpu.memory_space<hbm>>
    %dma_start3A_899 = arith.constant 0 : i32
    %dma_start3A_900 = arith.constant 0 : i32
    %dma_start3A_901 = tpu.memref_slice %arg5[%dma_start3A_890, %dma_start3A_899, %dma_start3A_900] : memref<2x32x1000xf32, #tpu.memory_space<vmem>> -> memref<1x32x1000xf32, #tpu.memory_space<vmem>>
    %dma_start3A_902 = tpu.memref_squeeze %dma_start3A_901 : memref<1x32x1000xf32, #tpu.memory_space<vmem>> -> memref<32x1000xf32, #tpu.memory_space<vmem>>
    tpu.enqueue_dma source(%dma_start3A_902 : memref<32x1000xf32, #tpu.memory_space<vmem>>) target(%dma_start3A_898 : memref<32x1000xf32, #tpu.memory_space<hbm>>) target_semaphore(%arg6 : memref<!tpu.dma_semaphore, #tpu.memory_space<semaphore_mem>>)
    %dma_wait3A_903 = arith.constant 1 : i32
    %dma_wait3A_904 = arith.constant 0 : i32
    %dma_wait3A_905 = arith.constant 0 : i32
    %dma_wait3A_906 = tpu.memref_slice %arg5[%dma_wait3A_903, %dma_wait3A_904, %dma_wait3A_905] : memref<2x32x1000xf32, #tpu.memory_space<vmem>> -> memref<1x32x1000xf32, #tpu.memory_space<vmem>>
    %dma_wait3A_907 = tpu.memref_squeeze %dma_wait3A_906 : memref<1x32x1000xf32, #tpu.memory_space<vmem>> -> memref<32x1000xf32, #tpu.memory_space<vmem>>
    %dma_wait3A_908 = arith.constant 0 : i32
    %dma_wait3A_909 = tpu.memref_slice %arg4[%mul3A_859, %dma_wait3A_908] : memref<51200x1000xf32, #tpu.memory_space<hbm>> -> memref<32x1000xf32, #tpu.memory_space<hbm>>
    %dma_wait3A_910 = arith.constant 0 : i32
    %dma_wait3A_911 = tpu.memref_slice %arg4[%mul3A_859, %dma_wait3A_910] : memref<51200x1000xf32, #tpu.memory_space<hbm>> -> memref<32x1000xf32, #tpu.memory_space<hbm>>
    %dma_wait3A_912 = arith.constant 0 : i32
    %dma_wait3A_913 = arith.constant 0 : i32
    %dma_wait3A_914 = tpu.memref_slice %arg5[%dma_wait3A_903, %dma_wait3A_912, %dma_wait3A_913] : memref<2x32x1000xf32, #tpu.memory_space<vmem>> -> memref<1x32x1000xf32, #tpu.memory_space<vmem>>
    %dma_wait3A_915 = tpu.memref_squeeze %dma_wait3A_914 : memref<1x32x1000xf32, #tpu.memory_space<vmem>> -> memref<32x1000xf32, #tpu.memory_space<vmem>>
    tpu.wait_dma2 semaphore(%arg6 : memref<!tpu.dma_semaphore, #tpu.memory_space<semaphore_mem>>) src(%dma_wait3A_915 : memref<32x1000xf32, #tpu.memory_space<vmem>>) dst(%dma_wait3A_911 : memref<32x1000xf32, #tpu.memory_space<hbm>>)
    %add3A_916 = arith.constant 992 : i32
    %add3A_917 = arith.addi %add3A_916, %add3A : i32
    %mul3A_918 = arith.constant 32 : i32
    %mul3A_919 = arith.muli %add3A_917, %mul3A_918 : i32
    %dma_start3A_920 = arith.constant 1 : i32
    %dma_start3A_921 = arith.constant 0 : i32
    %dma_start3A_922 = arith.constant 0 : i32
    %dma_start3A_923 = tpu.memref_slice %arg5[%dma_start3A_920, %dma_start3A_921, %dma_start3A_922] : memref<2x32x1000xf32, #tpu.memory_space<vmem>> -> memref<1x32x1000xf32, #tpu.memory_space<vmem>>
    %dma_start3A_924 = tpu.memref_squeeze %dma_start3A_923 : memref<1x32x1000xf32, #tpu.memory_space<vmem>> -> memref<32x1000xf32, #tpu.memory_space<vmem>>
    %dma_start3A_925 = arith.constant 0 : i32
    %dma_start3A_926 = tpu.memref_slice %arg4[%mul3A_919, %dma_start3A_925] : memref<51200x1000xf32, #tpu.memory_space<hbm>> -> memref<32x1000xf32, #tpu.memory_space<hbm>>
    %dma_start3A_927 = arith.constant 0 : i32
    %dma_start3A_928 = tpu.memref_slice %arg4[%mul3A_919, %dma_start3A_927] : memref<51200x1000xf32, #tpu.memory_space<hbm>> -> memref<32x1000xf32, #tpu.memory_space<hbm>>
    %dma_start3A_929 = arith.constant 0 : i32
    %dma_start3A_930 = arith.constant 0 : i32
    %dma_start3A_931 = tpu.memref_slice %arg5[%dma_start3A_920, %dma_start3A_929, %dma_start3A_930] : memref<2x32x1000xf32, #tpu.memory_space<vmem>> -> memref<1x32x1000xf32, #tpu.memory_space<vmem>>
    %dma_start3A_932 = tpu.memref_squeeze %dma_start3A_931 : memref<1x32x1000xf32, #tpu.memory_space<vmem>> -> memref<32x1000xf32, #tpu.memory_space<vmem>>
    tpu.enqueue_dma source(%dma_start3A_932 : memref<32x1000xf32, #tpu.memory_space<vmem>>) target(%dma_start3A_928 : memref<32x1000xf32, #tpu.memory_space<hbm>>) target_semaphore(%arg6 : memref<!tpu.dma_semaphore, #tpu.memory_space<semaphore_mem>>)
    %dma_wait3A_933 = arith.constant 0 : i32
    %dma_wait3A_934 = arith.constant 0 : i32
    %dma_wait3A_935 = arith.constant 0 : i32
    %dma_wait3A_936 = tpu.memref_slice %arg5[%dma_wait3A_933, %dma_wait3A_934, %dma_wait3A_935] : memref<2x32x1000xf32, #tpu.memory_space<vmem>> -> memref<1x32x1000xf32, #tpu.memory_space<vmem>>
    %dma_wait3A_937 = tpu.memref_squeeze %dma_wait3A_936 : memref<1x32x1000xf32, #tpu.memory_space<vmem>> -> memref<32x1000xf32, #tpu.memory_space<vmem>>
    %dma_wait3A_938 = arith.constant 0 : i32
    %dma_wait3A_939 = tpu.memref_slice %arg4[%mul3A_889, %dma_wait3A_938] : memref<51200x1000xf32, #tpu.memory_space<hbm>> -> memref<32x1000xf32, #tpu.memory_space<hbm>>
    %dma_wait3A_940 = arith.constant 0 : i32
    %dma_wait3A_941 = tpu.memref_slice %arg4[%mul3A_889, %dma_wait3A_940] : memref<51200x1000xf32, #tpu.memory_space<hbm>> -> memref<32x1000xf32, #tpu.memory_space<hbm>>
    %dma_wait3A_942 = arith.constant 0 : i32
    %dma_wait3A_943 = arith.constant 0 : i32
    %dma_wait3A_944 = tpu.memref_slice %arg5[%dma_wait3A_933, %dma_wait3A_942, %dma_wait3A_943] : memref<2x32x1000xf32, #tpu.memory_space<vmem>> -> memref<1x32x1000xf32, #tpu.memory_space<vmem>>
    %dma_wait3A_945 = tpu.memref_squeeze %dma_wait3A_944 : memref<1x32x1000xf32, #tpu.memory_space<vmem>> -> memref<32x1000xf32, #tpu.memory_space<vmem>>
    tpu.wait_dma2 semaphore(%arg6 : memref<!tpu.dma_semaphore, #tpu.memory_space<semaphore_mem>>) src(%dma_wait3A_945 : memref<32x1000xf32, #tpu.memory_space<vmem>>) dst(%dma_wait3A_941 : memref<32x1000xf32, #tpu.memory_space<hbm>>)
    %add3A_946 = arith.constant 1024 : i32
    %add3A_947 = arith.addi %add3A_946, %add3A : i32
    %mul3A_948 = arith.constant 32 : i32
    %mul3A_949 = arith.muli %add3A_947, %mul3A_948 : i32
    %dma_start3A_950 = arith.constant 0 : i32
    %dma_start3A_951 = arith.constant 0 : i32
    %dma_start3A_952 = arith.constant 0 : i32
    %dma_start3A_953 = tpu.memref_slice %arg5[%dma_start3A_950, %dma_start3A_951, %dma_start3A_952] : memref<2x32x1000xf32, #tpu.memory_space<vmem>> -> memref<1x32x1000xf32, #tpu.memory_space<vmem>>
    %dma_start3A_954 = tpu.memref_squeeze %dma_start3A_953 : memref<1x32x1000xf32, #tpu.memory_space<vmem>> -> memref<32x1000xf32, #tpu.memory_space<vmem>>
    %dma_start3A_955 = arith.constant 0 : i32
    %dma_start3A_956 = tpu.memref_slice %arg4[%mul3A_949, %dma_start3A_955] : memref<51200x1000xf32, #tpu.memory_space<hbm>> -> memref<32x1000xf32, #tpu.memory_space<hbm>>
    %dma_start3A_957 = arith.constant 0 : i32
    %dma_start3A_958 = tpu.memref_slice %arg4[%mul3A_949, %dma_start3A_957] : memref<51200x1000xf32, #tpu.memory_space<hbm>> -> memref<32x1000xf32, #tpu.memory_space<hbm>>
    %dma_start3A_959 = arith.constant 0 : i32
    %dma_start3A_960 = arith.constant 0 : i32
    %dma_start3A_961 = tpu.memref_slice %arg5[%dma_start3A_950, %dma_start3A_959, %dma_start3A_960] : memref<2x32x1000xf32, #tpu.memory_space<vmem>> -> memref<1x32x1000xf32, #tpu.memory_space<vmem>>
    %dma_start3A_962 = tpu.memref_squeeze %dma_start3A_961 : memref<1x32x1000xf32, #tpu.memory_space<vmem>> -> memref<32x1000xf32, #tpu.memory_space<vmem>>
    tpu.enqueue_dma source(%dma_start3A_962 : memref<32x1000xf32, #tpu.memory_space<vmem>>) target(%dma_start3A_958 : memref<32x1000xf32, #tpu.memory_space<hbm>>) target_semaphore(%arg6 : memref<!tpu.dma_semaphore, #tpu.memory_space<semaphore_mem>>)
    %dma_wait3A_963 = arith.constant 1 : i32
    %dma_wait3A_964 = arith.constant 0 : i32
    %dma_wait3A_965 = arith.constant 0 : i32
    %dma_wait3A_966 = tpu.memref_slice %arg5[%dma_wait3A_963, %dma_wait3A_964, %dma_wait3A_965] : memref<2x32x1000xf32, #tpu.memory_space<vmem>> -> memref<1x32x1000xf32, #tpu.memory_space<vmem>>
    %dma_wait3A_967 = tpu.memref_squeeze %dma_wait3A_966 : memref<1x32x1000xf32, #tpu.memory_space<vmem>> -> memref<32x1000xf32, #tpu.memory_space<vmem>>
    %dma_wait3A_968 = arith.constant 0 : i32
    %dma_wait3A_969 = tpu.memref_slice %arg4[%mul3A_919, %dma_wait3A_968] : memref<51200x1000xf32, #tpu.memory_space<hbm>> -> memref<32x1000xf32, #tpu.memory_space<hbm>>
    %dma_wait3A_970 = arith.constant 0 : i32
    %dma_wait3A_971 = tpu.memref_slice %arg4[%mul3A_919, %dma_wait3A_970] : memref<51200x1000xf32, #tpu.memory_space<hbm>> -> memref<32x1000xf32, #tpu.memory_space<hbm>>
    %dma_wait3A_972 = arith.constant 0 : i32
    %dma_wait3A_973 = arith.constant 0 : i32
    %dma_wait3A_974 = tpu.memref_slice %arg5[%dma_wait3A_963, %dma_wait3A_972, %dma_wait3A_973] : memref<2x32x1000xf32, #tpu.memory_space<vmem>> -> memref<1x32x1000xf32, #tpu.memory_space<vmem>>
    %dma_wait3A_975 = tpu.memref_squeeze %dma_wait3A_974 : memref<1x32x1000xf32, #tpu.memory_space<vmem>> -> memref<32x1000xf32, #tpu.memory_space<vmem>>
    tpu.wait_dma2 semaphore(%arg6 : memref<!tpu.dma_semaphore, #tpu.memory_space<semaphore_mem>>) src(%dma_wait3A_975 : memref<32x1000xf32, #tpu.memory_space<vmem>>) dst(%dma_wait3A_971 : memref<32x1000xf32, #tpu.memory_space<hbm>>)
    %add3A_976 = arith.constant 1056 : i32
    %add3A_977 = arith.addi %add3A_976, %add3A : i32
    %mul3A_978 = arith.constant 32 : i32
    %mul3A_979 = arith.muli %add3A_977, %mul3A_978 : i32
    %dma_start3A_980 = arith.constant 1 : i32
    %dma_start3A_981 = arith.constant 0 : i32
    %dma_start3A_982 = arith.constant 0 : i32
    %dma_start3A_983 = tpu.memref_slice %arg5[%dma_start3A_980, %dma_start3A_981, %dma_start3A_982] : memref<2x32x1000xf32, #tpu.memory_space<vmem>> -> memref<1x32x1000xf32, #tpu.memory_space<vmem>>
    %dma_start3A_984 = tpu.memref_squeeze %dma_start3A_983 : memref<1x32x1000xf32, #tpu.memory_space<vmem>> -> memref<32x1000xf32, #tpu.memory_space<vmem>>
    %dma_start3A_985 = arith.constant 0 : i32
    %dma_start3A_986 = tpu.memref_slice %arg4[%mul3A_979, %dma_start3A_985] : memref<51200x1000xf32, #tpu.memory_space<hbm>> -> memref<32x1000xf32, #tpu.memory_space<hbm>>
    %dma_start3A_987 = arith.constant 0 : i32
    %dma_start3A_988 = tpu.memref_slice %arg4[%mul3A_979, %dma_start3A_987] : memref<51200x1000xf32, #tpu.memory_space<hbm>> -> memref<32x1000xf32, #tpu.memory_space<hbm>>
    %dma_start3A_989 = arith.constant 0 : i32
    %dma_start3A_990 = arith.constant 0 : i32
    %dma_start3A_991 = tpu.memref_slice %arg5[%dma_start3A_980, %dma_start3A_989, %dma_start3A_990] : memref<2x32x1000xf32, #tpu.memory_space<vmem>> -> memref<1x32x1000xf32, #tpu.memory_space<vmem>>
    %dma_start3A_992 = tpu.memref_squeeze %dma_start3A_991 : memref<1x32x1000xf32, #tpu.memory_space<vmem>> -> memref<32x1000xf32, #tpu.memory_space<vmem>>
    tpu.enqueue_dma source(%dma_start3A_992 : memref<32x1000xf32, #tpu.memory_space<vmem>>) target(%dma_start3A_988 : memref<32x1000xf32, #tpu.memory_space<hbm>>) target_semaphore(%arg6 : memref<!tpu.dma_semaphore, #tpu.memory_space<semaphore_mem>>)
    %dma_wait3A_993 = arith.constant 0 : i32
    %dma_wait3A_994 = arith.constant 0 : i32
    %dma_wait3A_995 = arith.constant 0 : i32
    %dma_wait3A_996 = tpu.memref_slice %arg5[%dma_wait3A_993, %dma_wait3A_994, %dma_wait3A_995] : memref<2x32x1000xf32, #tpu.memory_space<vmem>> -> memref<1x32x1000xf32, #tpu.memory_space<vmem>>
    %dma_wait3A_997 = tpu.memref_squeeze %dma_wait3A_996 : memref<1x32x1000xf32, #tpu.memory_space<vmem>> -> memref<32x1000xf32, #tpu.memory_space<vmem>>
    %dma_wait3A_998 = arith.constant 0 : i32
    %dma_wait3A_999 = tpu.memref_slice %arg4[%mul3A_949, %dma_wait3A_998] : memref<51200x1000xf32, #tpu.memory_space<hbm>> -> memref<32x1000xf32, #tpu.memory_space<hbm>>
    %dma_wait3A_1000 = arith.constant 0 : i32
    %dma_wait3A_1001 = tpu.memref_slice %arg4[%mul3A_949, %dma_wait3A_1000] : memref<51200x1000xf32, #tpu.memory_space<hbm>> -> memref<32x1000xf32, #tpu.memory_space<hbm>>
    %dma_wait3A_1002 = arith.constant 0 : i32
    %dma_wait3A_1003 = arith.constant 0 : i32
    %dma_wait3A_1004 = tpu.memref_slice %arg5[%dma_wait3A_993, %dma_wait3A_1002, %dma_wait3A_1003] : memref<2x32x1000xf32, #tpu.memory_space<vmem>> -> memref<1x32x1000xf32, #tpu.memory_space<vmem>>
    %dma_wait3A_1005 = tpu.memref_squeeze %dma_wait3A_1004 : memref<1x32x1000xf32, #tpu.memory_space<vmem>> -> memref<32x1000xf32, #tpu.memory_space<vmem>>
    tpu.wait_dma2 semaphore(%arg6 : memref<!tpu.dma_semaphore, #tpu.memory_space<semaphore_mem>>) src(%dma_wait3A_1005 : memref<32x1000xf32, #tpu.memory_space<vmem>>) dst(%dma_wait3A_1001 : memref<32x1000xf32, #tpu.memory_space<hbm>>)
    %add3A_1006 = arith.constant 1088 : i32
    %add3A_1007 = arith.addi %add3A_1006, %add3A : i32
    %mul3A_1008 = arith.constant 32 : i32
    %mul3A_1009 = arith.muli %add3A_1007, %mul3A_1008 : i32
    %dma_start3A_1010 = arith.constant 0 : i32
    %dma_start3A_1011 = arith.constant 0 : i32
    %dma_start3A_1012 = arith.constant 0 : i32
    %dma_start3A_1013 = tpu.memref_slice %arg5[%dma_start3A_1010, %dma_start3A_1011, %dma_start3A_1012] : memref<2x32x1000xf32, #tpu.memory_space<vmem>> -> memref<1x32x1000xf32, #tpu.memory_space<vmem>>
    %dma_start3A_1014 = tpu.memref_squeeze %dma_start3A_1013 : memref<1x32x1000xf32, #tpu.memory_space<vmem>> -> memref<32x1000xf32, #tpu.memory_space<vmem>>
    %dma_start3A_1015 = arith.constant 0 : i32
    %dma_start3A_1016 = tpu.memref_slice %arg4[%mul3A_1009, %dma_start3A_1015] : memref<51200x1000xf32, #tpu.memory_space<hbm>> -> memref<32x1000xf32, #tpu.memory_space<hbm>>
    %dma_start3A_1017 = arith.constant 0 : i32
    %dma_start3A_1018 = tpu.memref_slice %arg4[%mul3A_1009, %dma_start3A_1017] : memref<51200x1000xf32, #tpu.memory_space<hbm>> -> memref<32x1000xf32, #tpu.memory_space<hbm>>
    %dma_start3A_1019 = arith.constant 0 : i32
    %dma_start3A_1020 = arith.constant 0 : i32
    %dma_start3A_1021 = tpu.memref_slice %arg5[%dma_start3A_1010, %dma_start3A_1019, %dma_start3A_1020] : memref<2x32x1000xf32, #tpu.memory_space<vmem>> -> memref<1x32x1000xf32, #tpu.memory_space<vmem>>
    %dma_start3A_1022 = tpu.memref_squeeze %dma_start3A_1021 : memref<1x32x1000xf32, #tpu.memory_space<vmem>> -> memref<32x1000xf32, #tpu.memory_space<vmem>>
    tpu.enqueue_dma source(%dma_start3A_1022 : memref<32x1000xf32, #tpu.memory_space<vmem>>) target(%dma_start3A_1018 : memref<32x1000xf32, #tpu.memory_space<hbm>>) target_semaphore(%arg6 : memref<!tpu.dma_semaphore, #tpu.memory_space<semaphore_mem>>)
    %dma_wait3A_1023 = arith.constant 1 : i32
    %dma_wait3A_1024 = arith.constant 0 : i32
    %dma_wait3A_1025 = arith.constant 0 : i32
    %dma_wait3A_1026 = tpu.memref_slice %arg5[%dma_wait3A_1023, %dma_wait3A_1024, %dma_wait3A_1025] : memref<2x32x1000xf32, #tpu.memory_space<vmem>> -> memref<1x32x1000xf32, #tpu.memory_space<vmem>>
    %dma_wait3A_1027 = tpu.memref_squeeze %dma_wait3A_1026 : memref<1x32x1000xf32, #tpu.memory_space<vmem>> -> memref<32x1000xf32, #tpu.memory_space<vmem>>
    %dma_wait3A_1028 = arith.constant 0 : i32
    %dma_wait3A_1029 = tpu.memref_slice %arg4[%mul3A_979, %dma_wait3A_1028] : memref<51200x1000xf32, #tpu.memory_space<hbm>> -> memref<32x1000xf32, #tpu.memory_space<hbm>>
    %dma_wait3A_1030 = arith.constant 0 : i32
    %dma_wait3A_1031 = tpu.memref_slice %arg4[%mul3A_979, %dma_wait3A_1030] : memref<51200x1000xf32, #tpu.memory_space<hbm>> -> memref<32x1000xf32, #tpu.memory_space<hbm>>
    %dma_wait3A_1032 = arith.constant 0 : i32
    %dma_wait3A_1033 = arith.constant 0 : i32
    %dma_wait3A_1034 = tpu.memref_slice %arg5[%dma_wait3A_1023, %dma_wait3A_1032, %dma_wait3A_1033] : memref<2x32x1000xf32, #tpu.memory_space<vmem>> -> memref<1x32x1000xf32, #tpu.memory_space<vmem>>
    %dma_wait3A_1035 = tpu.memref_squeeze %dma_wait3A_1034 : memref<1x32x1000xf32, #tpu.memory_space<vmem>> -> memref<32x1000xf32, #tpu.memory_space<vmem>>
    tpu.wait_dma2 semaphore(%arg6 : memref<!tpu.dma_semaphore, #tpu.memory_space<semaphore_mem>>) src(%dma_wait3A_1035 : memref<32x1000xf32, #tpu.memory_space<vmem>>) dst(%dma_wait3A_1031 : memref<32x1000xf32, #tpu.memory_space<hbm>>)
    %add3A_1036 = arith.constant 1120 : i32
    %add3A_1037 = arith.addi %add3A_1036, %add3A : i32
    %mul3A_1038 = arith.constant 32 : i32
    %mul3A_1039 = arith.muli %add3A_1037, %mul3A_1038 : i32
    %dma_start3A_1040 = arith.constant 1 : i32
    %dma_start3A_1041 = arith.constant 0 : i32
    %dma_start3A_1042 = arith.constant 0 : i32
    %dma_start3A_1043 = tpu.memref_slice %arg5[%dma_start3A_1040, %dma_start3A_1041, %dma_start3A_1042] : memref<2x32x1000xf32, #tpu.memory_space<vmem>> -> memref<1x32x1000xf32, #tpu.memory_space<vmem>>
    %dma_start3A_1044 = tpu.memref_squeeze %dma_start3A_1043 : memref<1x32x1000xf32, #tpu.memory_space<vmem>> -> memref<32x1000xf32, #tpu.memory_space<vmem>>
    %dma_start3A_1045 = arith.constant 0 : i32
    %dma_start3A_1046 = tpu.memref_slice %arg4[%mul3A_1039, %dma_start3A_1045] : memref<51200x1000xf32, #tpu.memory_space<hbm>> -> memref<32x1000xf32, #tpu.memory_space<hbm>>
    %dma_start3A_1047 = arith.constant 0 : i32
    %dma_start3A_1048 = tpu.memref_slice %arg4[%mul3A_1039, %dma_start3A_1047] : memref<51200x1000xf32, #tpu.memory_space<hbm>> -> memref<32x1000xf32, #tpu.memory_space<hbm>>
    %dma_start3A_1049 = arith.constant 0 : i32
    %dma_start3A_1050 = arith.constant 0 : i32
    %dma_start3A_1051 = tpu.memref_slice %arg5[%dma_start3A_1040, %dma_start3A_1049, %dma_start3A_1050] : memref<2x32x1000xf32, #tpu.memory_space<vmem>> -> memref<1x32x1000xf32, #tpu.memory_space<vmem>>
    %dma_start3A_1052 = tpu.memref_squeeze %dma_start3A_1051 : memref<1x32x1000xf32, #tpu.memory_space<vmem>> -> memref<32x1000xf32, #tpu.memory_space<vmem>>
    tpu.enqueue_dma source(%dma_start3A_1052 : memref<32x1000xf32, #tpu.memory_space<vmem>>) target(%dma_start3A_1048 : memref<32x1000xf32, #tpu.memory_space<hbm>>) target_semaphore(%arg6 : memref<!tpu.dma_semaphore, #tpu.memory_space<semaphore_mem>>)
    %dma_wait3A_1053 = arith.constant 0 : i32
    %dma_wait3A_1054 = arith.constant 0 : i32
    %dma_wait3A_1055 = arith.constant 0 : i32
    %dma_wait3A_1056 = tpu.memref_slice %arg5[%dma_wait3A_1053, %dma_wait3A_1054, %dma_wait3A_1055] : memref<2x32x1000xf32, #tpu.memory_space<vmem>> -> memref<1x32x1000xf32, #tpu.memory_space<vmem>>
    %dma_wait3A_1057 = tpu.memref_squeeze %dma_wait3A_1056 : memref<1x32x1000xf32, #tpu.memory_space<vmem>> -> memref<32x1000xf32, #tpu.memory_space<vmem>>
    %dma_wait3A_1058 = arith.constant 0 : i32
    %dma_wait3A_1059 = tpu.memref_slice %arg4[%mul3A_1009, %dma_wait3A_1058] : memref<51200x1000xf32, #tpu.memory_space<hbm>> -> memref<32x1000xf32, #tpu.memory_space<hbm>>
    %dma_wait3A_1060 = arith.constant 0 : i32
    %dma_wait3A_1061 = tpu.memref_slice %arg4[%mul3A_1009, %dma_wait3A_1060] : memref<51200x1000xf32, #tpu.memory_space<hbm>> -> memref<32x1000xf32, #tpu.memory_space<hbm>>
    %dma_wait3A_1062 = arith.constant 0 : i32
    %dma_wait3A_1063 = arith.constant 0 : i32
    %dma_wait3A_1064 = tpu.memref_slice %arg5[%dma_wait3A_1053, %dma_wait3A_1062, %dma_wait3A_1063] : memref<2x32x1000xf32, #tpu.memory_space<vmem>> -> memref<1x32x1000xf32, #tpu.memory_space<vmem>>
    %dma_wait3A_1065 = tpu.memref_squeeze %dma_wait3A_1064 : memref<1x32x1000xf32, #tpu.memory_space<vmem>> -> memref<32x1000xf32, #tpu.memory_space<vmem>>
    tpu.wait_dma2 semaphore(%arg6 : memref<!tpu.dma_semaphore, #tpu.memory_space<semaphore_mem>>) src(%dma_wait3A_1065 : memref<32x1000xf32, #tpu.memory_space<vmem>>) dst(%dma_wait3A_1061 : memref<32x1000xf32, #tpu.memory_space<hbm>>)
    %add3A_1066 = arith.constant 1152 : i32
    %add3A_1067 = arith.addi %add3A_1066, %add3A : i32
    %mul3A_1068 = arith.constant 32 : i32
    %mul3A_1069 = arith.muli %add3A_1067, %mul3A_1068 : i32
    %dma_start3A_1070 = arith.constant 0 : i32
    %dma_start3A_1071 = arith.constant 0 : i32
    %dma_start3A_1072 = arith.constant 0 : i32
    %dma_start3A_1073 = tpu.memref_slice %arg5[%dma_start3A_1070, %dma_start3A_1071, %dma_start3A_1072] : memref<2x32x1000xf32, #tpu.memory_space<vmem>> -> memref<1x32x1000xf32, #tpu.memory_space<vmem>>
    %dma_start3A_1074 = tpu.memref_squeeze %dma_start3A_1073 : memref<1x32x1000xf32, #tpu.memory_space<vmem>> -> memref<32x1000xf32, #tpu.memory_space<vmem>>
    %dma_start3A_1075 = arith.constant 0 : i32
    %dma_start3A_1076 = tpu.memref_slice %arg4[%mul3A_1069, %dma_start3A_1075] : memref<51200x1000xf32, #tpu.memory_space<hbm>> -> memref<32x1000xf32, #tpu.memory_space<hbm>>
    %dma_start3A_1077 = arith.constant 0 : i32
    %dma_start3A_1078 = tpu.memref_slice %arg4[%mul3A_1069, %dma_start3A_1077] : memref<51200x1000xf32, #tpu.memory_space<hbm>> -> memref<32x1000xf32, #tpu.memory_space<hbm>>
    %dma_start3A_1079 = arith.constant 0 : i32
    %dma_start3A_1080 = arith.constant 0 : i32
    %dma_start3A_1081 = tpu.memref_slice %arg5[%dma_start3A_1070, %dma_start3A_1079, %dma_start3A_1080] : memref<2x32x1000xf32, #tpu.memory_space<vmem>> -> memref<1x32x1000xf32, #tpu.memory_space<vmem>>
    %dma_start3A_1082 = tpu.memref_squeeze %dma_start3A_1081 : memref<1x32x1000xf32, #tpu.memory_space<vmem>> -> memref<32x1000xf32, #tpu.memory_space<vmem>>
    tpu.enqueue_dma source(%dma_start3A_1082 : memref<32x1000xf32, #tpu.memory_space<vmem>>) target(%dma_start3A_1078 : memref<32x1000xf32, #tpu.memory_space<hbm>>) target_semaphore(%arg6 : memref<!tpu.dma_semaphore, #tpu.memory_space<semaphore_mem>>)
    %dma_wait3A_1083 = arith.constant 1 : i32
    %dma_wait3A_1084 = arith.constant 0 : i32
    %dma_wait3A_1085 = arith.constant 0 : i32
    %dma_wait3A_1086 = tpu.memref_slice %arg5[%dma_wait3A_1083, %dma_wait3A_1084, %dma_wait3A_1085] : memref<2x32x1000xf32, #tpu.memory_space<vmem>> -> memref<1x32x1000xf32, #tpu.memory_space<vmem>>
    %dma_wait3A_1087 = tpu.memref_squeeze %dma_wait3A_1086 : memref<1x32x1000xf32, #tpu.memory_space<vmem>> -> memref<32x1000xf32, #tpu.memory_space<vmem>>
    %dma_wait3A_1088 = arith.constant 0 : i32
    %dma_wait3A_1089 = tpu.memref_slice %arg4[%mul3A_1039, %dma_wait3A_1088] : memref<51200x1000xf32, #tpu.memory_space<hbm>> -> memref<32x1000xf32, #tpu.memory_space<hbm>>
    %dma_wait3A_1090 = arith.constant 0 : i32
    %dma_wait3A_1091 = tpu.memref_slice %arg4[%mul3A_1039, %dma_wait3A_1090] : memref<51200x1000xf32, #tpu.memory_space<hbm>> -> memref<32x1000xf32, #tpu.memory_space<hbm>>
    %dma_wait3A_1092 = arith.constant 0 : i32
    %dma_wait3A_1093 = arith.constant 0 : i32
    %dma_wait3A_1094 = tpu.memref_slice %arg5[%dma_wait3A_1083, %dma_wait3A_1092, %dma_wait3A_1093] : memref<2x32x1000xf32, #tpu.memory_space<vmem>> -> memref<1x32x1000xf32, #tpu.memory_space<vmem>>
    %dma_wait3A_1095 = tpu.memref_squeeze %dma_wait3A_1094 : memref<1x32x1000xf32, #tpu.memory_space<vmem>> -> memref<32x1000xf32, #tpu.memory_space<vmem>>
    tpu.wait_dma2 semaphore(%arg6 : memref<!tpu.dma_semaphore, #tpu.memory_space<semaphore_mem>>) src(%dma_wait3A_1095 : memref<32x1000xf32, #tpu.memory_space<vmem>>) dst(%dma_wait3A_1091 : memref<32x1000xf32, #tpu.memory_space<hbm>>)
    %add3A_1096 = arith.constant 1184 : i32
    %add3A_1097 = arith.addi %add3A_1096, %add3A : i32
    %mul3A_1098 = arith.constant 32 : i32
    %mul3A_1099 = arith.muli %add3A_1097, %mul3A_1098 : i32
    %dma_start3A_1100 = arith.constant 1 : i32
    %dma_start3A_1101 = arith.constant 0 : i32
    %dma_start3A_1102 = arith.constant 0 : i32
    %dma_start3A_1103 = tpu.memref_slice %arg5[%dma_start3A_1100, %dma_start3A_1101, %dma_start3A_1102] : memref<2x32x1000xf32, #tpu.memory_space<vmem>> -> memref<1x32x1000xf32, #tpu.memory_space<vmem>>
    %dma_start3A_1104 = tpu.memref_squeeze %dma_start3A_1103 : memref<1x32x1000xf32, #tpu.memory_space<vmem>> -> memref<32x1000xf32, #tpu.memory_space<vmem>>
    %dma_start3A_1105 = arith.constant 0 : i32
    %dma_start3A_1106 = tpu.memref_slice %arg4[%mul3A_1099, %dma_start3A_1105] : memref<51200x1000xf32, #tpu.memory_space<hbm>> -> memref<32x1000xf32, #tpu.memory_space<hbm>>
    %dma_start3A_1107 = arith.constant 0 : i32
    %dma_start3A_1108 = tpu.memref_slice %arg4[%mul3A_1099, %dma_start3A_1107] : memref<51200x1000xf32, #tpu.memory_space<hbm>> -> memref<32x1000xf32, #tpu.memory_space<hbm>>
    %dma_start3A_1109 = arith.constant 0 : i32
    %dma_start3A_1110 = arith.constant 0 : i32
    %dma_start3A_1111 = tpu.memref_slice %arg5[%dma_start3A_1100, %dma_start3A_1109, %dma_start3A_1110] : memref<2x32x1000xf32, #tpu.memory_space<vmem>> -> memref<1x32x1000xf32, #tpu.memory_space<vmem>>
    %dma_start3A_1112 = tpu.memref_squeeze %dma_start3A_1111 : memref<1x32x1000xf32, #tpu.memory_space<vmem>> -> memref<32x1000xf32, #tpu.memory_space<vmem>>
    tpu.enqueue_dma source(%dma_start3A_1112 : memref<32x1000xf32, #tpu.memory_space<vmem>>) target(%dma_start3A_1108 : memref<32x1000xf32, #tpu.memory_space<hbm>>) target_semaphore(%arg6 : memref<!tpu.dma_semaphore, #tpu.memory_space<semaphore_mem>>)
    %dma_wait3A_1113 = arith.constant 0 : i32
    %dma_wait3A_1114 = arith.constant 0 : i32
    %dma_wait3A_1115 = arith.constant 0 : i32
    %dma_wait3A_1116 = tpu.memref_slice %arg5[%dma_wait3A_1113, %dma_wait3A_1114, %dma_wait3A_1115] : memref<2x32x1000xf32, #tpu.memory_space<vmem>> -> memref<1x32x1000xf32, #tpu.memory_space<vmem>>
    %dma_wait3A_1117 = tpu.memref_squeeze %dma_wait3A_1116 : memref<1x32x1000xf32, #tpu.memory_space<vmem>> -> memref<32x1000xf32, #tpu.memory_space<vmem>>
    %dma_wait3A_1118 = arith.constant 0 : i32
    %dma_wait3A_1119 = tpu.memref_slice %arg4[%mul3A_1069, %dma_wait3A_1118] : memref<51200x1000xf32, #tpu.memory_space<hbm>> -> memref<32x1000xf32, #tpu.memory_space<hbm>>
    %dma_wait3A_1120 = arith.constant 0 : i32
    %dma_wait3A_1121 = tpu.memref_slice %arg4[%mul3A_1069, %dma_wait3A_1120] : memref<51200x1000xf32, #tpu.memory_space<hbm>> -> memref<32x1000xf32, #tpu.memory_space<hbm>>
    %dma_wait3A_1122 = arith.constant 0 : i32
    %dma_wait3A_1123 = arith.constant 0 : i32
    %dma_wait3A_1124 = tpu.memref_slice %arg5[%dma_wait3A_1113, %dma_wait3A_1122, %dma_wait3A_1123] : memref<2x32x1000xf32, #tpu.memory_space<vmem>> -> memref<1x32x1000xf32, #tpu.memory_space<vmem>>
    %dma_wait3A_1125 = tpu.memref_squeeze %dma_wait3A_1124 : memref<1x32x1000xf32, #tpu.memory_space<vmem>> -> memref<32x1000xf32, #tpu.memory_space<vmem>>
    tpu.wait_dma2 semaphore(%arg6 : memref<!tpu.dma_semaphore, #tpu.memory_space<semaphore_mem>>) src(%dma_wait3A_1125 : memref<32x1000xf32, #tpu.memory_space<vmem>>) dst(%dma_wait3A_1121 : memref<32x1000xf32, #tpu.memory_space<hbm>>)
    %add3A_1126 = arith.constant 1216 : i32
    %add3A_1127 = arith.addi %add3A_1126, %add3A : i32
    %mul3A_1128 = arith.constant 32 : i32
    %mul3A_1129 = arith.muli %add3A_1127, %mul3A_1128 : i32
    %dma_start3A_1130 = arith.constant 0 : i32
    %dma_start3A_1131 = arith.constant 0 : i32
    %dma_start3A_1132 = arith.constant 0 : i32
    %dma_start3A_1133 = tpu.memref_slice %arg5[%dma_start3A_1130, %dma_start3A_1131, %dma_start3A_1132] : memref<2x32x1000xf32, #tpu.memory_space<vmem>> -> memref<1x32x1000xf32, #tpu.memory_space<vmem>>
    %dma_start3A_1134 = tpu.memref_squeeze %dma_start3A_1133 : memref<1x32x1000xf32, #tpu.memory_space<vmem>> -> memref<32x1000xf32, #tpu.memory_space<vmem>>
    %dma_start3A_1135 = arith.constant 0 : i32
    %dma_start3A_1136 = tpu.memref_slice %arg4[%mul3A_1129, %dma_start3A_1135] : memref<51200x1000xf32, #tpu.memory_space<hbm>> -> memref<32x1000xf32, #tpu.memory_space<hbm>>
    %dma_start3A_1137 = arith.constant 0 : i32
    %dma_start3A_1138 = tpu.memref_slice %arg4[%mul3A_1129, %dma_start3A_1137] : memref<51200x1000xf32, #tpu.memory_space<hbm>> -> memref<32x1000xf32, #tpu.memory_space<hbm>>
    %dma_start3A_1139 = arith.constant 0 : i32
    %dma_start3A_1140 = arith.constant 0 : i32
    %dma_start3A_1141 = tpu.memref_slice %arg5[%dma_start3A_1130, %dma_start3A_1139, %dma_start3A_1140] : memref<2x32x1000xf32, #tpu.memory_space<vmem>> -> memref<1x32x1000xf32, #tpu.memory_space<vmem>>
    %dma_start3A_1142 = tpu.memref_squeeze %dma_start3A_1141 : memref<1x32x1000xf32, #tpu.memory_space<vmem>> -> memref<32x1000xf32, #tpu.memory_space<vmem>>
    tpu.enqueue_dma source(%dma_start3A_1142 : memref<32x1000xf32, #tpu.memory_space<vmem>>) target(%dma_start3A_1138 : memref<32x1000xf32, #tpu.memory_space<hbm>>) target_semaphore(%arg6 : memref<!tpu.dma_semaphore, #tpu.memory_space<semaphore_mem>>)
    %dma_wait3A_1143 = arith.constant 1 : i32
    %dma_wait3A_1144 = arith.constant 0 : i32
    %dma_wait3A_1145 = arith.constant 0 : i32
    %dma_wait3A_1146 = tpu.memref_slice %arg5[%dma_wait3A_1143, %dma_wait3A_1144, %dma_wait3A_1145] : memref<2x32x1000xf32, #tpu.memory_space<vmem>> -> memref<1x32x1000xf32, #tpu.memory_space<vmem>>
    %dma_wait3A_1147 = tpu.memref_squeeze %dma_wait3A_1146 : memref<1x32x1000xf32, #tpu.memory_space<vmem>> -> memref<32x1000xf32, #tpu.memory_space<vmem>>
    %dma_wait3A_1148 = arith.constant 0 : i32
    %dma_wait3A_1149 = tpu.memref_slice %arg4[%mul3A_1099, %dma_wait3A_1148] : memref<51200x1000xf32, #tpu.memory_space<hbm>> -> memref<32x1000xf32, #tpu.memory_space<hbm>>
    %dma_wait3A_1150 = arith.constant 0 : i32
    %dma_wait3A_1151 = tpu.memref_slice %arg4[%mul3A_1099, %dma_wait3A_1150] : memref<51200x1000xf32, #tpu.memory_space<hbm>> -> memref<32x1000xf32, #tpu.memory_space<hbm>>
    %dma_wait3A_1152 = arith.constant 0 : i32
    %dma_wait3A_1153 = arith.constant 0 : i32
    %dma_wait3A_1154 = tpu.memref_slice %arg5[%dma_wait3A_1143, %dma_wait3A_1152, %dma_wait3A_1153] : memref<2x32x1000xf32, #tpu.memory_space<vmem>> -> memref<1x32x1000xf32, #tpu.memory_space<vmem>>
    %dma_wait3A_1155 = tpu.memref_squeeze %dma_wait3A_1154 : memref<1x32x1000xf32, #tpu.memory_space<vmem>> -> memref<32x1000xf32, #tpu.memory_space<vmem>>
    tpu.wait_dma2 semaphore(%arg6 : memref<!tpu.dma_semaphore, #tpu.memory_space<semaphore_mem>>) src(%dma_wait3A_1155 : memref<32x1000xf32, #tpu.memory_space<vmem>>) dst(%dma_wait3A_1151 : memref<32x1000xf32, #tpu.memory_space<hbm>>)
    %add3A_1156 = arith.constant 1248 : i32
    %add3A_1157 = arith.addi %add3A_1156, %add3A : i32
    %mul3A_1158 = arith.constant 32 : i32
    %mul3A_1159 = arith.muli %add3A_1157, %mul3A_1158 : i32
    %dma_start3A_1160 = arith.constant 1 : i32
    %dma_start3A_1161 = arith.constant 0 : i32
    %dma_start3A_1162 = arith.constant 0 : i32
    %dma_start3A_1163 = tpu.memref_slice %arg5[%dma_start3A_1160, %dma_start3A_1161, %dma_start3A_1162] : memref<2x32x1000xf32, #tpu.memory_space<vmem>> -> memref<1x32x1000xf32, #tpu.memory_space<vmem>>
    %dma_start3A_1164 = tpu.memref_squeeze %dma_start3A_1163 : memref<1x32x1000xf32, #tpu.memory_space<vmem>> -> memref<32x1000xf32, #tpu.memory_space<vmem>>
    %dma_start3A_1165 = arith.constant 0 : i32
    %dma_start3A_1166 = tpu.memref_slice %arg4[%mul3A_1159, %dma_start3A_1165] : memref<51200x1000xf32, #tpu.memory_space<hbm>> -> memref<32x1000xf32, #tpu.memory_space<hbm>>
    %dma_start3A_1167 = arith.constant 0 : i32
    %dma_start3A_1168 = tpu.memref_slice %arg4[%mul3A_1159, %dma_start3A_1167] : memref<51200x1000xf32, #tpu.memory_space<hbm>> -> memref<32x1000xf32, #tpu.memory_space<hbm>>
    %dma_start3A_1169 = arith.constant 0 : i32
    %dma_start3A_1170 = arith.constant 0 : i32
    %dma_start3A_1171 = tpu.memref_slice %arg5[%dma_start3A_1160, %dma_start3A_1169, %dma_start3A_1170] : memref<2x32x1000xf32, #tpu.memory_space<vmem>> -> memref<1x32x1000xf32, #tpu.memory_space<vmem>>
    %dma_start3A_1172 = tpu.memref_squeeze %dma_start3A_1171 : memref<1x32x1000xf32, #tpu.memory_space<vmem>> -> memref<32x1000xf32, #tpu.memory_space<vmem>>
    tpu.enqueue_dma source(%dma_start3A_1172 : memref<32x1000xf32, #tpu.memory_space<vmem>>) target(%dma_start3A_1168 : memref<32x1000xf32, #tpu.memory_space<hbm>>) target_semaphore(%arg6 : memref<!tpu.dma_semaphore, #tpu.memory_space<semaphore_mem>>)
    %dma_wait3A_1173 = arith.constant 0 : i32
    %dma_wait3A_1174 = arith.constant 0 : i32
    %dma_wait3A_1175 = arith.constant 0 : i32
    %dma_wait3A_1176 = tpu.memref_slice %arg5[%dma_wait3A_1173, %dma_wait3A_1174, %dma_wait3A_1175] : memref<2x32x1000xf32, #tpu.memory_space<vmem>> -> memref<1x32x1000xf32, #tpu.memory_space<vmem>>
    %dma_wait3A_1177 = tpu.memref_squeeze %dma_wait3A_1176 : memref<1x32x1000xf32, #tpu.memory_space<vmem>> -> memref<32x1000xf32, #tpu.memory_space<vmem>>
    %dma_wait3A_1178 = arith.constant 0 : i32
    %dma_wait3A_1179 = tpu.memref_slice %arg4[%mul3A_1129, %dma_wait3A_1178] : memref<51200x1000xf32, #tpu.memory_space<hbm>> -> memref<32x1000xf32, #tpu.memory_space<hbm>>
    %dma_wait3A_1180 = arith.constant 0 : i32
    %dma_wait3A_1181 = tpu.memref_slice %arg4[%mul3A_1129, %dma_wait3A_1180] : memref<51200x1000xf32, #tpu.memory_space<hbm>> -> memref<32x1000xf32, #tpu.memory_space<hbm>>
    %dma_wait3A_1182 = arith.constant 0 : i32
    %dma_wait3A_1183 = arith.constant 0 : i32
    %dma_wait3A_1184 = tpu.memref_slice %arg5[%dma_wait3A_1173, %dma_wait3A_1182, %dma_wait3A_1183] : memref<2x32x1000xf32, #tpu.memory_space<vmem>> -> memref<1x32x1000xf32, #tpu.memory_space<vmem>>
    %dma_wait3A_1185 = tpu.memref_squeeze %dma_wait3A_1184 : memref<1x32x1000xf32, #tpu.memory_space<vmem>> -> memref<32x1000xf32, #tpu.memory_space<vmem>>
    tpu.wait_dma2 semaphore(%arg6 : memref<!tpu.dma_semaphore, #tpu.memory_space<semaphore_mem>>) src(%dma_wait3A_1185 : memref<32x1000xf32, #tpu.memory_space<vmem>>) dst(%dma_wait3A_1181 : memref<32x1000xf32, #tpu.memory_space<hbm>>)
    %add3A_1186 = arith.constant 1280 : i32
    %add3A_1187 = arith.addi %add3A_1186, %add3A : i32
    %mul3A_1188 = arith.constant 32 : i32
    %mul3A_1189 = arith.muli %add3A_1187, %mul3A_1188 : i32
    %dma_start3A_1190 = arith.constant 0 : i32
    %dma_start3A_1191 = arith.constant 0 : i32
    %dma_start3A_1192 = arith.constant 0 : i32
    %dma_start3A_1193 = tpu.memref_slice %arg5[%dma_start3A_1190, %dma_start3A_1191, %dma_start3A_1192] : memref<2x32x1000xf32, #tpu.memory_space<vmem>> -> memref<1x32x1000xf32, #tpu.memory_space<vmem>>
    %dma_start3A_1194 = tpu.memref_squeeze %dma_start3A_1193 : memref<1x32x1000xf32, #tpu.memory_space<vmem>> -> memref<32x1000xf32, #tpu.memory_space<vmem>>
    %dma_start3A_1195 = arith.constant 0 : i32
    %dma_start3A_1196 = tpu.memref_slice %arg4[%mul3A_1189, %dma_start3A_1195] : memref<51200x1000xf32, #tpu.memory_space<hbm>> -> memref<32x1000xf32, #tpu.memory_space<hbm>>
    %dma_start3A_1197 = arith.constant 0 : i32
    %dma_start3A_1198 = tpu.memref_slice %arg4[%mul3A_1189, %dma_start3A_1197] : memref<51200x1000xf32, #tpu.memory_space<hbm>> -> memref<32x1000xf32, #tpu.memory_space<hbm>>
    %dma_start3A_1199 = arith.constant 0 : i32
    %dma_start3A_1200 = arith.constant 0 : i32
    %dma_start3A_1201 = tpu.memref_slice %arg5[%dma_start3A_1190, %dma_start3A_1199, %dma_start3A_1200] : memref<2x32x1000xf32, #tpu.memory_space<vmem>> -> memref<1x32x1000xf32, #tpu.memory_space<vmem>>
    %dma_start3A_1202 = tpu.memref_squeeze %dma_start3A_1201 : memref<1x32x1000xf32, #tpu.memory_space<vmem>> -> memref<32x1000xf32, #tpu.memory_space<vmem>>
    tpu.enqueue_dma source(%dma_start3A_1202 : memref<32x1000xf32, #tpu.memory_space<vmem>>) target(%dma_start3A_1198 : memref<32x1000xf32, #tpu.memory_space<hbm>>) target_semaphore(%arg6 : memref<!tpu.dma_semaphore, #tpu.memory_space<semaphore_mem>>)
    %dma_wait3A_1203 = arith.constant 1 : i32
    %dma_wait3A_1204 = arith.constant 0 : i32
    %dma_wait3A_1205 = arith.constant 0 : i32
    %dma_wait3A_1206 = tpu.memref_slice %arg5[%dma_wait3A_1203, %dma_wait3A_1204, %dma_wait3A_1205] : memref<2x32x1000xf32, #tpu.memory_space<vmem>> -> memref<1x32x1000xf32, #tpu.memory_space<vmem>>
    %dma_wait3A_1207 = tpu.memref_squeeze %dma_wait3A_1206 : memref<1x32x1000xf32, #tpu.memory_space<vmem>> -> memref<32x1000xf32, #tpu.memory_space<vmem>>
    %dma_wait3A_1208 = arith.constant 0 : i32
    %dma_wait3A_1209 = tpu.memref_slice %arg4[%mul3A_1159, %dma_wait3A_1208] : memref<51200x1000xf32, #tpu.memory_space<hbm>> -> memref<32x1000xf32, #tpu.memory_space<hbm>>
    %dma_wait3A_1210 = arith.constant 0 : i32
    %dma_wait3A_1211 = tpu.memref_slice %arg4[%mul3A_1159, %dma_wait3A_1210] : memref<51200x1000xf32, #tpu.memory_space<hbm>> -> memref<32x1000xf32, #tpu.memory_space<hbm>>
    %dma_wait3A_1212 = arith.constant 0 : i32
    %dma_wait3A_1213 = arith.constant 0 : i32
    %dma_wait3A_1214 = tpu.memref_slice %arg5[%dma_wait3A_1203, %dma_wait3A_1212, %dma_wait3A_1213] : memref<2x32x1000xf32, #tpu.memory_space<vmem>> -> memref<1x32x1000xf32, #tpu.memory_space<vmem>>
    %dma_wait3A_1215 = tpu.memref_squeeze %dma_wait3A_1214 : memref<1x32x1000xf32, #tpu.memory_space<vmem>> -> memref<32x1000xf32, #tpu.memory_space<vmem>>
    tpu.wait_dma2 semaphore(%arg6 : memref<!tpu.dma_semaphore, #tpu.memory_space<semaphore_mem>>) src(%dma_wait3A_1215 : memref<32x1000xf32, #tpu.memory_space<vmem>>) dst(%dma_wait3A_1211 : memref<32x1000xf32, #tpu.memory_space<hbm>>)
    %add3A_1216 = arith.constant 1312 : i32
    %add3A_1217 = arith.addi %add3A_1216, %add3A : i32
    %mul3A_1218 = arith.constant 32 : i32
    %mul3A_1219 = arith.muli %add3A_1217, %mul3A_1218 : i32
    %dma_start3A_1220 = arith.constant 1 : i32
    %dma_start3A_1221 = arith.constant 0 : i32
    %dma_start3A_1222 = arith.constant 0 : i32
    %dma_start3A_1223 = tpu.memref_slice %arg5[%dma_start3A_1220, %dma_start3A_1221, %dma_start3A_1222] : memref<2x32x1000xf32, #tpu.memory_space<vmem>> -> memref<1x32x1000xf32, #tpu.memory_space<vmem>>
    %dma_start3A_1224 = tpu.memref_squeeze %dma_start3A_1223 : memref<1x32x1000xf32, #tpu.memory_space<vmem>> -> memref<32x1000xf32, #tpu.memory_space<vmem>>
    %dma_start3A_1225 = arith.constant 0 : i32
    %dma_start3A_1226 = tpu.memref_slice %arg4[%mul3A_1219, %dma_start3A_1225] : memref<51200x1000xf32, #tpu.memory_space<hbm>> -> memref<32x1000xf32, #tpu.memory_space<hbm>>
    %dma_start3A_1227 = arith.constant 0 : i32
    %dma_start3A_1228 = tpu.memref_slice %arg4[%mul3A_1219, %dma_start3A_1227] : memref<51200x1000xf32, #tpu.memory_space<hbm>> -> memref<32x1000xf32, #tpu.memory_space<hbm>>
    %dma_start3A_1229 = arith.constant 0 : i32
    %dma_start3A_1230 = arith.constant 0 : i32
    %dma_start3A_1231 = tpu.memref_slice %arg5[%dma_start3A_1220, %dma_start3A_1229, %dma_start3A_1230] : memref<2x32x1000xf32, #tpu.memory_space<vmem>> -> memref<1x32x1000xf32, #tpu.memory_space<vmem>>
    %dma_start3A_1232 = tpu.memref_squeeze %dma_start3A_1231 : memref<1x32x1000xf32, #tpu.memory_space<vmem>> -> memref<32x1000xf32, #tpu.memory_space<vmem>>
    tpu.enqueue_dma source(%dma_start3A_1232 : memref<32x1000xf32, #tpu.memory_space<vmem>>) target(%dma_start3A_1228 : memref<32x1000xf32, #tpu.memory_space<hbm>>) target_semaphore(%arg6 : memref<!tpu.dma_semaphore, #tpu.memory_space<semaphore_mem>>)
    %dma_wait3A_1233 = arith.constant 0 : i32
    %dma_wait3A_1234 = arith.constant 0 : i32
    %dma_wait3A_1235 = arith.constant 0 : i32
    %dma_wait3A_1236 = tpu.memref_slice %arg5[%dma_wait3A_1233, %dma_wait3A_1234, %dma_wait3A_1235] : memref<2x32x1000xf32, #tpu.memory_space<vmem>> -> memref<1x32x1000xf32, #tpu.memory_space<vmem>>
    %dma_wait3A_1237 = tpu.memref_squeeze %dma_wait3A_1236 : memref<1x32x1000xf32, #tpu.memory_space<vmem>> -> memref<32x1000xf32, #tpu.memory_space<vmem>>
    %dma_wait3A_1238 = arith.constant 0 : i32
    %dma_wait3A_1239 = tpu.memref_slice %arg4[%mul3A_1189, %dma_wait3A_1238] : memref<51200x1000xf32, #tpu.memory_space<hbm>> -> memref<32x1000xf32, #tpu.memory_space<hbm>>
    %dma_wait3A_1240 = arith.constant 0 : i32
    %dma_wait3A_1241 = tpu.memref_slice %arg4[%mul3A_1189, %dma_wait3A_1240] : memref<51200x1000xf32, #tpu.memory_space<hbm>> -> memref<32x1000xf32, #tpu.memory_space<hbm>>
    %dma_wait3A_1242 = arith.constant 0 : i32
    %dma_wait3A_1243 = arith.constant 0 : i32
    %dma_wait3A_1244 = tpu.memref_slice %arg5[%dma_wait3A_1233, %dma_wait3A_1242, %dma_wait3A_1243] : memref<2x32x1000xf32, #tpu.memory_space<vmem>> -> memref<1x32x1000xf32, #tpu.memory_space<vmem>>
    %dma_wait3A_1245 = tpu.memref_squeeze %dma_wait3A_1244 : memref<1x32x1000xf32, #tpu.memory_space<vmem>> -> memref<32x1000xf32, #tpu.memory_space<vmem>>
    tpu.wait_dma2 semaphore(%arg6 : memref<!tpu.dma_semaphore, #tpu.memory_space<semaphore_mem>>) src(%dma_wait3A_1245 : memref<32x1000xf32, #tpu.memory_space<vmem>>) dst(%dma_wait3A_1241 : memref<32x1000xf32, #tpu.memory_space<hbm>>)
    %add3A_1246 = arith.constant 1344 : i32
    %add3A_1247 = arith.addi %add3A_1246, %add3A : i32
    %mul3A_1248 = arith.constant 32 : i32
    %mul3A_1249 = arith.muli %add3A_1247, %mul3A_1248 : i32
    %dma_start3A_1250 = arith.constant 0 : i32
    %dma_start3A_1251 = arith.constant 0 : i32
    %dma_start3A_1252 = arith.constant 0 : i32
    %dma_start3A_1253 = tpu.memref_slice %arg5[%dma_start3A_1250, %dma_start3A_1251, %dma_start3A_1252] : memref<2x32x1000xf32, #tpu.memory_space<vmem>> -> memref<1x32x1000xf32, #tpu.memory_space<vmem>>
    %dma_start3A_1254 = tpu.memref_squeeze %dma_start3A_1253 : memref<1x32x1000xf32, #tpu.memory_space<vmem>> -> memref<32x1000xf32, #tpu.memory_space<vmem>>
    %dma_start3A_1255 = arith.constant 0 : i32
    %dma_start3A_1256 = tpu.memref_slice %arg4[%mul3A_1249, %dma_start3A_1255] : memref<51200x1000xf32, #tpu.memory_space<hbm>> -> memref<32x1000xf32, #tpu.memory_space<hbm>>
    %dma_start3A_1257 = arith.constant 0 : i32
    %dma_start3A_1258 = tpu.memref_slice %arg4[%mul3A_1249, %dma_start3A_1257] : memref<51200x1000xf32, #tpu.memory_space<hbm>> -> memref<32x1000xf32, #tpu.memory_space<hbm>>
    %dma_start3A_1259 = arith.constant 0 : i32
    %dma_start3A_1260 = arith.constant 0 : i32
    %dma_start3A_1261 = tpu.memref_slice %arg5[%dma_start3A_1250, %dma_start3A_1259, %dma_start3A_1260] : memref<2x32x1000xf32, #tpu.memory_space<vmem>> -> memref<1x32x1000xf32, #tpu.memory_space<vmem>>
    %dma_start3A_1262 = tpu.memref_squeeze %dma_start3A_1261 : memref<1x32x1000xf32, #tpu.memory_space<vmem>> -> memref<32x1000xf32, #tpu.memory_space<vmem>>
    tpu.enqueue_dma source(%dma_start3A_1262 : memref<32x1000xf32, #tpu.memory_space<vmem>>) target(%dma_start3A_1258 : memref<32x1000xf32, #tpu.memory_space<hbm>>) target_semaphore(%arg6 : memref<!tpu.dma_semaphore, #tpu.memory_space<semaphore_mem>>)
    %dma_wait3A_1263 = arith.constant 1 : i32
    %dma_wait3A_1264 = arith.constant 0 : i32
    %dma_wait3A_1265 = arith.constant 0 : i32
    %dma_wait3A_1266 = tpu.memref_slice %arg5[%dma_wait3A_1263, %dma_wait3A_1264, %dma_wait3A_1265] : memref<2x32x1000xf32, #tpu.memory_space<vmem>> -> memref<1x32x1000xf32, #tpu.memory_space<vmem>>
    %dma_wait3A_1267 = tpu.memref_squeeze %dma_wait3A_1266 : memref<1x32x1000xf32, #tpu.memory_space<vmem>> -> memref<32x1000xf32, #tpu.memory_space<vmem>>
    %dma_wait3A_1268 = arith.constant 0 : i32
    %dma_wait3A_1269 = tpu.memref_slice %arg4[%mul3A_1219, %dma_wait3A_1268] : memref<51200x1000xf32, #tpu.memory_space<hbm>> -> memref<32x1000xf32, #tpu.memory_space<hbm>>
    %dma_wait3A_1270 = arith.constant 0 : i32
    %dma_wait3A_1271 = tpu.memref_slice %arg4[%mul3A_1219, %dma_wait3A_1270] : memref<51200x1000xf32, #tpu.memory_space<hbm>> -> memref<32x1000xf32, #tpu.memory_space<hbm>>
    %dma_wait3A_1272 = arith.constant 0 : i32
    %dma_wait3A_1273 = arith.constant 0 : i32
    %dma_wait3A_1274 = tpu.memref_slice %arg5[%dma_wait3A_1263, %dma_wait3A_1272, %dma_wait3A_1273] : memref<2x32x1000xf32, #tpu.memory_space<vmem>> -> memref<1x32x1000xf32, #tpu.memory_space<vmem>>
    %dma_wait3A_1275 = tpu.memref_squeeze %dma_wait3A_1274 : memref<1x32x1000xf32, #tpu.memory_space<vmem>> -> memref<32x1000xf32, #tpu.memory_space<vmem>>
    tpu.wait_dma2 semaphore(%arg6 : memref<!tpu.dma_semaphore, #tpu.memory_space<semaphore_mem>>) src(%dma_wait3A_1275 : memref<32x1000xf32, #tpu.memory_space<vmem>>) dst(%dma_wait3A_1271 : memref<32x1000xf32, #tpu.memory_space<hbm>>)
    %add3A_1276 = arith.constant 1376 : i32
    %add3A_1277 = arith.addi %add3A_1276, %add3A : i32
    %mul3A_1278 = arith.constant 32 : i32
    %mul3A_1279 = arith.muli %add3A_1277, %mul3A_1278 : i32
    %dma_start3A_1280 = arith.constant 1 : i32
    %dma_start3A_1281 = arith.constant 0 : i32
    %dma_start3A_1282 = arith.constant 0 : i32
    %dma_start3A_1283 = tpu.memref_slice %arg5[%dma_start3A_1280, %dma_start3A_1281, %dma_start3A_1282] : memref<2x32x1000xf32, #tpu.memory_space<vmem>> -> memref<1x32x1000xf32, #tpu.memory_space<vmem>>
    %dma_start3A_1284 = tpu.memref_squeeze %dma_start3A_1283 : memref<1x32x1000xf32, #tpu.memory_space<vmem>> -> memref<32x1000xf32, #tpu.memory_space<vmem>>
    %dma_start3A_1285 = arith.constant 0 : i32
    %dma_start3A_1286 = tpu.memref_slice %arg4[%mul3A_1279, %dma_start3A_1285] : memref<51200x1000xf32, #tpu.memory_space<hbm>> -> memref<32x1000xf32, #tpu.memory_space<hbm>>
    %dma_start3A_1287 = arith.constant 0 : i32
    %dma_start3A_1288 = tpu.memref_slice %arg4[%mul3A_1279, %dma_start3A_1287] : memref<51200x1000xf32, #tpu.memory_space<hbm>> -> memref<32x1000xf32, #tpu.memory_space<hbm>>
    %dma_start3A_1289 = arith.constant 0 : i32
    %dma_start3A_1290 = arith.constant 0 : i32
    %dma_start3A_1291 = tpu.memref_slice %arg5[%dma_start3A_1280, %dma_start3A_1289, %dma_start3A_1290] : memref<2x32x1000xf32, #tpu.memory_space<vmem>> -> memref<1x32x1000xf32, #tpu.memory_space<vmem>>
    %dma_start3A_1292 = tpu.memref_squeeze %dma_start3A_1291 : memref<1x32x1000xf32, #tpu.memory_space<vmem>> -> memref<32x1000xf32, #tpu.memory_space<vmem>>
    tpu.enqueue_dma source(%dma_start3A_1292 : memref<32x1000xf32, #tpu.memory_space<vmem>>) target(%dma_start3A_1288 : memref<32x1000xf32, #tpu.memory_space<hbm>>) target_semaphore(%arg6 : memref<!tpu.dma_semaphore, #tpu.memory_space<semaphore_mem>>)
    %dma_wait3A_1293 = arith.constant 0 : i32
    %dma_wait3A_1294 = arith.constant 0 : i32
    %dma_wait3A_1295 = arith.constant 0 : i32
    %dma_wait3A_1296 = tpu.memref_slice %arg5[%dma_wait3A_1293, %dma_wait3A_1294, %dma_wait3A_1295] : memref<2x32x1000xf32, #tpu.memory_space<vmem>> -> memref<1x32x1000xf32, #tpu.memory_space<vmem>>
    %dma_wait3A_1297 = tpu.memref_squeeze %dma_wait3A_1296 : memref<1x32x1000xf32, #tpu.memory_space<vmem>> -> memref<32x1000xf32, #tpu.memory_space<vmem>>
    %dma_wait3A_1298 = arith.constant 0 : i32
    %dma_wait3A_1299 = tpu.memref_slice %arg4[%mul3A_1249, %dma_wait3A_1298] : memref<51200x1000xf32, #tpu.memory_space<hbm>> -> memref<32x1000xf32, #tpu.memory_space<hbm>>
    %dma_wait3A_1300 = arith.constant 0 : i32
    %dma_wait3A_1301 = tpu.memref_slice %arg4[%mul3A_1249, %dma_wait3A_1300] : memref<51200x1000xf32, #tpu.memory_space<hbm>> -> memref<32x1000xf32, #tpu.memory_space<hbm>>
    %dma_wait3A_1302 = arith.constant 0 : i32
    %dma_wait3A_1303 = arith.constant 0 : i32
    %dma_wait3A_1304 = tpu.memref_slice %arg5[%dma_wait3A_1293, %dma_wait3A_1302, %dma_wait3A_1303] : memref<2x32x1000xf32, #tpu.memory_space<vmem>> -> memref<1x32x1000xf32, #tpu.memory_space<vmem>>
    %dma_wait3A_1305 = tpu.memref_squeeze %dma_wait3A_1304 : memref<1x32x1000xf32, #tpu.memory_space<vmem>> -> memref<32x1000xf32, #tpu.memory_space<vmem>>
    tpu.wait_dma2 semaphore(%arg6 : memref<!tpu.dma_semaphore, #tpu.memory_space<semaphore_mem>>) src(%dma_wait3A_1305 : memref<32x1000xf32, #tpu.memory_space<vmem>>) dst(%dma_wait3A_1301 : memref<32x1000xf32, #tpu.memory_space<hbm>>)
    %add3A_1306 = arith.constant 1408 : i32
    %add3A_1307 = arith.addi %add3A_1306, %add3A : i32
    %mul3A_1308 = arith.constant 32 : i32
    %mul3A_1309 = arith.muli %add3A_1307, %mul3A_1308 : i32
    %dma_start3A_1310 = arith.constant 0 : i32
    %dma_start3A_1311 = arith.constant 0 : i32
    %dma_start3A_1312 = arith.constant 0 : i32
    %dma_start3A_1313 = tpu.memref_slice %arg5[%dma_start3A_1310, %dma_start3A_1311, %dma_start3A_1312] : memref<2x32x1000xf32, #tpu.memory_space<vmem>> -> memref<1x32x1000xf32, #tpu.memory_space<vmem>>
    %dma_start3A_1314 = tpu.memref_squeeze %dma_start3A_1313 : memref<1x32x1000xf32, #tpu.memory_space<vmem>> -> memref<32x1000xf32, #tpu.memory_space<vmem>>
    %dma_start3A_1315 = arith.constant 0 : i32
    %dma_start3A_1316 = tpu.memref_slice %arg4[%mul3A_1309, %dma_start3A_1315] : memref<51200x1000xf32, #tpu.memory_space<hbm>> -> memref<32x1000xf32, #tpu.memory_space<hbm>>
    %dma_start3A_1317 = arith.constant 0 : i32
    %dma_start3A_1318 = tpu.memref_slice %arg4[%mul3A_1309, %dma_start3A_1317] : memref<51200x1000xf32, #tpu.memory_space<hbm>> -> memref<32x1000xf32, #tpu.memory_space<hbm>>
    %dma_start3A_1319 = arith.constant 0 : i32
    %dma_start3A_1320 = arith.constant 0 : i32
    %dma_start3A_1321 = tpu.memref_slice %arg5[%dma_start3A_1310, %dma_start3A_1319, %dma_start3A_1320] : memref<2x32x1000xf32, #tpu.memory_space<vmem>> -> memref<1x32x1000xf32, #tpu.memory_space<vmem>>
    %dma_start3A_1322 = tpu.memref_squeeze %dma_start3A_1321 : memref<1x32x1000xf32, #tpu.memory_space<vmem>> -> memref<32x1000xf32, #tpu.memory_space<vmem>>
    tpu.enqueue_dma source(%dma_start3A_1322 : memref<32x1000xf32, #tpu.memory_space<vmem>>) target(%dma_start3A_1318 : memref<32x1000xf32, #tpu.memory_space<hbm>>) target_semaphore(%arg6 : memref<!tpu.dma_semaphore, #tpu.memory_space<semaphore_mem>>)
    %dma_wait3A_1323 = arith.constant 1 : i32
    %dma_wait3A_1324 = arith.constant 0 : i32
    %dma_wait3A_1325 = arith.constant 0 : i32
    %dma_wait3A_1326 = tpu.memref_slice %arg5[%dma_wait3A_1323, %dma_wait3A_1324, %dma_wait3A_1325] : memref<2x32x1000xf32, #tpu.memory_space<vmem>> -> memref<1x32x1000xf32, #tpu.memory_space<vmem>>
    %dma_wait3A_1327 = tpu.memref_squeeze %dma_wait3A_1326 : memref<1x32x1000xf32, #tpu.memory_space<vmem>> -> memref<32x1000xf32, #tpu.memory_space<vmem>>
    %dma_wait3A_1328 = arith.constant 0 : i32
    %dma_wait3A_1329 = tpu.memref_slice %arg4[%mul3A_1279, %dma_wait3A_1328] : memref<51200x1000xf32, #tpu.memory_space<hbm>> -> memref<32x1000xf32, #tpu.memory_space<hbm>>
    %dma_wait3A_1330 = arith.constant 0 : i32
    %dma_wait3A_1331 = tpu.memref_slice %arg4[%mul3A_1279, %dma_wait3A_1330] : memref<51200x1000xf32, #tpu.memory_space<hbm>> -> memref<32x1000xf32, #tpu.memory_space<hbm>>
    %dma_wait3A_1332 = arith.constant 0 : i32
    %dma_wait3A_1333 = arith.constant 0 : i32
    %dma_wait3A_1334 = tpu.memref_slice %arg5[%dma_wait3A_1323, %dma_wait3A_1332, %dma_wait3A_1333] : memref<2x32x1000xf32, #tpu.memory_space<vmem>> -> memref<1x32x1000xf32, #tpu.memory_space<vmem>>
    %dma_wait3A_1335 = tpu.memref_squeeze %dma_wait3A_1334 : memref<1x32x1000xf32, #tpu.memory_space<vmem>> -> memref<32x1000xf32, #tpu.memory_space<vmem>>
    tpu.wait_dma2 semaphore(%arg6 : memref<!tpu.dma_semaphore, #tpu.memory_space<semaphore_mem>>) src(%dma_wait3A_1335 : memref<32x1000xf32, #tpu.memory_space<vmem>>) dst(%dma_wait3A_1331 : memref<32x1000xf32, #tpu.memory_space<hbm>>)
    %add3A_1336 = arith.constant 1440 : i32
    %add3A_1337 = arith.addi %add3A_1336, %add3A : i32
    %mul3A_1338 = arith.constant 32 : i32
    %mul3A_1339 = arith.muli %add3A_1337, %mul3A_1338 : i32
    %dma_start3A_1340 = arith.constant 1 : i32
    %dma_start3A_1341 = arith.constant 0 : i32
    %dma_start3A_1342 = arith.constant 0 : i32
    %dma_start3A_1343 = tpu.memref_slice %arg5[%dma_start3A_1340, %dma_start3A_1341, %dma_start3A_1342] : memref<2x32x1000xf32, #tpu.memory_space<vmem>> -> memref<1x32x1000xf32, #tpu.memory_space<vmem>>
    %dma_start3A_1344 = tpu.memref_squeeze %dma_start3A_1343 : memref<1x32x1000xf32, #tpu.memory_space<vmem>> -> memref<32x1000xf32, #tpu.memory_space<vmem>>
    %dma_start3A_1345 = arith.constant 0 : i32
    %dma_start3A_1346 = tpu.memref_slice %arg4[%mul3A_1339, %dma_start3A_1345] : memref<51200x1000xf32, #tpu.memory_space<hbm>> -> memref<32x1000xf32, #tpu.memory_space<hbm>>
    %dma_start3A_1347 = arith.constant 0 : i32
    %dma_start3A_1348 = tpu.memref_slice %arg4[%mul3A_1339, %dma_start3A_1347] : memref<51200x1000xf32, #tpu.memory_space<hbm>> -> memref<32x1000xf32, #tpu.memory_space<hbm>>
    %dma_start3A_1349 = arith.constant 0 : i32
    %dma_start3A_1350 = arith.constant 0 : i32
    %dma_start3A_1351 = tpu.memref_slice %arg5[%dma_start3A_1340, %dma_start3A_1349, %dma_start3A_1350] : memref<2x32x1000xf32, #tpu.memory_space<vmem>> -> memref<1x32x1000xf32, #tpu.memory_space<vmem>>
    %dma_start3A_1352 = tpu.memref_squeeze %dma_start3A_1351 : memref<1x32x1000xf32, #tpu.memory_space<vmem>> -> memref<32x1000xf32, #tpu.memory_space<vmem>>
    tpu.enqueue_dma source(%dma_start3A_1352 : memref<32x1000xf32, #tpu.memory_space<vmem>>) target(%dma_start3A_1348 : memref<32x1000xf32, #tpu.memory_space<hbm>>) target_semaphore(%arg6 : memref<!tpu.dma_semaphore, #tpu.memory_space<semaphore_mem>>)
    %dma_wait3A_1353 = arith.constant 0 : i32
    %dma_wait3A_1354 = arith.constant 0 : i32
    %dma_wait3A_1355 = arith.constant 0 : i32
    %dma_wait3A_1356 = tpu.memref_slice %arg5[%dma_wait3A_1353, %dma_wait3A_1354, %dma_wait3A_1355] : memref<2x32x1000xf32, #tpu.memory_space<vmem>> -> memref<1x32x1000xf32, #tpu.memory_space<vmem>>
    %dma_wait3A_1357 = tpu.memref_squeeze %dma_wait3A_1356 : memref<1x32x1000xf32, #tpu.memory_space<vmem>> -> memref<32x1000xf32, #tpu.memory_space<vmem>>
    %dma_wait3A_1358 = arith.constant 0 : i32
    %dma_wait3A_1359 = tpu.memref_slice %arg4[%mul3A_1309, %dma_wait3A_1358] : memref<51200x1000xf32, #tpu.memory_space<hbm>> -> memref<32x1000xf32, #tpu.memory_space<hbm>>
    %dma_wait3A_1360 = arith.constant 0 : i32
    %dma_wait3A_1361 = tpu.memref_slice %arg4[%mul3A_1309, %dma_wait3A_1360] : memref<51200x1000xf32, #tpu.memory_space<hbm>> -> memref<32x1000xf32, #tpu.memory_space<hbm>>
    %dma_wait3A_1362 = arith.constant 0 : i32
    %dma_wait3A_1363 = arith.constant 0 : i32
    %dma_wait3A_1364 = tpu.memref_slice %arg5[%dma_wait3A_1353, %dma_wait3A_1362, %dma_wait3A_1363] : memref<2x32x1000xf32, #tpu.memory_space<vmem>> -> memref<1x32x1000xf32, #tpu.memory_space<vmem>>
    %dma_wait3A_1365 = tpu.memref_squeeze %dma_wait3A_1364 : memref<1x32x1000xf32, #tpu.memory_space<vmem>> -> memref<32x1000xf32, #tpu.memory_space<vmem>>
    tpu.wait_dma2 semaphore(%arg6 : memref<!tpu.dma_semaphore, #tpu.memory_space<semaphore_mem>>) src(%dma_wait3A_1365 : memref<32x1000xf32, #tpu.memory_space<vmem>>) dst(%dma_wait3A_1361 : memref<32x1000xf32, #tpu.memory_space<hbm>>)
    %add3A_1366 = arith.constant 1472 : i32
    %add3A_1367 = arith.addi %add3A_1366, %add3A : i32
    %mul3A_1368 = arith.constant 32 : i32
    %mul3A_1369 = arith.muli %add3A_1367, %mul3A_1368 : i32
    %dma_start3A_1370 = arith.constant 0 : i32
    %dma_start3A_1371 = arith.constant 0 : i32
    %dma_start3A_1372 = arith.constant 0 : i32
    %dma_start3A_1373 = tpu.memref_slice %arg5[%dma_start3A_1370, %dma_start3A_1371, %dma_start3A_1372] : memref<2x32x1000xf32, #tpu.memory_space<vmem>> -> memref<1x32x1000xf32, #tpu.memory_space<vmem>>
    %dma_start3A_1374 = tpu.memref_squeeze %dma_start3A_1373 : memref<1x32x1000xf32, #tpu.memory_space<vmem>> -> memref<32x1000xf32, #tpu.memory_space<vmem>>
    %dma_start3A_1375 = arith.constant 0 : i32
    %dma_start3A_1376 = tpu.memref_slice %arg4[%mul3A_1369, %dma_start3A_1375] : memref<51200x1000xf32, #tpu.memory_space<hbm>> -> memref<32x1000xf32, #tpu.memory_space<hbm>>
    %dma_start3A_1377 = arith.constant 0 : i32
    %dma_start3A_1378 = tpu.memref_slice %arg4[%mul3A_1369, %dma_start3A_1377] : memref<51200x1000xf32, #tpu.memory_space<hbm>> -> memref<32x1000xf32, #tpu.memory_space<hbm>>
    %dma_start3A_1379 = arith.constant 0 : i32
    %dma_start3A_1380 = arith.constant 0 : i32
    %dma_start3A_1381 = tpu.memref_slice %arg5[%dma_start3A_1370, %dma_start3A_1379, %dma_start3A_1380] : memref<2x32x1000xf32, #tpu.memory_space<vmem>> -> memref<1x32x1000xf32, #tpu.memory_space<vmem>>
    %dma_start3A_1382 = tpu.memref_squeeze %dma_start3A_1381 : memref<1x32x1000xf32, #tpu.memory_space<vmem>> -> memref<32x1000xf32, #tpu.memory_space<vmem>>
    tpu.enqueue_dma source(%dma_start3A_1382 : memref<32x1000xf32, #tpu.memory_space<vmem>>) target(%dma_start3A_1378 : memref<32x1000xf32, #tpu.memory_space<hbm>>) target_semaphore(%arg6 : memref<!tpu.dma_semaphore, #tpu.memory_space<semaphore_mem>>)
    %dma_wait3A_1383 = arith.constant 1 : i32
    %dma_wait3A_1384 = arith.constant 0 : i32
    %dma_wait3A_1385 = arith.constant 0 : i32
    %dma_wait3A_1386 = tpu.memref_slice %arg5[%dma_wait3A_1383, %dma_wait3A_1384, %dma_wait3A_1385] : memref<2x32x1000xf32, #tpu.memory_space<vmem>> -> memref<1x32x1000xf32, #tpu.memory_space<vmem>>
    %dma_wait3A_1387 = tpu.memref_squeeze %dma_wait3A_1386 : memref<1x32x1000xf32, #tpu.memory_space<vmem>> -> memref<32x1000xf32, #tpu.memory_space<vmem>>
    %dma_wait3A_1388 = arith.constant 0 : i32
    %dma_wait3A_1389 = tpu.memref_slice %arg4[%mul3A_1339, %dma_wait3A_1388] : memref<51200x1000xf32, #tpu.memory_space<hbm>> -> memref<32x1000xf32, #tpu.memory_space<hbm>>
    %dma_wait3A_1390 = arith.constant 0 : i32
    %dma_wait3A_1391 = tpu.memref_slice %arg4[%mul3A_1339, %dma_wait3A_1390] : memref<51200x1000xf32, #tpu.memory_space<hbm>> -> memref<32x1000xf32, #tpu.memory_space<hbm>>
    %dma_wait3A_1392 = arith.constant 0 : i32
    %dma_wait3A_1393 = arith.constant 0 : i32
    %dma_wait3A_1394 = tpu.memref_slice %arg5[%dma_wait3A_1383, %dma_wait3A_1392, %dma_wait3A_1393] : memref<2x32x1000xf32, #tpu.memory_space<vmem>> -> memref<1x32x1000xf32, #tpu.memory_space<vmem>>
    %dma_wait3A_1395 = tpu.memref_squeeze %dma_wait3A_1394 : memref<1x32x1000xf32, #tpu.memory_space<vmem>> -> memref<32x1000xf32, #tpu.memory_space<vmem>>
    tpu.wait_dma2 semaphore(%arg6 : memref<!tpu.dma_semaphore, #tpu.memory_space<semaphore_mem>>) src(%dma_wait3A_1395 : memref<32x1000xf32, #tpu.memory_space<vmem>>) dst(%dma_wait3A_1391 : memref<32x1000xf32, #tpu.memory_space<hbm>>)
    %add3A_1396 = arith.constant 1504 : i32
    %add3A_1397 = arith.addi %add3A_1396, %add3A : i32
    %mul3A_1398 = arith.constant 32 : i32
    %mul3A_1399 = arith.muli %add3A_1397, %mul3A_1398 : i32
    %dma_start3A_1400 = arith.constant 1 : i32
    %dma_start3A_1401 = arith.constant 0 : i32
    %dma_start3A_1402 = arith.constant 0 : i32
    %dma_start3A_1403 = tpu.memref_slice %arg5[%dma_start3A_1400, %dma_start3A_1401, %dma_start3A_1402] : memref<2x32x1000xf32, #tpu.memory_space<vmem>> -> memref<1x32x1000xf32, #tpu.memory_space<vmem>>
    %dma_start3A_1404 = tpu.memref_squeeze %dma_start3A_1403 : memref<1x32x1000xf32, #tpu.memory_space<vmem>> -> memref<32x1000xf32, #tpu.memory_space<vmem>>
    %dma_start3A_1405 = arith.constant 0 : i32
    %dma_start3A_1406 = tpu.memref_slice %arg4[%mul3A_1399, %dma_start3A_1405] : memref<51200x1000xf32, #tpu.memory_space<hbm>> -> memref<32x1000xf32, #tpu.memory_space<hbm>>
    %dma_start3A_1407 = arith.constant 0 : i32
    %dma_start3A_1408 = tpu.memref_slice %arg4[%mul3A_1399, %dma_start3A_1407] : memref<51200x1000xf32, #tpu.memory_space<hbm>> -> memref<32x1000xf32, #tpu.memory_space<hbm>>
    %dma_start3A_1409 = arith.constant 0 : i32
    %dma_start3A_1410 = arith.constant 0 : i32
    %dma_start3A_1411 = tpu.memref_slice %arg5[%dma_start3A_1400, %dma_start3A_1409, %dma_start3A_1410] : memref<2x32x1000xf32, #tpu.memory_space<vmem>> -> memref<1x32x1000xf32, #tpu.memory_space<vmem>>
    %dma_start3A_1412 = tpu.memref_squeeze %dma_start3A_1411 : memref<1x32x1000xf32, #tpu.memory_space<vmem>> -> memref<32x1000xf32, #tpu.memory_space<vmem>>
    tpu.enqueue_dma source(%dma_start3A_1412 : memref<32x1000xf32, #tpu.memory_space<vmem>>) target(%dma_start3A_1408 : memref<32x1000xf32, #tpu.memory_space<hbm>>) target_semaphore(%arg6 : memref<!tpu.dma_semaphore, #tpu.memory_space<semaphore_mem>>)
    %dma_wait3A_1413 = arith.constant 0 : i32
    %dma_wait3A_1414 = arith.constant 0 : i32
    %dma_wait3A_1415 = arith.constant 0 : i32
    %dma_wait3A_1416 = tpu.memref_slice %arg5[%dma_wait3A_1413, %dma_wait3A_1414, %dma_wait3A_1415] : memref<2x32x1000xf32, #tpu.memory_space<vmem>> -> memref<1x32x1000xf32, #tpu.memory_space<vmem>>
    %dma_wait3A_1417 = tpu.memref_squeeze %dma_wait3A_1416 : memref<1x32x1000xf32, #tpu.memory_space<vmem>> -> memref<32x1000xf32, #tpu.memory_space<vmem>>
    %dma_wait3A_1418 = arith.constant 0 : i32
    %dma_wait3A_1419 = tpu.memref_slice %arg4[%mul3A_1369, %dma_wait3A_1418] : memref<51200x1000xf32, #tpu.memory_space<hbm>> -> memref<32x1000xf32, #tpu.memory_space<hbm>>
    %dma_wait3A_1420 = arith.constant 0 : i32
    %dma_wait3A_1421 = tpu.memref_slice %arg4[%mul3A_1369, %dma_wait3A_1420] : memref<51200x1000xf32, #tpu.memory_space<hbm>> -> memref<32x1000xf32, #tpu.memory_space<hbm>>
    %dma_wait3A_1422 = arith.constant 0 : i32
    %dma_wait3A_1423 = arith.constant 0 : i32
    %dma_wait3A_1424 = tpu.memref_slice %arg5[%dma_wait3A_1413, %dma_wait3A_1422, %dma_wait3A_1423] : memref<2x32x1000xf32, #tpu.memory_space<vmem>> -> memref<1x32x1000xf32, #tpu.memory_space<vmem>>
    %dma_wait3A_1425 = tpu.memref_squeeze %dma_wait3A_1424 : memref<1x32x1000xf32, #tpu.memory_space<vmem>> -> memref<32x1000xf32, #tpu.memory_space<vmem>>
    tpu.wait_dma2 semaphore(%arg6 : memref<!tpu.dma_semaphore, #tpu.memory_space<semaphore_mem>>) src(%dma_wait3A_1425 : memref<32x1000xf32, #tpu.memory_space<vmem>>) dst(%dma_wait3A_1421 : memref<32x1000xf32, #tpu.memory_space<hbm>>)
    %add3A_1426 = arith.constant 1536 : i32
    %add3A_1427 = arith.addi %add3A_1426, %add3A : i32
    %mul3A_1428 = arith.constant 32 : i32
    %mul3A_1429 = arith.muli %add3A_1427, %mul3A_1428 : i32
    %dma_start3A_1430 = arith.constant 0 : i32
    %dma_start3A_1431 = arith.constant 0 : i32
    %dma_start3A_1432 = arith.constant 0 : i32
    %dma_start3A_1433 = tpu.memref_slice %arg5[%dma_start3A_1430, %dma_start3A_1431, %dma_start3A_1432] : memref<2x32x1000xf32, #tpu.memory_space<vmem>> -> memref<1x32x1000xf32, #tpu.memory_space<vmem>>
    %dma_start3A_1434 = tpu.memref_squeeze %dma_start3A_1433 : memref<1x32x1000xf32, #tpu.memory_space<vmem>> -> memref<32x1000xf32, #tpu.memory_space<vmem>>
    %dma_start3A_1435 = arith.constant 0 : i32
    %dma_start3A_1436 = tpu.memref_slice %arg4[%mul3A_1429, %dma_start3A_1435] : memref<51200x1000xf32, #tpu.memory_space<hbm>> -> memref<32x1000xf32, #tpu.memory_space<hbm>>
    %dma_start3A_1437 = arith.constant 0 : i32
    %dma_start3A_1438 = tpu.memref_slice %arg4[%mul3A_1429, %dma_start3A_1437] : memref<51200x1000xf32, #tpu.memory_space<hbm>> -> memref<32x1000xf32, #tpu.memory_space<hbm>>
    %dma_start3A_1439 = arith.constant 0 : i32
    %dma_start3A_1440 = arith.constant 0 : i32
    %dma_start3A_1441 = tpu.memref_slice %arg5[%dma_start3A_1430, %dma_start3A_1439, %dma_start3A_1440] : memref<2x32x1000xf32, #tpu.memory_space<vmem>> -> memref<1x32x1000xf32, #tpu.memory_space<vmem>>
    %dma_start3A_1442 = tpu.memref_squeeze %dma_start3A_1441 : memref<1x32x1000xf32, #tpu.memory_space<vmem>> -> memref<32x1000xf32, #tpu.memory_space<vmem>>
    tpu.enqueue_dma source(%dma_start3A_1442 : memref<32x1000xf32, #tpu.memory_space<vmem>>) target(%dma_start3A_1438 : memref<32x1000xf32, #tpu.memory_space<hbm>>) target_semaphore(%arg6 : memref<!tpu.dma_semaphore, #tpu.memory_space<semaphore_mem>>)
    %dma_wait3A_1443 = arith.constant 1 : i32
    %dma_wait3A_1444 = arith.constant 0 : i32
    %dma_wait3A_1445 = arith.constant 0 : i32
    %dma_wait3A_1446 = tpu.memref_slice %arg5[%dma_wait3A_1443, %dma_wait3A_1444, %dma_wait3A_1445] : memref<2x32x1000xf32, #tpu.memory_space<vmem>> -> memref<1x32x1000xf32, #tpu.memory_space<vmem>>
    %dma_wait3A_1447 = tpu.memref_squeeze %dma_wait3A_1446 : memref<1x32x1000xf32, #tpu.memory_space<vmem>> -> memref<32x1000xf32, #tpu.memory_space<vmem>>
    %dma_wait3A_1448 = arith.constant 0 : i32
    %dma_wait3A_1449 = tpu.memref_slice %arg4[%mul3A_1399, %dma_wait3A_1448] : memref<51200x1000xf32, #tpu.memory_space<hbm>> -> memref<32x1000xf32, #tpu.memory_space<hbm>>
    %dma_wait3A_1450 = arith.constant 0 : i32
    %dma_wait3A_1451 = tpu.memref_slice %arg4[%mul3A_1399, %dma_wait3A_1450] : memref<51200x1000xf32, #tpu.memory_space<hbm>> -> memref<32x1000xf32, #tpu.memory_space<hbm>>
    %dma_wait3A_1452 = arith.constant 0 : i32
    %dma_wait3A_1453 = arith.constant 0 : i32
    %dma_wait3A_1454 = tpu.memref_slice %arg5[%dma_wait3A_1443, %dma_wait3A_1452, %dma_wait3A_1453] : memref<2x32x1000xf32, #tpu.memory_space<vmem>> -> memref<1x32x1000xf32, #tpu.memory_space<vmem>>
    %dma_wait3A_1455 = tpu.memref_squeeze %dma_wait3A_1454 : memref<1x32x1000xf32, #tpu.memory_space<vmem>> -> memref<32x1000xf32, #tpu.memory_space<vmem>>
    tpu.wait_dma2 semaphore(%arg6 : memref<!tpu.dma_semaphore, #tpu.memory_space<semaphore_mem>>) src(%dma_wait3A_1455 : memref<32x1000xf32, #tpu.memory_space<vmem>>) dst(%dma_wait3A_1451 : memref<32x1000xf32, #tpu.memory_space<hbm>>)
    %add3A_1456 = arith.constant 1568 : i32
    %add3A_1457 = arith.addi %add3A_1456, %add3A : i32
    %mul3A_1458 = arith.constant 32 : i32
    %mul3A_1459 = arith.muli %add3A_1457, %mul3A_1458 : i32
    %dma_start3A_1460 = arith.constant 1 : i32
    %dma_start3A_1461 = arith.constant 0 : i32
    %dma_start3A_1462 = arith.constant 0 : i32
    %dma_start3A_1463 = tpu.memref_slice %arg5[%dma_start3A_1460, %dma_start3A_1461, %dma_start3A_1462] : memref<2x32x1000xf32, #tpu.memory_space<vmem>> -> memref<1x32x1000xf32, #tpu.memory_space<vmem>>
    %dma_start3A_1464 = tpu.memref_squeeze %dma_start3A_1463 : memref<1x32x1000xf32, #tpu.memory_space<vmem>> -> memref<32x1000xf32, #tpu.memory_space<vmem>>
    %dma_start3A_1465 = arith.constant 0 : i32
    %dma_start3A_1466 = tpu.memref_slice %arg4[%mul3A_1459, %dma_start3A_1465] : memref<51200x1000xf32, #tpu.memory_space<hbm>> -> memref<32x1000xf32, #tpu.memory_space<hbm>>
    %dma_start3A_1467 = arith.constant 0 : i32
    %dma_start3A_1468 = tpu.memref_slice %arg4[%mul3A_1459, %dma_start3A_1467] : memref<51200x1000xf32, #tpu.memory_space<hbm>> -> memref<32x1000xf32, #tpu.memory_space<hbm>>
    %dma_start3A_1469 = arith.constant 0 : i32
    %dma_start3A_1470 = arith.constant 0 : i32
    %dma_start3A_1471 = tpu.memref_slice %arg5[%dma_start3A_1460, %dma_start3A_1469, %dma_start3A_1470] : memref<2x32x1000xf32, #tpu.memory_space<vmem>> -> memref<1x32x1000xf32, #tpu.memory_space<vmem>>
    %dma_start3A_1472 = tpu.memref_squeeze %dma_start3A_1471 : memref<1x32x1000xf32, #tpu.memory_space<vmem>> -> memref<32x1000xf32, #tpu.memory_space<vmem>>
    tpu.enqueue_dma source(%dma_start3A_1472 : memref<32x1000xf32, #tpu.memory_space<vmem>>) target(%dma_start3A_1468 : memref<32x1000xf32, #tpu.memory_space<hbm>>) target_semaphore(%arg6 : memref<!tpu.dma_semaphore, #tpu.memory_space<semaphore_mem>>)
    %dma_wait3A_1473 = arith.constant 0 : i32
    %dma_wait3A_1474 = arith.constant 0 : i32
    %dma_wait3A_1475 = arith.constant 0 : i32
    %dma_wait3A_1476 = tpu.memref_slice %arg5[%dma_wait3A_1473, %dma_wait3A_1474, %dma_wait3A_1475] : memref<2x32x1000xf32, #tpu.memory_space<vmem>> -> memref<1x32x1000xf32, #tpu.memory_space<vmem>>
    %dma_wait3A_1477 = tpu.memref_squeeze %dma_wait3A_1476 : memref<1x32x1000xf32, #tpu.memory_space<vmem>> -> memref<32x1000xf32, #tpu.memory_space<vmem>>
    %dma_wait3A_1478 = arith.constant 0 : i32
    %dma_wait3A_1479 = tpu.memref_slice %arg4[%mul3A_1429, %dma_wait3A_1478] : memref<51200x1000xf32, #tpu.memory_space<hbm>> -> memref<32x1000xf32, #tpu.memory_space<hbm>>
    %dma_wait3A_1480 = arith.constant 0 : i32
    %dma_wait3A_1481 = tpu.memref_slice %arg4[%mul3A_1429, %dma_wait3A_1480] : memref<51200x1000xf32, #tpu.memory_space<hbm>> -> memref<32x1000xf32, #tpu.memory_space<hbm>>
    %dma_wait3A_1482 = arith.constant 0 : i32
    %dma_wait3A_1483 = arith.constant 0 : i32
    %dma_wait3A_1484 = tpu.memref_slice %arg5[%dma_wait3A_1473, %dma_wait3A_1482, %dma_wait3A_1483] : memref<2x32x1000xf32, #tpu.memory_space<vmem>> -> memref<1x32x1000xf32, #tpu.memory_space<vmem>>
    %dma_wait3A_1485 = tpu.memref_squeeze %dma_wait3A_1484 : memref<1x32x1000xf32, #tpu.memory_space<vmem>> -> memref<32x1000xf32, #tpu.memory_space<vmem>>
    tpu.wait_dma2 semaphore(%arg6 : memref<!tpu.dma_semaphore, #tpu.memory_space<semaphore_mem>>) src(%dma_wait3A_1485 : memref<32x1000xf32, #tpu.memory_space<vmem>>) dst(%dma_wait3A_1481 : memref<32x1000xf32, #tpu.memory_space<hbm>>)
    %dma_wait3A_1486 = arith.constant 1 : i32
    %dma_wait3A_1487 = arith.constant 0 : i32
    %dma_wait3A_1488 = arith.constant 0 : i32
    %dma_wait3A_1489 = tpu.memref_slice %arg5[%dma_wait3A_1486, %dma_wait3A_1487, %dma_wait3A_1488] : memref<2x32x1000xf32, #tpu.memory_space<vmem>> -> memref<1x32x1000xf32, #tpu.memory_space<vmem>>
    %dma_wait3A_1490 = tpu.memref_squeeze %dma_wait3A_1489 : memref<1x32x1000xf32, #tpu.memory_space<vmem>> -> memref<32x1000xf32, #tpu.memory_space<vmem>>
    %dma_wait3A_1491 = arith.constant 0 : i32
    %dma_wait3A_1492 = tpu.memref_slice %arg4[%mul3A_1459, %dma_wait3A_1491] : memref<51200x1000xf32, #tpu.memory_space<hbm>> -> memref<32x1000xf32, #tpu.memory_space<hbm>>
    %dma_wait3A_1493 = arith.constant 0 : i32
    %dma_wait3A_1494 = tpu.memref_slice %arg4[%mul3A_1459, %dma_wait3A_1493] : memref<51200x1000xf32, #tpu.memory_space<hbm>> -> memref<32x1000xf32, #tpu.memory_space<hbm>>
    %dma_wait3A_1495 = arith.constant 0 : i32
    %dma_wait3A_1496 = arith.constant 0 : i32
    %dma_wait3A_1497 = tpu.memref_slice %arg5[%dma_wait3A_1486, %dma_wait3A_1495, %dma_wait3A_1496] : memref<2x32x1000xf32, #tpu.memory_space<vmem>> -> memref<1x32x1000xf32, #tpu.memory_space<vmem>>
    %dma_wait3A_1498 = tpu.memref_squeeze %dma_wait3A_1497 : memref<1x32x1000xf32, #tpu.memory_space<vmem>> -> memref<32x1000xf32, #tpu.memory_space<vmem>>
    tpu.wait_dma2 semaphore(%arg6 : memref<!tpu.dma_semaphore, #tpu.memory_space<semaphore_mem>>) src(%dma_wait3A_1498 : memref<32x1000xf32, #tpu.memory_space<vmem>>) dst(%dma_wait3A_1494 : memref<32x1000xf32, #tpu.memory_space<hbm>>)
    return
  }
}

</mosaic_0001>

<sc_bundles>
// kernel: kernel.3.cloned.1.call-start
scs
__scs_entry_jumppad:
0x0: {  	(pc) =	sbr.rel $0x88, $3  }
0x1: {  	(tag) =	ssettag $0x0;
	lr =	simm.s32 $0x1  }
0x2: {  	[smem:$0x3F9F] =	sst lr;
	_ =	strace $0xD0000000  }
0x3: {  	_ = 	snop  }
0x4: {  	_ = 	snop  }
0x5: {  	_ = 	snop  }
0x6: {  	_ = 	snop  }
0x7: {  	_ = 	snop  }
__scs_overlays_trampoline_lowered:
0x8: {  	[smem:$0x3FAE] =	sst s0  }
0x9: {  	[smem:$0x3FAF] =	sst s1  }
0xa: {  	[smem:$0x3FB0] =	sst s2  }
0xb: {  	[smem:$0x3FB1] =	sst s3  }
0xc: {  	[smem:$0x3FB2] =	sst s4  }
0xd: {  	[smem:$0x3FB3] =	sst s5  }
0xe: {  	[smem:$0x3FB4] =	sst s6  }
0xf: {  	[smem:$0x3FB5] =	sst s7  }
0x10: {  	[smem:$0x3FB6] =	sst s8  }
0x11: {  	[smem:$0x3FB7] =	sst s9;
	s0 =	simm.s32 @!p0 $0x0  }
0x12: {  	s1 =	sld [smem:$0x3F9D];
	s0 =	simm.s32 @p0 $0x1  }
0x13: {  	[smem:$0x3FB8] =	sst s0;
	s0 =	simm.s32 @!p1 $0x0  }
0x14: {  	s2 =	sld [smem:$0x3F9C];
	s0 =	simm.s32 @p1 $0x1  }
0x15: {  	[smem:$0x3FB9] =	sst s0;
	s0 =	simm.s32 @!p2 $0x0  }
0x16: {  	s3 =	sld [smem:$0x3FDB];
	s0 =	simm.s32 @p2 $0x1  }
0x17: {  	s4 =	simm.s32 $0x1BF5;
	[smem:$0x3FBB] =	sst s0  }
0x18: {  	s0 =	sld [smem:$0x3F9E];
	_ =	swait.ge [sflag:s4], $0x0  }
0x19: {  	s7 =	sld [smem:$0x3F9F]  }
0x1a: {  	s8 =	sadd.s32 $0xFFFFE003, lr  }
0x1b: {  	s9 =	sadd.s32 $0xFFFFFEF7, lr;
	s5 =	simm.s32 $0xFFFFFFFF;
	p2 =	slt.u32 s8, $0xFFFFF086  }
0x1c: {  	p1 =	slt.u32 s9, $0xF7A;
	s5 =	simm.s32 @!p2 $0x0  }
0x1d: {  	s5 =	simm.s32 @p1 $0x1;
	p0 =	seq.s32 s7, s2  }
0x1e: {  	s7 =	smul.u32 @!p0 $0xF7A, s2;
	p2 =	seq.s32 @!p0 s5, $0x0  }
0x1f: {  	s9 =	smul.u32 $0xF7A, s1;
	s8 =	simm.s32 @!p0 $0x1BF5;
	p2 =	por !p2, p0  }
0x20: {  	[sflag:s8] =	ssyncset.s32 @!p0 $0xFFFFF086;
	s6 =	sadd.s32 @!p0 s3, s7;
	s7 =	simm.s32 @!p0 $0x108  }
0x21: {  	s3 =	sadd.s32 s3, s9;
	s6 =	sadd.s32 @!p0 $0x88, s6;
	s7 =	simm.s32 @p2 $0x1082  }
0x22: {  	[simem:s7], [sflag:s8] =	dma.local @!p0 [hbm:s6], $0xF7A  }
0x23: {  	s9 =	sor.u32 $0xD0000000, s2;
	s6 =	simm.s32 $0x108;
	_ =	swait.ge @!p0 [sflag:s8], $0x0  }
0x24: {  	s3 =	sadd.s32 $0x88, s3;
	s6 =	simm.s32 @!p1 $0x1082;
	[sflag:s4] =	ssyncset.s32 $0xFFFFF086  }
0x25: {  	[simem:s6], [sflag:s4] =	dma.local [hbm:s3], $0xF7A  }
0x26: {  	[smem:$0x3F9F] =	sst s1;
	(tag) =	ssettag s2;
	_ =	strace s9  }
0x27: {  	s1 =	sld [smem:$0x3FAF]  }
0x28: {  	s2 =	sld [smem:$0x3FB0]  }
0x29: {  	s4 =	sld [smem:$0x3FB2]  }
0x2a: {  	p0 =	seq.s32 s5, $0x0;
	s5 =	sld [smem:$0x3FB3]  }
0x2b: {  	s6 =	sld [smem:$0x3FB4]  }
0x2c: {  	s7 =	sld [smem:$0x3FB5]  }
0x2d: {  	s3 =	simm.s32 $0x108;
	s8 =	sld [smem:$0x3FB6]  }
0x2e: {  	s3 =	simm.s32 @!p0 $0x1082;
	s9 =	sld [smem:$0x3FB7]  }
0x2f: {  	lr =	sadd.s32 s0, s3;
	s0 =	sld [smem:$0x3FAE]  }
0x30: {  	s3 =	sld [smem:$0x3FB1]  }
0x31: {  	[smem:$0x3FBA] =	sst s10  }
0x32: {  	s10 =	sld [smem:$0x3FB8];
	_ =	sdelay $0x3  }
0x33: {  	p0 =	seq.s32 s10, $0x1;
	s10 =	sld [smem:$0x3FBA];
	_ =	sdelay $0x3  }
0x34: {  	[smem:$0x3FBA] =	sst s10  }
0x35: {  	s10 =	sld [smem:$0x3FB9];
	_ =	sdelay $0x3  }
0x36: {  	p1 =	seq.s32 s10, $0x1;
	s10 =	sld [smem:$0x3FBA];
	_ =	sdelay $0x3  }
0x37: {  	[smem:$0x3FBA] =	sst s10  }
0x38: {  	s10 =	sld [smem:$0x3FBB]  }
0x39: {  	_ = 	snop;
	(pc) =	sbr.ind lr, $3  }
0x3a: {  	_ = 	snop  }
0x3b: {  	_ = 	snop  }
0x3c: {  	p2 =	seq.s32 s10, $0x1;
	s10 =	sld [smem:$0x3FBA]  }
0x3d: {  	_ =	shalt  }
0x3e: {  	_ =	shalt  }
0x3f: {  	_ =	shalt  }
0x40: {  	_ =	shalt  }
0x41: {  	_ =	shalt  }
0x42: {  	_ =	shalt  }
0x43: {  	_ =	shalt  }
0x44: {  	_ =	shalt  }
0x45: {  	_ =	shalt  }
0x46: {  	_ =	shalt  }
0x47: {  	_ =	shalt  }
0x48: {  	_ =	shalt  }
0x49: {  	_ =	shalt  }
0x4a: {  	_ =	shalt  }
0x4b: {  	_ =	shalt  }
0x4c: {  	_ =	shalt  }
0x4d: {  	_ =	shalt  }
0x4e: {  	_ =	shalt  }
0x4f: {  	_ =	shalt  }
0x50: {  	_ =	shalt  }
0x51: {  	_ =	shalt  }
0x52: {  	_ =	shalt  }
0x53: {  	_ =	shalt  }
0x54: {  	_ =	shalt  }
0x55: {  	_ =	shalt  }
0x56: {  	_ =	shalt  }
0x57: {  	_ =	shalt  }
0x58: {  	_ =	shalt  }
0x59: {  	_ =	shalt  }
0x5a: {  	_ =	shalt  }
0x5b: {  	_ =	shalt  }
0x5c: {  	_ =	shalt  }
0x5d: {  	_ =	shalt  }
0x5e: {  	_ =	shalt  }
0x5f: {  	_ =	shalt  }
0x60: {  	_ =	shalt  }
0x61: {  	_ =	shalt  }
0x62: {  	_ =	shalt  }
0x63: {  	_ =	shalt  }
0x64: {  	_ =	shalt  }
0x65: {  	_ =	shalt  }
0x66: {  	_ =	shalt  }
0x67: {  	_ =	shalt  }
0x68: {  	_ =	shalt  }
0x69: {  	_ =	shalt  }
0x6a: {  	_ =	shalt  }
0x6b: {  	_ =	shalt  }
0x6c: {  	_ =	shalt  }
0x6d: {  	_ =	shalt  }
0x6e: {  	_ =	shalt  }
0x6f: {  	_ =	shalt  }
0x70: {  	_ =	shalt  }
0x71: {  	_ =	shalt  }
0x72: {  	_ =	shalt  }
0x73: {  	_ =	shalt  }
0x74: {  	_ =	shalt  }
0x75: {  	_ =	shalt  }
0x76: {  	_ =	shalt  }
0x77: {  	_ =	shalt  }
0x78: {  	_ =	shalt  }
0x79: {  	_ =	shalt  }
0x7a: {  	_ =	shalt  }
0x7b: {  	_ =	shalt  }
0x7c: {  	_ =	shalt  }
0x7d: {  	_ =	shalt  }
0x7e: {  	_ =	shalt  }
0x7f: {  	_ =	shalt  }
0x80: {  	_ =	shalt  }
0x81: {  	_ =	shalt  }
0x82: {  	_ =	shalt  }
0x83: {  	_ =	shalt  }
0x84: {  	_ =	shalt  }
0x85: {  	_ =	shalt  }
0x86: {  	_ =	shalt  }
0x87: {  	_ =	shalt  }
.Lfunc_end0:
.L_simem_size_0:
called_computation.1_lowered:
.L_overlay_start_0:
0x88: {  	s2 =	sld [smem:$0x3FD9]  }
0x89: {  	s3 =	sld [smem:$0x3FFE];
	_ =	sdelay $0x1  }
0x8a: {  	s1 =	srdreg.scid  }
0x8b: {  	s0 =	sand.u32 $0x1, s1  }
0x8c: {  	s18 =	sshll.u32 s0, $0xA;
	s2 =	sadd.s32 s3, s2  }
0x8d: {  	s2 =	sadd.s32 s2, s18  }
0x8e: {  	[smem:$0x3FC6] =	sst s2  }
0x8f: {  	_ = 	snop  }
0x90: {  	s2 =	sld [smem:$0x3FD0];
	(tm) =	ssettm $0x1  }
0x91: {  	s19 =	sld [smem:$0x3FFB];
	_ =	sdelay $0x3  }
0x92: {  	_ =	strace s19  }
0x93: {  	s3 =	sld [smem:$0x3FFC];
	_ =	sdelay $0x3  }
0x94: {  	_ =	strace s3  }
0x95: {  	s3 =	sld [smem:$0x3FFD];
	_ =	sdelay $0x3  }
0x96: {  	_ =	strace s3  }
0x97: {  	_ =	strace $0x8FFFFFFF  }
0x98: {  	s20 =	sld [smem:$0x3FDB];
	_ =	sdelay $0x1  }
0x99: {  	s4 =	simm.s32 $_scs_section_size  }
0x9a: {  	s5 =	simm.s32 $_size__tile_overlayer_lowered;
	s6 =	simm.s32 $_tile_overlayer_lowered  }
0x9b: {  	s23 =	simm.s32 $0x1BFF;
	s22 =	sshll.u32 s6, $0x1;
	s3 =	sadd.s32 s4, s20  }
0x9c: {  	s7 =	simm.s32 $0x0;
	s21 =	sshll.u32 s5, $0x1;
	s5 =	sadd.s32 s22, s3  }
0x9d: {  	[timem:s7], [sflag:s23] =	dma.local [hbm:s5], s21  }
0x9e: {  	_ =	swait.ge [sflag:s23], s21  }
0x9f: {  	s4 =	ssub.s32 $0x0, s21;
	[sflag:s23] =	ssyncset.done $0x0  }
0xa0: {  	[sflag:s23] =	ssyncadd.s32 s4;
	_ =	sdelay $0x1  }
0xa1: {  	s24 =	simm.s32 $0x1B8B  }
0xa2: {  	_ =	swait.ge [sflag:s24], $0x1  }
0xa3: {  	[sflag:s24] =	ssyncset.done $0x0  }
0xa4: {  	s25 =	simm.s32 $0x1B8E;
	[sflag:s24] =	ssyncadd.s32 $0xFFFFFFFF  }
0xa5: {  	s26 =	simm.s32 $execute0_lowered;
	[smem:$0x3FD2] =	sst s25  }
0xa6: {  	s4 =	sshll.u32 s26, $0x1;
	_ =	strace $0x80000046;
	[dreg:$0x1] =	wrdreg $0xFFFFFFFF  }
0xa7: {  	s28 =	simm.s32 $_size_execute0_lowered;
	s3 =	sadd.s32 s3, s4;
	[dreg:$0x0] =	wrdreg $0x0  }
0xa8: {  	s4 =	sshll.u32 s28, $0x1;
	[dreg:$0x2] =	wrdreg s3  }
0xa9: {  	[dreg:$0x3] =	wrdreg s4  }
0xaa: {  	[dreg:$0x4] =	wrdreg $0xC0  }
0xab: {  	_ =	task [dreg:s7], $0x5FFFF  }
0xac: {  	[dreg:$0x1] =	wrdreg $0xFFFFFFFF  }
0xad: {  	[dreg:$0x0] =	wrdreg $0x60  }
0xae: {  	[dreg:$0x2] =	wrdreg s2  }
0xaf: {  	[dreg:$0x3] =	wrdreg $0x9  }
0xb0: {  	_ =	task.clear_ibuf [dreg:s7], $0x4FFFF;
	_ =	strace $0x90000046  }
0xb1: {  	s29 =	simm.s32 $0x9;
	_ =	strace $0x80000048  }
0xb2: {  	_ =	swait.ge [sflag:s29], $0x1  }
0xb3: {  	[sflag:s29] =	ssyncadd.s32 $0xFFFFFFFF  }
0xb4: {  	_ =	strace $0x90000048  }
0xb5: {  	_ =	sfence  }
0xb6: {  	s30 =	sld [smem:$0x0];
	_ =	sdelay $0x2  }
0xb7: {  	s31 =	sshll.u32 s1, $0xD;
	s1 =	sshrl.u32 s1, $0x2  }
0xb8: {  	s3 =	sand.u32 $0x4000, s31;
	s1 =	sadd.s32 s1, s30  }
0xb9: {  	s0 =	sor.u32 s3, s0;
	s1 =	sshll.u32 s1, $0x11  }
0xba: {  	s0 =	sor.u32 s1, s0  }
0xbb: {  	s0 =	sadd.s32 $0x8F2B, s0  }
0xbc: {  	[sflag:s0] =	ssyncadd.remote.s32 $0x1  }
0xbd: {  	_ =	sfence.sel $0xFFFF  }
0xbe: {  	[dreg:$0x0] =	wrdreg $0xFFFFFFFF;
	(pc) =	sbr.abs _section_cstart, $3  }
0xbf: {  	[dreg:$0x1] =	wrdreg $0xFFFFFFFF  }
0xc0: {  	_ =	task.clear_ibuf [dreg:s7], $0x2FFFF;
	_ =	strace $0x9FFFFFFF  }
0xc1: {  	(tm) =	ssettm $0x7FFFFFFF  }
tec
execute0_lowered:
.L_overlay_start_1:
0x0: {  	(tag) =	ssettag $0x1  }
0x1: {  	s0 =	srdreg.scid;
	s1 =	stileid.u32  }
0x2: {  	s0 =	sand.u32 $0x1, s0;
	s1 =	sshll.u32 s1, $0x1  }
0x3: {  	s1 =	sor.u32 s0, s1  }
0x4: {  	s3 =	rddreg [dreg:$0x0];
	s2 =	simm.s32 $0x0;
	s4 =	smul.u32 $0x7D00, s1  }
0x5: {  	[smem:$0x7FF] =	sst s2;
	s0 =	ssub.s32 $0x2, s0;
	s1 =	smul.u32 $0xFA0, s1  }
0x6: {  	p0 =	por $0x0, $0x0;
	_ =	strace $0x80000047;
	s8 =	sshrl.u32 s0, $0x1  }
0x7: {  	s0 =	ssub.s32 s0, s8;
	s4 =	sshrl.u32 s4, $0x3;
	s5 =	sadd.s32 s3, s1  }
0x8: {  	s0 =	smax.u32 s0, $0x1;
	s1 =	sadd.s32 s3, s4;
	[dreg:$0x2] =	wrdreg s5  }
0x9: {  	p1 =	sne.s32 s0, $0x1;
	s3 =	sadd.s32 $0x1F400, s1;
	s21 =	sadd.s32 $0x3E800, s1  }
0xa: {  	s22 =	sadd.s32 $0x5DC00, s1;
	s23 =	sadd.s32 $0x7D000, s1;
	[dreg:$0x3] =	wrdreg s3  }
0xb: {  	s24 =	sadd.s32 $0x9C400, s1;
	s25 =	sadd.s32 $0xBB800, s1;
	[dreg:$0x4] =	wrdreg s21  }
0xc: {  	s26 =	sadd.s32 $0xDAC00, s1;
	s4 =	sadd.s32 $0xFA000, s1;
	[dreg:$0x5] =	wrdreg s22  }
0xd: {  	s5 =	sadd.s32 $0x119400, s1;
	s6 =	sadd.s32 $0x138800, s1;
	[dreg:$0x6] =	wrdreg s23  }
0xe: {  	s7 =	sadd.s32 $0x157C00, s1;
	s9 =	sadd.s32 $0x177000, s1;
	[dreg:$0x7] =	wrdreg s24  }
0xf: {  	s10 =	sadd.s32 $0x196400, s1;
	s11 =	sadd.s32 $0x1B5800, s1;
	[dreg:$0x8] =	wrdreg s25  }
0x10: {  	s12 =	sadd.s32 $0x1D4C00, s1;
	s13 =	sadd.s32 $0x213400, s1;
	[dreg:$0x9] =	wrdreg s26  }
0x11: {  	s14 =	sadd.s32 $0x232800, s1;
	s8 =	sadd.s32 $0x271000, s1;
	[dreg:$0xa] =	wrdreg s4  }
0x12: {  	s15 =	sadd.s32 $0x290400, s1;
	s30 =	sadd.s32 $0x30D400, s1;
	[dreg:$0xb] =	wrdreg s5  }
0x13: {  	s29 =	sadd.s32 $0x32C800, s1;
	s28 =	sadd.s32 $0x34BC00, s1;
	[dreg:$0xc] =	wrdreg s6  }
0x14: {  	s31 =	sadd.s32 $0x2EE000, s1;
	s20 =	sadd.s32 $0x426800, s1;
	[dreg:$0xd] =	wrdreg s7  }
0x15: {  	s19 =	sadd.s32 $0x445C00, s1;
	s18 =	sadd.s32 $0x465000, s1;
	[dreg:$0xe] =	wrdreg s9  }
0x16: {  	s17 =	sadd.s32 $0x484400, s1;
	s16 =	sadd.s32 $0x4A3800, s1;
	[dreg:$0xf] =	wrdreg s10  }
0x17: {  	[dreg:$0x10] =	wrdreg s11;
	s6 =	sadd.s32 $0x1F4000, s1;
	s7 =	sadd.s32 $0x251C00, s1  }
0x18: {  	[dreg:$0x11] =	wrdreg s12;
	s9 =	sadd.s32 $0x2AF800, s1;
	s26 =	sadd.s32 $0x36B000, s1  }
0x19: {  	[dreg:$0x13] =	wrdreg s13;
	s25 =	sadd.s32 $0x38A400, s1;
	s24 =	sadd.s32 $0x3A9800, s1  }
0x1a: {  	[dreg:$0x14] =	wrdreg s14;
	s22 =	sadd.s32 $0x3C8C00, s1;
	s21 =	sadd.s32 $0x407400, s1  }
0x1b: {  	s23 =	sadd.s32 $0x3E8000, s1;
	[dreg:$0x16] =	wrdreg s8;
	s14 =	sadd.s32 $0x4C2C00, s1  }
0x1c: {  	[dreg:$0x17] =	wrdreg s15;
	s13 =	sadd.s32 $0x501400, s1;
	s12 =	sadd.s32 $0x520800, s1  }
0x1d: {  	s11 =	sadd.s32 $0x53FC00, s1;
	s15 =	sadd.s32 $0x4E2000, s1;
	s10 =	sadd.s32 $0x55F000, s1  }
.Ltmp0:
0x1e: {  	s8 =	sadd.s32 $0x59D800, s1;
	[dreg:$0x12] =	wrdreg s6;
	(pc) =	sbr.rel @!p1 .LBB2_3-.Ltmp0, $4  }
0x1f: {  	s5 =	sadd.s32 $0x5DC000, s1;
	s3 =	sadd.s32 $0x5FB400, s1;
	[dreg:$0x15] =	wrdreg s7  }
0x20: {  	s6 =	sadd.s32 $0x2CEC00, s1;
	[dreg:$0x18] =	wrdreg s9;
	s9 =	sadd.s32 $0x57E400, s1  }
0x21: {  	s7 =	sadd.s32 $0x5BCC00, s1;
	s1 =	sadd.s32 $0xFFFFFFFF, s0;
	s0 =	rddreg [dreg:$0x2]  }
0x22: {  	s4 =	simm.s32 $0x1;
	[dreg:$0x19] =	wrdreg s6;
	s6 =	simm.s32 $0x7D00  }
0x23: {  	[dreg:$0x1a] =	wrdreg s1  }
0x24: {  	[hbm4b:s0+s2] =	stream.linear.scatter [tilespmem:s2], [sflag:$0x1], $0x7D00, $0x38;
	[tilespmem:$0xFA00] =	vst v63  }
0x25: {  	s1 =	rddreg [dreg:$0x3]  }
0x26: {  	[hbm4b:s1+s2] =	stream.linear.scatter [tilespmem:s6], [sflag:$0x1], $0x7D00, $0x38;
	[tilespmem:$0xFA00] =	vst v63  }
0x27: {  	_ =	swait.ge [sflag:s4], $0x7D00  }
0x28: {  	[sflag:s4] =	ssyncset.done $0x0  }
0x29: {  	s1 =	rddreg [dreg:$0x4];
	[sflag:s4] =	ssyncadd.s32 $0xFFFF8300  }
0x2a: {  	[hbm4b:s1+s2] =	stream.linear.scatter [tilespmem:s2], [sflag:$0x1], $0x7D00, $0x38;
	[tilespmem:$0xFA00] =	vst v63  }
0x2b: {  	_ =	swait.ge [sflag:s4], $0x7D00  }
0x2c: {  	[sflag:s4] =	ssyncset.done $0x0  }
0x2d: {  	s1 =	rddreg [dreg:$0x5];
	[sflag:s4] =	ssyncadd.s32 $0xFFFF8300  }
0x2e: {  	[hbm4b:s1+s2] =	stream.linear.scatter [tilespmem:s6], [sflag:$0x1], $0x7D00, $0x38;
	[tilespmem:$0xFA00] =	vst v63  }
0x2f: {  	_ =	swait.ge [sflag:s4], $0x7D00  }
0x30: {  	[sflag:s4] =	ssyncset.done $0x0  }
0x31: {  	s1 =	rddreg [dreg:$0x6];
	[sflag:s4] =	ssyncadd.s32 $0xFFFF8300  }
0x32: {  	[hbm4b:s1+s2] =	stream.linear.scatter [tilespmem:s2], [sflag:$0x1], $0x7D00, $0x38;
	[tilespmem:$0xFA00] =	vst v63  }
0x33: {  	_ =	swait.ge [sflag:s4], $0x7D00  }
0x34: {  	[sflag:s4] =	ssyncset.done $0x0  }
0x35: {  	s1 =	rddreg [dreg:$0x7];
	[sflag:s4] =	ssyncadd.s32 $0xFFFF8300  }
0x36: {  	[hbm4b:s1+s2] =	stream.linear.scatter [tilespmem:s6], [sflag:$0x1], $0x7D00, $0x38;
	[tilespmem:$0xFA00] =	vst v63  }
0x37: {  	_ =	swait.ge [sflag:s4], $0x7D00  }
0x38: {  	[sflag:s4] =	ssyncset.done $0x0  }
0x39: {  	s1 =	rddreg [dreg:$0x8];
	[sflag:s4] =	ssyncadd.s32 $0xFFFF8300  }
0x3a: {  	[hbm4b:s1+s2] =	stream.linear.scatter [tilespmem:s2], [sflag:$0x1], $0x7D00, $0x38;
	[tilespmem:$0xFA00] =	vst v63  }
0x3b: {  	_ =	swait.ge [sflag:s4], $0x7D00  }
0x3c: {  	[sflag:s4] =	ssyncset.done $0x0  }
0x3d: {  	s1 =	rddreg [dreg:$0x9];
	[sflag:s4] =	ssyncadd.s32 $0xFFFF8300  }
0x3e: {  	[hbm4b:s1+s2] =	stream.linear.scatter [tilespmem:s6], [sflag:$0x1], $0x7D00, $0x38;
	[tilespmem:$0xFA00] =	vst v63  }
0x3f: {  	_ =	swait.ge [sflag:s4], $0x7D00  }
0x40: {  	[sflag:s4] =	ssyncset.done $0x0  }
0x41: {  	s1 =	rddreg [dreg:$0xa];
	[sflag:s4] =	ssyncadd.s32 $0xFFFF8300  }
0x42: {  	[hbm4b:s1+s2] =	stream.linear.scatter [tilespmem:s2], [sflag:$0x1], $0x7D00, $0x38;
	[tilespmem:$0xFA00] =	vst v63  }
0x43: {  	_ =	swait.ge [sflag:s4], $0x7D00  }
0x44: {  	[sflag:s4] =	ssyncset.done $0x0  }
0x45: {  	s1 =	rddreg [dreg:$0xb];
	[sflag:s4] =	ssyncadd.s32 $0xFFFF8300  }
0x46: {  	[hbm4b:s1+s2] =	stream.linear.scatter [tilespmem:s6], [sflag:$0x1], $0x7D00, $0x38;
	[tilespmem:$0xFA00] =	vst v63  }
0x47: {  	_ =	swait.ge [sflag:s4], $0x7D00  }
0x48: {  	[sflag:s4] =	ssyncset.done $0x0  }
0x49: {  	s1 =	rddreg [dreg:$0xc];
	[sflag:s4] =	ssyncadd.s32 $0xFFFF8300  }
0x4a: {  	[hbm4b:s1+s2] =	stream.linear.scatter [tilespmem:s2], [sflag:$0x1], $0x7D00, $0x38;
	[tilespmem:$0xFA00] =	vst v63  }
0x4b: {  	_ =	swait.ge [sflag:s4], $0x7D00  }
0x4c: {  	[sflag:s4] =	ssyncset.done $0x0  }
0x4d: {  	s1 =	rddreg [dreg:$0xd];
	[sflag:s4] =	ssyncadd.s32 $0xFFFF8300  }
0x4e: {  	[hbm4b:s1+s2] =	stream.linear.scatter [tilespmem:s6], [sflag:$0x1], $0x7D00, $0x38;
	[tilespmem:$0xFA00] =	vst v63  }
0x4f: {  	_ =	swait.ge [sflag:s4], $0x7D00  }
0x50: {  	[sflag:s4] =	ssyncset.done $0x0  }
0x51: {  	s1 =	rddreg [dreg:$0xe];
	[sflag:s4] =	ssyncadd.s32 $0xFFFF8300  }
0x52: {  	[hbm4b:s1+s2] =	stream.linear.scatter [tilespmem:s2], [sflag:$0x1], $0x7D00, $0x38;
	[tilespmem:$0xFA00] =	vst v63  }
0x53: {  	_ =	swait.ge [sflag:s4], $0x7D00  }
0x54: {  	[sflag:s4] =	ssyncset.done $0x0  }
0x55: {  	s1 =	rddreg [dreg:$0xf];
	[sflag:s4] =	ssyncadd.s32 $0xFFFF8300  }
0x56: {  	[hbm4b:s1+s2] =	stream.linear.scatter [tilespmem:s6], [sflag:$0x1], $0x7D00, $0x38;
	[tilespmem:$0xFA00] =	vst v63  }
0x57: {  	_ =	swait.ge [sflag:s4], $0x7D00  }
0x58: {  	[sflag:s4] =	ssyncset.done $0x0  }
0x59: {  	s1 =	rddreg [dreg:$0x10];
	[sflag:s4] =	ssyncadd.s32 $0xFFFF8300  }
0x5a: {  	[hbm4b:s1+s2] =	stream.linear.scatter [tilespmem:s2], [sflag:$0x1], $0x7D00, $0x38;
	[tilespmem:$0xFA00] =	vst v63  }
0x5b: {  	_ =	swait.ge [sflag:s4], $0x7D00  }
0x5c: {  	[sflag:s4] =	ssyncset.done $0x0  }
0x5d: {  	s1 =	rddreg [dreg:$0x11];
	[sflag:s4] =	ssyncadd.s32 $0xFFFF8300  }
0x5e: {  	[hbm4b:s1+s2] =	stream.linear.scatter [tilespmem:s6], [sflag:$0x1], $0x7D00, $0x38;
	[tilespmem:$0xFA00] =	vst v63  }
0x5f: {  	_ =	swait.ge [sflag:s4], $0x7D00  }
0x60: {  	[sflag:s4] =	ssyncset.done $0x0  }
0x61: {  	s1 =	rddreg [dreg:$0x12];
	[sflag:s4] =	ssyncadd.s32 $0xFFFF8300  }
0x62: {  	[hbm4b:s1+s2] =	stream.linear.scatter [tilespmem:s2], [sflag:$0x1], $0x7D00, $0x38;
	[tilespmem:$0xFA00] =	vst v63  }
0x63: {  	_ =	swait.ge [sflag:s4], $0x7D00  }
0x64: {  	[sflag:s4] =	ssyncset.done $0x0  }
0x65: {  	s1 =	rddreg [dreg:$0x13];
	[sflag:s4] =	ssyncadd.s32 $0xFFFF8300  }
0x66: {  	[hbm4b:s1+s2] =	stream.linear.scatter [tilespmem:s6], [sflag:$0x1], $0x7D00, $0x38;
	[tilespmem:$0xFA00] =	vst v63  }
0x67: {  	_ =	swait.ge [sflag:s4], $0x7D00  }
0x68: {  	[sflag:s4] =	ssyncset.done $0x0  }
0x69: {  	s1 =	rddreg [dreg:$0x14];
	[sflag:s4] =	ssyncadd.s32 $0xFFFF8300  }
0x6a: {  	[hbm4b:s1+s2] =	stream.linear.scatter [tilespmem:s2], [sflag:$0x1], $0x7D00, $0x38;
	[tilespmem:$0xFA00] =	vst v63  }
0x6b: {  	_ =	swait.ge [sflag:s4], $0x7D00  }
0x6c: {  	[sflag:s4] =	ssyncset.done $0x0  }
0x6d: {  	s1 =	rddreg [dreg:$0x15];
	[sflag:s4] =	ssyncadd.s32 $0xFFFF8300  }
0x6e: {  	[hbm4b:s1+s2] =	stream.linear.scatter [tilespmem:s6], [sflag:$0x1], $0x7D00, $0x38;
	[tilespmem:$0xFA00] =	vst v63  }
0x6f: {  	_ =	swait.ge [sflag:s4], $0x7D00  }
0x70: {  	[sflag:s4] =	ssyncset.done $0x0  }
0x71: {  	s1 =	rddreg [dreg:$0x16];
	[sflag:s4] =	ssyncadd.s32 $0xFFFF8300  }
0x72: {  	[hbm4b:s1+s2] =	stream.linear.scatter [tilespmem:s2], [sflag:$0x1], $0x7D00, $0x38;
	[tilespmem:$0xFA00] =	vst v63  }
0x73: {  	_ =	swait.ge [sflag:s4], $0x7D00  }
0x74: {  	[sflag:s4] =	ssyncset.done $0x0  }
0x75: {  	s1 =	rddreg [dreg:$0x17];
	[sflag:s4] =	ssyncadd.s32 $0xFFFF8300  }
0x76: {  	[hbm4b:s1+s2] =	stream.linear.scatter [tilespmem:s6], [sflag:$0x1], $0x7D00, $0x38;
	[tilespmem:$0xFA00] =	vst v63  }
0x77: {  	_ =	swait.ge [sflag:s4], $0x7D00  }
0x78: {  	[sflag:s4] =	ssyncset.done $0x0  }
0x79: {  	s1 =	rddreg [dreg:$0x18];
	[sflag:s4] =	ssyncadd.s32 $0xFFFF8300  }
0x7a: {  	[hbm4b:s1+s2] =	stream.linear.scatter [tilespmem:s2], [sflag:$0x1], $0x7D00, $0x38;
	[tilespmem:$0xFA00] =	vst v63  }
0x7b: {  	_ =	swait.ge [sflag:s4], $0x7D00  }
0x7c: {  	[sflag:s4] =	ssyncset.done $0x0  }
0x7d: {  	s1 =	rddreg [dreg:$0x19];
	[sflag:s4] =	ssyncadd.s32 $0xFFFF8300  }
0x7e: {  	[hbm4b:s1+s2] =	stream.linear.scatter [tilespmem:s6], [sflag:$0x1], $0x7D00, $0x38;
	[tilespmem:$0xFA00] =	vst v63  }
0x7f: {  	_ =	swait.ge [sflag:s4], $0x7D00  }
0x80: {  	[sflag:s4] =	ssyncset.done $0x0  }
0x81: {  	[sflag:s4] =	ssyncadd.s32 $0xFFFF8300  }
0x82: {  	[hbm4b:s31+s2] =	stream.linear.scatter [tilespmem:s2], [sflag:$0x1], $0x7D00, $0x38;
	[tilespmem:$0xFA00] =	vst v63  }
0x83: {  	_ =	swait.ge [sflag:s4], $0x7D00  }
0x84: {  	[sflag:s4] =	ssyncset.done $0x0  }
0x85: {  	[sflag:s4] =	ssyncadd.s32 $0xFFFF8300  }
0x86: {  	[hbm4b:s30+s2] =	stream.linear.scatter [tilespmem:s6], [sflag:$0x1], $0x7D00, $0x38;
	[tilespmem:$0xFA00] =	vst v63  }
0x87: {  	_ =	swait.ge [sflag:s4], $0x7D00  }
0x88: {  	[sflag:s4] =	ssyncset.done $0x0  }
0x89: {  	[sflag:s4] =	ssyncadd.s32 $0xFFFF8300  }
0x8a: {  	[hbm4b:s29+s2] =	stream.linear.scatter [tilespmem:s2], [sflag:$0x1], $0x7D00, $0x38;
	[tilespmem:$0xFA00] =	vst v63  }
0x8b: {  	_ =	swait.ge [sflag:s4], $0x7D00  }
0x8c: {  	[sflag:s4] =	ssyncset.done $0x0  }
0x8d: {  	[sflag:s4] =	ssyncadd.s32 $0xFFFF8300  }
0x8e: {  	[hbm4b:s28+s2] =	stream.linear.scatter [tilespmem:s6], [sflag:$0x1], $0x7D00, $0x38;
	[tilespmem:$0xFA00] =	vst v63  }
0x8f: {  	_ =	swait.ge [sflag:s4], $0x7D00  }
0x90: {  	[sflag:s4] =	ssyncset.done $0x0  }
0x91: {  	[sflag:s4] =	ssyncadd.s32 $0xFFFF8300  }
0x92: {  	[hbm4b:s26+s2] =	stream.linear.scatter [tilespmem:s2], [sflag:$0x1], $0x7D00, $0x38;
	[tilespmem:$0xFA00] =	vst v63  }
0x93: {  	_ =	swait.ge [sflag:s4], $0x7D00  }
0x94: {  	[sflag:s4] =	ssyncset.done $0x0  }
0x95: {  	[sflag:s4] =	ssyncadd.s32 $0xFFFF8300  }
0x96: {  	[hbm4b:s25+s2] =	stream.linear.scatter [tilespmem:s6], [sflag:$0x1], $0x7D00, $0x38;
	[tilespmem:$0xFA00] =	vst v63  }
0x97: {  	_ =	swait.ge [sflag:s4], $0x7D00  }
0x98: {  	[sflag:s4] =	ssyncset.done $0x0  }
0x99: {  	[sflag:s4] =	ssyncadd.s32 $0xFFFF8300  }
0x9a: {  	[hbm4b:s24+s2] =	stream.linear.scatter [tilespmem:s2], [sflag:$0x1], $0x7D00, $0x38;
	[tilespmem:$0xFA00] =	vst v63  }
0x9b: {  	_ =	swait.ge [sflag:s4], $0x7D00  }
0x9c: {  	[sflag:s4] =	ssyncset.done $0x0  }
0x9d: {  	[sflag:s4] =	ssyncadd.s32 $0xFFFF8300  }
0x9e: {  	[hbm4b:s22+s2] =	stream.linear.scatter [tilespmem:s6], [sflag:$0x1], $0x7D00, $0x38;
	[tilespmem:$0xFA00] =	vst v63  }
0x9f: {  	_ =	swait.ge [sflag:s4], $0x7D00  }
0xa0: {  	[sflag:s4] =	ssyncset.done $0x0  }
0xa1: {  	[sflag:s4] =	ssyncadd.s32 $0xFFFF8300  }
0xa2: {  	[hbm4b:s23+s2] =	stream.linear.scatter [tilespmem:s2], [sflag:$0x1], $0x7D00, $0x38;
	[tilespmem:$0xFA00] =	vst v63  }
0xa3: {  	_ =	swait.ge [sflag:s4], $0x7D00  }
0xa4: {  	[sflag:s4] =	ssyncset.done $0x0  }
0xa5: {  	[sflag:s4] =	ssyncadd.s32 $0xFFFF8300  }
0xa6: {  	[hbm4b:s21+s2] =	stream.linear.scatter [tilespmem:s6], [sflag:$0x1], $0x7D00, $0x38;
	[tilespmem:$0xFA00] =	vst v63  }
0xa7: {  	_ =	swait.ge [sflag:s4], $0x7D00  }
0xa8: {  	[sflag:s4] =	ssyncset.done $0x0  }
0xa9: {  	[sflag:s4] =	ssyncadd.s32 $0xFFFF8300  }
0xaa: {  	[hbm4b:s20+s2] =	stream.linear.scatter [tilespmem:s2], [sflag:$0x1], $0x7D00, $0x38;
	[tilespmem:$0xFA00] =	vst v63  }
0xab: {  	_ =	swait.ge [sflag:s4], $0x7D00  }
0xac: {  	[sflag:s4] =	ssyncset.done $0x0  }
0xad: {  	[sflag:s4] =	ssyncadd.s32 $0xFFFF8300  }
0xae: {  	[hbm4b:s19+s2] =	stream.linear.scatter [tilespmem:s6], [sflag:$0x1], $0x7D00, $0x38;
	[tilespmem:$0xFA00] =	vst v63  }
0xaf: {  	_ =	swait.ge [sflag:s4], $0x7D00  }
0xb0: {  	[sflag:s4] =	ssyncset.done $0x0  }
0xb1: {  	[sflag:s4] =	ssyncadd.s32 $0xFFFF8300  }
0xb2: {  	[hbm4b:s18+s2] =	stream.linear.scatter [tilespmem:s2], [sflag:$0x1], $0x7D00, $0x38;
	[tilespmem:$0xFA00] =	vst v63  }
0xb3: {  	_ =	swait.ge [sflag:s4], $0x7D00  }
0xb4: {  	[sflag:s4] =	ssyncset.done $0x0  }
0xb5: {  	[sflag:s4] =	ssyncadd.s32 $0xFFFF8300  }
0xb6: {  	[hbm4b:s17+s2] =	stream.linear.scatter [tilespmem:s6], [sflag:$0x1], $0x7D00, $0x38;
	[tilespmem:$0xFA00] =	vst v63  }
0xb7: {  	_ =	swait.ge [sflag:s4], $0x7D00  }
0xb8: {  	[sflag:s4] =	ssyncset.done $0x0  }
0xb9: {  	[sflag:s4] =	ssyncadd.s32 $0xFFFF8300  }
0xba: {  	[hbm4b:s16+s2] =	stream.linear.scatter [tilespmem:s2], [sflag:$0x1], $0x7D00, $0x38;
	[tilespmem:$0xFA00] =	vst v63  }
0xbb: {  	_ =	swait.ge [sflag:s4], $0x7D00  }
0xbc: {  	[sflag:s4] =	ssyncset.done $0x0  }
0xbd: {  	[sflag:s4] =	ssyncadd.s32 $0xFFFF8300  }
0xbe: {  	[hbm4b:s14+s2] =	stream.linear.scatter [tilespmem:s6], [sflag:$0x1], $0x7D00, $0x38;
	[tilespmem:$0xFA00] =	vst v63  }
0xbf: {  	_ =	swait.ge [sflag:s4], $0x7D00  }
0xc0: {  	[sflag:s4] =	ssyncset.done $0x0  }
0xc1: {  	[sflag:s4] =	ssyncadd.s32 $0xFFFF8300  }
0xc2: {  	[hbm4b:s15+s2] =	stream.linear.scatter [tilespmem:s2], [sflag:$0x1], $0x7D00, $0x38;
	[tilespmem:$0xFA00] =	vst v63  }
0xc3: {  	_ =	swait.ge [sflag:s4], $0x7D00  }
0xc4: {  	[sflag:s4] =	ssyncset.done $0x0  }
0xc5: {  	[sflag:s4] =	ssyncadd.s32 $0xFFFF8300  }
0xc6: {  	[hbm4b:s13+s2] =	stream.linear.scatter [tilespmem:s6], [sflag:$0x1], $0x7D00, $0x38;
	[tilespmem:$0xFA00] =	vst v63  }
0xc7: {  	_ =	swait.ge [sflag:s4], $0x7D00  }
0xc8: {  	[sflag:s4] =	ssyncset.done $0x0  }
0xc9: {  	[sflag:s4] =	ssyncadd.s32 $0xFFFF8300  }
0xca: {  	[hbm4b:s12+s2] =	stream.linear.scatter [tilespmem:s2], [sflag:$0x1], $0x7D00, $0x38;
	[tilespmem:$0xFA00] =	vst v63  }
0xcb: {  	_ =	swait.ge [sflag:s4], $0x7D00  }
0xcc: {  	[sflag:s4] =	ssyncset.done $0x0  }
0xcd: {  	[sflag:s4] =	ssyncadd.s32 $0xFFFF8300  }
0xce: {  	[hbm4b:s11+s2] =	stream.linear.scatter [tilespmem:s6], [sflag:$0x1], $0x7D00, $0x38;
	[tilespmem:$0xFA00] =	vst v63  }
0xcf: {  	_ =	swait.ge [sflag:s4], $0x7D00  }
0xd0: {  	[sflag:s4] =	ssyncset.done $0x0  }
0xd1: {  	[sflag:s4] =	ssyncadd.s32 $0xFFFF8300  }
0xd2: {  	[hbm4b:s10+s2] =	stream.linear.scatter [tilespmem:s2], [sflag:$0x1], $0x7D00, $0x38;
	[tilespmem:$0xFA00] =	vst v63  }
0xd3: {  	_ =	swait.ge [sflag:s4], $0x7D00  }
0xd4: {  	[sflag:s4] =	ssyncset.done $0x0  }
0xd5: {  	[sflag:s4] =	ssyncadd.s32 $0xFFFF8300  }
0xd6: {  	[hbm4b:s9+s2] =	stream.linear.scatter [tilespmem:s6], [sflag:$0x1], $0x7D00, $0x38;
	[tilespmem:$0xFA00] =	vst v63  }
0xd7: {  	_ =	swait.ge [sflag:s4], $0x7D00  }
0xd8: {  	[sflag:s4] =	ssyncset.done $0x0  }
0xd9: {  	[sflag:s4] =	ssyncadd.s32 $0xFFFF8300  }
0xda: {  	[hbm4b:s8+s2] =	stream.linear.scatter [tilespmem:s2], [sflag:$0x1], $0x7D00, $0x38;
	[tilespmem:$0xFA00] =	vst v63  }
0xdb: {  	_ =	swait.ge [sflag:s4], $0x7D00  }
0xdc: {  	[sflag:s4] =	ssyncset.done $0x0  }
0xdd: {  	[sflag:s4] =	ssyncadd.s32 $0xFFFF8300  }
0xde: {  	[hbm4b:s7+s2] =	stream.linear.scatter [tilespmem:s6], [sflag:$0x1], $0x7D00, $0x38;
	[tilespmem:$0xFA00] =	vst v63  }
0xdf: {  	_ =	swait.ge [sflag:s4], $0x7D00  }
0xe0: {  	[sflag:s4] =	ssyncset.done $0x0  }
0xe1: {  	[sflag:s4] =	ssyncadd.s32 $0xFFFF8300  }
0xe2: {  	[hbm4b:s5+s2] =	stream.linear.scatter [tilespmem:s2], [sflag:$0x1], $0x7D00, $0x38;
	[tilespmem:$0xFA00] =	vst v63  }
0xe3: {  	_ =	swait.ge [sflag:s4], $0x7D00  }
0xe4: {  	[sflag:s4] =	ssyncset.done $0x0  }
0xe5: {  	[sflag:s4] =	ssyncadd.s32 $0xFFFF8300  }
0xe6: {  	[hbm4b:s3+s2] =	stream.linear.scatter [tilespmem:s6], [sflag:$0x1], $0x7D00, $0x38;
	[tilespmem:$0xFA00] =	vst v63  }
0xe7: {  	_ =	swait.ge [sflag:s4], $0x7D00  }
0xe8: {  	s1 =	rddreg [dreg:$0x1a]  }
0xe9: {  	p1 =	sne.s32 s1, $0x1  }
.Ltmp1:
0xea: {  	_ = 	snop;
	(pc) =	sbr.rel @!p1 .LBB2_3-.Ltmp1, $4  }
0xeb: {  	[sflag:s4] =	ssyncset.done $0x0  }
0xec: {  	[sflag:s4] =	ssyncadd.s32 $0xFFFF8300  }
0xed: {  	p0 =	por $0x1, $0x1;
	_ =	swait.ge [sflag:s4], $0x7D00  }
0xee: {  	s1 =	sadd.s32 $0xFFFFFFFF, s1;
	s0 =	rddreg [dreg:$0x2];
	[sflag:s4] =	ssyncset.done $0x0  }
.LBB2_2:
0xef: {  	[sflag:s4] =	ssyncadd.s32 $0xFFFF8300;
	s6 =	smov.u32 s31  }
0xf0: {  	s31 =	smov.u32 s30;
	s30 =	smov.u32 s29;
	s29 =	smov.u32 s28  }
0xf1: {  	s28 =	smov.u32 s26;
	s26 =	smov.u32 s25;
	s25 =	smov.u32 s24  }
0xf2: {  	s24 =	smov.u32 s23;
	s23 =	smov.u32 s22;
	s22 =	smov.u32 s21  }
0xf3: {  	s21 =	smov.u32 s20;
	s20 =	smov.u32 s19;
	s19 =	smov.u32 s18  }
0xf4: {  	s18 =	smov.u32 s17;
	s17 =	smov.u32 s16;
	s16 =	smov.u32 s15  }
0xf5: {  	s15 =	smov.u32 s14;
	s14 =	smov.u32 s13;
	s13 =	smov.u32 s12  }
0xf6: {  	s12 =	smov.u32 s11;
	s11 =	smov.u32 s10;
	s10 =	smov.u32 s9  }
0xf7: {  	s9 =	smov.u32 s8;
	s8 =	smov.u32 s7;
	s7 =	smov.u32 s5  }
0xf8: {  	[hbm4b:s0+s2] =	stream.linear.scatter [tilespmem:s2], [sflag:$0x1], $0x7D00, $0x38;
	[tilespmem:$0xFA00] =	vst v63  }
0xf9: {  	s5 =	smov.u32 s3;
	s3 =	rddreg [dreg:$0x3];
	s0 =	simm.s32 $0x7D00  }
0xfa: {  	[hbm4b:s3+s2] =	stream.linear.scatter [tilespmem:s0], [sflag:$0x1], $0x7D00, $0x38;
	[tilespmem:$0xFA00] =	vst v63  }
0xfb: {  	s3 =	smov.u32 s5;
	s5 =	smov.u32 s7  }
0xfc: {  	s7 =	smov.u32 s8;
	s8 =	smov.u32 s9;
	s9 =	smov.u32 s10  }
0xfd: {  	s10 =	smov.u32 s11;
	s11 =	smov.u32 s12;
	s12 =	smov.u32 s13  }
0xfe: {  	s13 =	smov.u32 s14;
	s14 =	smov.u32 s15;
	s15 =	smov.u32 s16  }
0xff: {  	s16 =	smov.u32 s17;
	s17 =	smov.u32 s18;
	s18 =	smov.u32 s19  }
0x100: {  	s19 =	smov.u32 s20;
	s20 =	smov.u32 s21;
	s21 =	smov.u32 s22  }
0x101: {  	s22 =	smov.u32 s23;
	s23 =	smov.u32 s24;
	_ =	swait.ge [sflag:s4], $0x7D00  }
0x102: {  	s24 =	smov.u32 s25;
	s25 =	smov.u32 s26;
	[sflag:s4] =	ssyncset.done $0x0  }
0x103: {  	s26 =	smov.u32 s28;
	s0 =	rddreg [dreg:$0x4];
	[sflag:s4] =	ssyncadd.s32 $0xFFFF8300  }
0x104: {  	[hbm4b:s0+s2] =	stream.linear.scatter [tilespmem:s2], [sflag:$0x1], $0x7D00, $0x38;
	[tilespmem:$0xFA00] =	vst v63  }
0x105: {  	s28 =	smov.u32 s29;
	s29 =	smov.u32 s30;
	_ =	swait.ge [sflag:s4], $0x7D00  }
0x106: {  	s30 =	smov.u32 s31;
	s31 =	smov.u32 s6;
	[sflag:s4] =	ssyncset.done $0x0  }
0x107: {  	s6 =	simm.s32 $0x7D00;
	s0 =	rddreg [dreg:$0x5];
	[sflag:s4] =	ssyncadd.s32 $0xFFFF8300  }
0x108: {  	[hbm4b:s0+s2] =	stream.linear.scatter [tilespmem:s6], [sflag:$0x1], $0x7D00, $0x38;
	[tilespmem:$0xFA00] =	vst v63  }
0x109: {  	_ =	swait.ge [sflag:s4], $0x7D00  }
0x10a: {  	[sflag:s4] =	ssyncset.done $0x0  }
0x10b: {  	s0 =	rddreg [dreg:$0x6];
	[sflag:s4] =	ssyncadd.s32 $0xFFFF8300  }
0x10c: {  	[hbm4b:s0+s2] =	stream.linear.scatter [tilespmem:s2], [sflag:$0x1], $0x7D00, $0x38;
	[tilespmem:$0xFA00] =	vst v63  }
0x10d: {  	_ =	swait.ge [sflag:s4], $0x7D00  }
0x10e: {  	[sflag:s4] =	ssyncset.done $0x0  }
0x10f: {  	s0 =	rddreg [dreg:$0x7];
	[sflag:s4] =	ssyncadd.s32 $0xFFFF8300  }
0x110: {  	[hbm4b:s0+s2] =	stream.linear.scatter [tilespmem:s6], [sflag:$0x1], $0x7D00, $0x38;
	[tilespmem:$0xFA00] =	vst v63  }
0x111: {  	_ =	swait.ge [sflag:s4], $0x7D00  }
0x112: {  	[sflag:s4] =	ssyncset.done $0x0  }
0x113: {  	s0 =	rddreg [dreg:$0x8];
	[sflag:s4] =	ssyncadd.s32 $0xFFFF8300  }
0x114: {  	[hbm4b:s0+s2] =	stream.linear.scatter [tilespmem:s2], [sflag:$0x1], $0x7D00, $0x38;
	[tilespmem:$0xFA00] =	vst v63  }
0x115: {  	_ =	swait.ge [sflag:s4], $0x7D00  }
0x116: {  	[sflag:s4] =	ssyncset.done $0x0  }
0x117: {  	s0 =	rddreg [dreg:$0x9];
	[sflag:s4] =	ssyncadd.s32 $0xFFFF8300  }
0x118: {  	[hbm4b:s0+s2] =	stream.linear.scatter [tilespmem:s6], [sflag:$0x1], $0x7D00, $0x38;
	[tilespmem:$0xFA00] =	vst v63  }
0x119: {  	_ =	swait.ge [sflag:s4], $0x7D00  }
0x11a: {  	[sflag:s4] =	ssyncset.done $0x0  }
0x11b: {  	s0 =	rddreg [dreg:$0xa];
	[sflag:s4] =	ssyncadd.s32 $0xFFFF8300  }
0x11c: {  	[hbm4b:s0+s2] =	stream.linear.scatter [tilespmem:s2], [sflag:$0x1], $0x7D00, $0x38;
	[tilespmem:$0xFA00] =	vst v63  }
0x11d: {  	_ =	swait.ge [sflag:s4], $0x7D00  }
0x11e: {  	[sflag:s4] =	ssyncset.done $0x0  }
0x11f: {  	s0 =	rddreg [dreg:$0xb];
	[sflag:s4] =	ssyncadd.s32 $0xFFFF8300  }
0x120: {  	[hbm4b:s0+s2] =	stream.linear.scatter [tilespmem:s6], [sflag:$0x1], $0x7D00, $0x38;
	[tilespmem:$0xFA00] =	vst v63  }
0x121: {  	_ =	swait.ge [sflag:s4], $0x7D00  }
0x122: {  	[sflag:s4] =	ssyncset.done $0x0  }
0x123: {  	s0 =	rddreg [dreg:$0xc];
	[sflag:s4] =	ssyncadd.s32 $0xFFFF8300  }
0x124: {  	[hbm4b:s0+s2] =	stream.linear.scatter [tilespmem:s2], [sflag:$0x1], $0x7D00, $0x38;
	[tilespmem:$0xFA00] =	vst v63  }
0x125: {  	_ =	swait.ge [sflag:s4], $0x7D00  }
0x126: {  	[sflag:s4] =	ssyncset.done $0x0  }
0x127: {  	s0 =	rddreg [dreg:$0xd];
	[sflag:s4] =	ssyncadd.s32 $0xFFFF8300  }
0x128: {  	[hbm4b:s0+s2] =	stream.linear.scatter [tilespmem:s6], [sflag:$0x1], $0x7D00, $0x38;
	[tilespmem:$0xFA00] =	vst v63  }
0x129: {  	_ =	swait.ge [sflag:s4], $0x7D00  }
0x12a: {  	[sflag:s4] =	ssyncset.done $0x0  }
0x12b: {  	s0 =	rddreg [dreg:$0xe];
	[sflag:s4] =	ssyncadd.s32 $0xFFFF8300  }
0x12c: {  	[hbm4b:s0+s2] =	stream.linear.scatter [tilespmem:s2], [sflag:$0x1], $0x7D00, $0x38;
	[tilespmem:$0xFA00] =	vst v63  }
0x12d: {  	_ =	swait.ge [sflag:s4], $0x7D00  }
0x12e: {  	[sflag:s4] =	ssyncset.done $0x0  }
0x12f: {  	s0 =	rddreg [dreg:$0xf];
	[sflag:s4] =	ssyncadd.s32 $0xFFFF8300  }
0x130: {  	[hbm4b:s0+s2] =	stream.linear.scatter [tilespmem:s6], [sflag:$0x1], $0x7D00, $0x38;
	[tilespmem:$0xFA00] =	vst v63  }
0x131: {  	_ =	swait.ge [sflag:s4], $0x7D00  }
0x132: {  	[sflag:s4] =	ssyncset.done $0x0  }
0x133: {  	s0 =	rddreg [dreg:$0x10];
	[sflag:s4] =	ssyncadd.s32 $0xFFFF8300  }
0x134: {  	[hbm4b:s0+s2] =	stream.linear.scatter [tilespmem:s2], [sflag:$0x1], $0x7D00, $0x38;
	[tilespmem:$0xFA00] =	vst v63  }
0x135: {  	_ =	swait.ge [sflag:s4], $0x7D00  }
0x136: {  	[sflag:s4] =	ssyncset.done $0x0  }
0x137: {  	s0 =	rddreg [dreg:$0x11];
	[sflag:s4] =	ssyncadd.s32 $0xFFFF8300  }
0x138: {  	[hbm4b:s0+s2] =	stream.linear.scatter [tilespmem:s6], [sflag:$0x1], $0x7D00, $0x38;
	[tilespmem:$0xFA00] =	vst v63  }
0x139: {  	_ =	swait.ge [sflag:s4], $0x7D00  }
0x13a: {  	[sflag:s4] =	ssyncset.done $0x0  }
0x13b: {  	s0 =	rddreg [dreg:$0x12];
	[sflag:s4] =	ssyncadd.s32 $0xFFFF8300  }
0x13c: {  	[hbm4b:s0+s2] =	stream.linear.scatter [tilespmem:s2], [sflag:$0x1], $0x7D00, $0x38;
	[tilespmem:$0xFA00] =	vst v63  }
0x13d: {  	_ =	swait.ge [sflag:s4], $0x7D00  }
0x13e: {  	[sflag:s4] =	ssyncset.done $0x0  }
0x13f: {  	s0 =	rddreg [dreg:$0x13];
	[sflag:s4] =	ssyncadd.s32 $0xFFFF8300  }
0x140: {  	[hbm4b:s0+s2] =	stream.linear.scatter [tilespmem:s6], [sflag:$0x1], $0x7D00, $0x38;
	[tilespmem:$0xFA00] =	vst v63  }
0x141: {  	_ =	swait.ge [sflag:s4], $0x7D00  }
0x142: {  	[sflag:s4] =	ssyncset.done $0x0  }
0x143: {  	s0 =	rddreg [dreg:$0x14];
	[sflag:s4] =	ssyncadd.s32 $0xFFFF8300  }
0x144: {  	[hbm4b:s0+s2] =	stream.linear.scatter [tilespmem:s2], [sflag:$0x1], $0x7D00, $0x38;
	[tilespmem:$0xFA00] =	vst v63  }
0x145: {  	_ =	swait.ge [sflag:s4], $0x7D00  }
0x146: {  	[sflag:s4] =	ssyncset.done $0x0  }
0x147: {  	s0 =	rddreg [dreg:$0x15];
	[sflag:s4] =	ssyncadd.s32 $0xFFFF8300  }
0x148: {  	[hbm4b:s0+s2] =	stream.linear.scatter [tilespmem:s6], [sflag:$0x1], $0x7D00, $0x38;
	[tilespmem:$0xFA00] =	vst v63  }
0x149: {  	_ =	swait.ge [sflag:s4], $0x7D00  }
0x14a: {  	[sflag:s4] =	ssyncset.done $0x0  }
0x14b: {  	s0 =	rddreg [dreg:$0x16];
	[sflag:s4] =	ssyncadd.s32 $0xFFFF8300  }
0x14c: {  	[hbm4b:s0+s2] =	stream.linear.scatter [tilespmem:s2], [sflag:$0x1], $0x7D00, $0x38;
	[tilespmem:$0xFA00] =	vst v63  }
0x14d: {  	_ =	swait.ge [sflag:s4], $0x7D00  }
0x14e: {  	[sflag:s4] =	ssyncset.done $0x0  }
0x14f: {  	s0 =	rddreg [dreg:$0x17];
	[sflag:s4] =	ssyncadd.s32 $0xFFFF8300  }
0x150: {  	[hbm4b:s0+s2] =	stream.linear.scatter [tilespmem:s6], [sflag:$0x1], $0x7D00, $0x38;
	[tilespmem:$0xFA00] =	vst v63  }
0x151: {  	_ =	swait.ge [sflag:s4], $0x7D00  }
0x152: {  	[sflag:s4] =	ssyncset.done $0x0  }
0x153: {  	s0 =	rddreg [dreg:$0x18];
	[sflag:s4] =	ssyncadd.s32 $0xFFFF8300  }
0x154: {  	[hbm4b:s0+s2] =	stream.linear.scatter [tilespmem:s2], [sflag:$0x1], $0x7D00, $0x38;
	[tilespmem:$0xFA00] =	vst v63  }
0x155: {  	_ =	swait.ge [sflag:s4], $0x7D00  }
0x156: {  	[sflag:s4] =	ssyncset.done $0x0  }
0x157: {  	s0 =	rddreg [dreg:$0x19];
	[sflag:s4] =	ssyncadd.s32 $0xFFFF8300  }
0x158: {  	[hbm4b:s0+s2] =	stream.linear.scatter [tilespmem:s6], [sflag:$0x1], $0x7D00, $0x38;
	[tilespmem:$0xFA00] =	vst v63  }
0x159: {  	_ =	swait.ge [sflag:s4], $0x7D00  }
0x15a: {  	[sflag:s4] =	ssyncset.done $0x0  }
0x15b: {  	[sflag:s4] =	ssyncadd.s32 $0xFFFF8300  }
0x15c: {  	[hbm4b:s31+s2] =	stream.linear.scatter [tilespmem:s2], [sflag:$0x1], $0x7D00, $0x38;
	[tilespmem:$0xFA00] =	vst v63  }
0x15d: {  	_ =	swait.ge [sflag:s4], $0x7D00  }
0x15e: {  	[sflag:s4] =	ssyncset.done $0x0  }
0x15f: {  	[sflag:s4] =	ssyncadd.s32 $0xFFFF8300  }
0x160: {  	[hbm4b:s30+s2] =	stream.linear.scatter [tilespmem:s6], [sflag:$0x1], $0x7D00, $0x38;
	[tilespmem:$0xFA00] =	vst v63  }
0x161: {  	_ =	swait.ge [sflag:s4], $0x7D00  }
0x162: {  	[sflag:s4] =	ssyncset.done $0x0  }
0x163: {  	[sflag:s4] =	ssyncadd.s32 $0xFFFF8300  }
0x164: {  	[hbm4b:s29+s2] =	stream.linear.scatter [tilespmem:s2], [sflag:$0x1], $0x7D00, $0x38;
	[tilespmem:$0xFA00] =	vst v63  }
0x165: {  	_ =	swait.ge [sflag:s4], $0x7D00  }
0x166: {  	[sflag:s4] =	ssyncset.done $0x0  }
0x167: {  	[sflag:s4] =	ssyncadd.s32 $0xFFFF8300  }
0x168: {  	[hbm4b:s28+s2] =	stream.linear.scatter [tilespmem:s6], [sflag:$0x1], $0x7D00, $0x38;
	[tilespmem:$0xFA00] =	vst v63  }
0x169: {  	_ =	swait.ge [sflag:s4], $0x7D00  }
0x16a: {  	[sflag:s4] =	ssyncset.done $0x0  }
0x16b: {  	[sflag:s4] =	ssyncadd.s32 $0xFFFF8300  }
0x16c: {  	[hbm4b:s26+s2] =	stream.linear.scatter [tilespmem:s2], [sflag:$0x1], $0x7D00, $0x38;
	[tilespmem:$0xFA00] =	vst v63  }
0x16d: {  	_ =	swait.ge [sflag:s4], $0x7D00  }
0x16e: {  	[sflag:s4] =	ssyncset.done $0x0  }
0x16f: {  	[sflag:s4] =	ssyncadd.s32 $0xFFFF8300  }
0x170: {  	[hbm4b:s25+s2] =	stream.linear.scatter [tilespmem:s6], [sflag:$0x1], $0x7D00, $0x38;
	[tilespmem:$0xFA00] =	vst v63  }
0x171: {  	_ =	swait.ge [sflag:s4], $0x7D00  }
0x172: {  	[sflag:s4] =	ssyncset.done $0x0  }
0x173: {  	[sflag:s4] =	ssyncadd.s32 $0xFFFF8300  }
0x174: {  	[hbm4b:s24+s2] =	stream.linear.scatter [tilespmem:s2], [sflag:$0x1], $0x7D00, $0x38;
	[tilespmem:$0xFA00] =	vst v63  }
0x175: {  	_ =	swait.ge [sflag:s4], $0x7D00  }
0x176: {  	[sflag:s4] =	ssyncset.done $0x0  }
0x177: {  	[sflag:s4] =	ssyncadd.s32 $0xFFFF8300  }
0x178: {  	[hbm4b:s22+s2] =	stream.linear.scatter [tilespmem:s6], [sflag:$0x1], $0x7D00, $0x38;
	[tilespmem:$0xFA00] =	vst v63  }
0x179: {  	_ =	swait.ge [sflag:s4], $0x7D00  }
0x17a: {  	[sflag:s4] =	ssyncset.done $0x0  }
0x17b: {  	[sflag:s4] =	ssyncadd.s32 $0xFFFF8300  }
0x17c: {  	[hbm4b:s23+s2] =	stream.linear.scatter [tilespmem:s2], [sflag:$0x1], $0x7D00, $0x38;
	[tilespmem:$0xFA00] =	vst v63  }
0x17d: {  	_ =	swait.ge [sflag:s4], $0x7D00  }
0x17e: {  	[sflag:s4] =	ssyncset.done $0x0  }
0x17f: {  	[sflag:s4] =	ssyncadd.s32 $0xFFFF8300  }
0x180: {  	[hbm4b:s21+s2] =	stream.linear.scatter [tilespmem:s6], [sflag:$0x1], $0x7D00, $0x38;
	[tilespmem:$0xFA00] =	vst v63  }
0x181: {  	_ =	swait.ge [sflag:s4], $0x7D00  }
0x182: {  	[sflag:s4] =	ssyncset.done $0x0  }
0x183: {  	[sflag:s4] =	ssyncadd.s32 $0xFFFF8300  }
0x184: {  	[hbm4b:s20+s2] =	stream.linear.scatter [tilespmem:s2], [sflag:$0x1], $0x7D00, $0x38;
	[tilespmem:$0xFA00] =	vst v63  }
0x185: {  	_ =	swait.ge [sflag:s4], $0x7D00  }
0x186: {  	[sflag:s4] =	ssyncset.done $0x0  }
0x187: {  	[sflag:s4] =	ssyncadd.s32 $0xFFFF8300  }
0x188: {  	[hbm4b:s19+s2] =	stream.linear.scatter [tilespmem:s6], [sflag:$0x1], $0x7D00, $0x38;
	[tilespmem:$0xFA00] =	vst v63  }
0x189: {  	_ =	swait.ge [sflag:s4], $0x7D00  }
0x18a: {  	[sflag:s4] =	ssyncset.done $0x0  }
0x18b: {  	[sflag:s4] =	ssyncadd.s32 $0xFFFF8300  }
0x18c: {  	[hbm4b:s18+s2] =	stream.linear.scatter [tilespmem:s2], [sflag:$0x1], $0x7D00, $0x38;
	[tilespmem:$0xFA00] =	vst v63  }
0x18d: {  	_ =	swait.ge [sflag:s4], $0x7D00  }
0x18e: {  	[sflag:s4] =	ssyncset.done $0x0  }
0x18f: {  	[sflag:s4] =	ssyncadd.s32 $0xFFFF8300  }
0x190: {  	[hbm4b:s17+s2] =	stream.linear.scatter [tilespmem:s6], [sflag:$0x1], $0x7D00, $0x38;
	[tilespmem:$0xFA00] =	vst v63  }
0x191: {  	_ =	swait.ge [sflag:s4], $0x7D00  }
0x192: {  	[sflag:s4] =	ssyncset.done $0x0  }
0x193: {  	[sflag:s4] =	ssyncadd.s32 $0xFFFF8300  }
0x194: {  	[hbm4b:s16+s2] =	stream.linear.scatter [tilespmem:s2], [sflag:$0x1], $0x7D00, $0x38;
	[tilespmem:$0xFA00] =	vst v63  }
0x195: {  	_ =	swait.ge [sflag:s4], $0x7D00  }
0x196: {  	[sflag:s4] =	ssyncset.done $0x0  }
0x197: {  	[sflag:s4] =	ssyncadd.s32 $0xFFFF8300  }
0x198: {  	[hbm4b:s14+s2] =	stream.linear.scatter [tilespmem:s6], [sflag:$0x1], $0x7D00, $0x38;
	[tilespmem:$0xFA00] =	vst v63  }
0x199: {  	_ =	swait.ge [sflag:s4], $0x7D00  }
0x19a: {  	[sflag:s4] =	ssyncset.done $0x0  }
0x19b: {  	[sflag:s4] =	ssyncadd.s32 $0xFFFF8300  }
0x19c: {  	[hbm4b:s15+s2] =	stream.linear.scatter [tilespmem:s2], [sflag:$0x1], $0x7D00, $0x38;
	[tilespmem:$0xFA00] =	vst v63  }
0x19d: {  	_ =	swait.ge [sflag:s4], $0x7D00  }
0x19e: {  	[sflag:s4] =	ssyncset.done $0x0  }
0x19f: {  	[sflag:s4] =	ssyncadd.s32 $0xFFFF8300  }
0x1a0: {  	[hbm4b:s13+s2] =	stream.linear.scatter [tilespmem:s6], [sflag:$0x1], $0x7D00, $0x38;
	[tilespmem:$0xFA00] =	vst v63  }
0x1a1: {  	_ =	swait.ge [sflag:s4], $0x7D00  }
0x1a2: {  	[sflag:s4] =	ssyncset.done $0x0  }
0x1a3: {  	[sflag:s4] =	ssyncadd.s32 $0xFFFF8300  }
0x1a4: {  	[hbm4b:s12+s2] =	stream.linear.scatter [tilespmem:s2], [sflag:$0x1], $0x7D00, $0x38;
	[tilespmem:$0xFA00] =	vst v63  }
0x1a5: {  	_ =	swait.ge [sflag:s4], $0x7D00  }
0x1a6: {  	[sflag:s4] =	ssyncset.done $0x0  }
0x1a7: {  	[sflag:s4] =	ssyncadd.s32 $0xFFFF8300  }
0x1a8: {  	[hbm4b:s11+s2] =	stream.linear.scatter [tilespmem:s6], [sflag:$0x1], $0x7D00, $0x38;
	[tilespmem:$0xFA00] =	vst v63  }
0x1a9: {  	_ =	swait.ge [sflag:s4], $0x7D00  }
0x1aa: {  	[sflag:s4] =	ssyncset.done $0x0  }
0x1ab: {  	[sflag:s4] =	ssyncadd.s32 $0xFFFF8300  }
0x1ac: {  	[hbm4b:s10+s2] =	stream.linear.scatter [tilespmem:s2], [sflag:$0x1], $0x7D00, $0x38;
	[tilespmem:$0xFA00] =	vst v63  }
0x1ad: {  	_ =	swait.ge [sflag:s4], $0x7D00  }
0x1ae: {  	[sflag:s4] =	ssyncset.done $0x0  }
0x1af: {  	[sflag:s4] =	ssyncadd.s32 $0xFFFF8300  }
0x1b0: {  	[hbm4b:s9+s2] =	stream.linear.scatter [tilespmem:s6], [sflag:$0x1], $0x7D00, $0x38;
	[tilespmem:$0xFA00] =	vst v63  }
0x1b1: {  	_ =	swait.ge [sflag:s4], $0x7D00  }
0x1b2: {  	[sflag:s4] =	ssyncset.done $0x0  }
0x1b3: {  	[sflag:s4] =	ssyncadd.s32 $0xFFFF8300  }
0x1b4: {  	[hbm4b:s8+s2] =	stream.linear.scatter [tilespmem:s2], [sflag:$0x1], $0x7D00, $0x38;
	[tilespmem:$0xFA00] =	vst v63  }
0x1b5: {  	_ =	swait.ge [sflag:s4], $0x7D00  }
0x1b6: {  	[sflag:s4] =	ssyncset.done $0x0  }
0x1b7: {  	[sflag:s4] =	ssyncadd.s32 $0xFFFF8300  }
0x1b8: {  	[hbm4b:s7+s2] =	stream.linear.scatter [tilespmem:s6], [sflag:$0x1], $0x7D00, $0x38;
	[tilespmem:$0xFA00] =	vst v63  }
0x1b9: {  	_ =	swait.ge [sflag:s4], $0x7D00  }
0x1ba: {  	[sflag:s4] =	ssyncset.done $0x0  }
0x1bb: {  	[sflag:s4] =	ssyncadd.s32 $0xFFFF8300  }
0x1bc: {  	[hbm4b:s5+s2] =	stream.linear.scatter [tilespmem:s2], [sflag:$0x1], $0x7D00, $0x38;
	[tilespmem:$0xFA00] =	vst v63  }
0x1bd: {  	_ =	swait.ge [sflag:s4], $0x7D00  }
0x1be: {  	[sflag:s4] =	ssyncset.done $0x0  }
0x1bf: {  	p1 =	sne.s32 s1, $0x1;
	[sflag:s4] =	ssyncadd.s32 $0xFFFF8300  }
0x1c0: {  	[hbm4b:s3+s2] =	stream.linear.scatter [tilespmem:s6], [sflag:$0x1], $0x7D00, $0x38;
	[tilespmem:$0xFA00] =	vst v63  }
.Ltmp2:
0x1c1: {  	_ =	swait.ge [sflag:s4], $0x7D00;
	(pc) =	sbr.rel @p1 .LBB2_2-.Ltmp2, $4  }
0x1c2: {  	[sflag:s4] =	ssyncset.done $0x0  }
0x1c3: {  	[sflag:s4] =	ssyncadd.s32 $0xFFFF8300  }
0x1c4: {  	_ =	swait.ge [sflag:s4], $0x7D00  }
0x1c5: {  	s1 =	sadd.s32 $0xFFFFFFFF, s1;
	s0 =	rddreg [dreg:$0x2];
	[sflag:s4] =	ssyncset.done $0x0  }
.LBB2_3:
0x1c6: {  	[sflag:s4] =	ssyncadd.s32 @p0 $0xFFFF8300  }
0x1c7: {  	[hbm4b:s0+s2] =	stream.linear.scatter [tilespmem:s2], [sflag:$0x1], $0x7D00, $0x38;
	[tilespmem:$0xFA00] =	vst v63  }
0x1c8: {  	s1 =	rddreg [dreg:$0x3]  }
0x1c9: {  	[hbm4b:s1+s2] =	stream.linear.scatter [tilespmem:s6], [sflag:$0x1], $0x7D00, $0x38;
	[tilespmem:$0xFA00] =	vst v63  }
0x1ca: {  	_ =	swait.ge [sflag:s4], $0x7D00  }
0x1cb: {  	[sflag:s4] =	ssyncset.done $0x0  }
0x1cc: {  	s1 =	rddreg [dreg:$0x4];
	[sflag:s4] =	ssyncadd.s32 $0xFFFF8300  }
0x1cd: {  	[hbm4b:s1+s2] =	stream.linear.scatter [tilespmem:s2], [sflag:$0x1], $0x7D00, $0x38;
	[tilespmem:$0xFA00] =	vst v63  }
0x1ce: {  	_ =	swait.ge [sflag:s4], $0x7D00  }
0x1cf: {  	[sflag:s4] =	ssyncset.done $0x0  }
0x1d0: {  	s1 =	rddreg [dreg:$0x5];
	[sflag:s4] =	ssyncadd.s32 $0xFFFF8300  }
0x1d1: {  	[hbm4b:s1+s2] =	stream.linear.scatter [tilespmem:s6], [sflag:$0x1], $0x7D00, $0x38;
	[tilespmem:$0xFA00] =	vst v63  }
0x1d2: {  	_ =	swait.ge [sflag:s4], $0x7D00  }
0x1d3: {  	[sflag:s4] =	ssyncset.done $0x0  }
0x1d4: {  	s1 =	rddreg [dreg:$0x6];
	[sflag:s4] =	ssyncadd.s32 $0xFFFF8300  }
0x1d5: {  	[hbm4b:s1+s2] =	stream.linear.scatter [tilespmem:s2], [sflag:$0x1], $0x7D00, $0x38;
	[tilespmem:$0xFA00] =	vst v63  }
0x1d6: {  	_ =	swait.ge [sflag:s4], $0x7D00  }
0x1d7: {  	[sflag:s4] =	ssyncset.done $0x0  }
0x1d8: {  	s1 =	rddreg [dreg:$0x7];
	[sflag:s4] =	ssyncadd.s32 $0xFFFF8300  }
0x1d9: {  	[hbm4b:s1+s2] =	stream.linear.scatter [tilespmem:s6], [sflag:$0x1], $0x7D00, $0x38;
	[tilespmem:$0xFA00] =	vst v63  }
0x1da: {  	_ =	swait.ge [sflag:s4], $0x7D00  }
0x1db: {  	[sflag:s4] =	ssyncset.done $0x0  }
0x1dc: {  	s1 =	rddreg [dreg:$0x8];
	[sflag:s4] =	ssyncadd.s32 $0xFFFF8300  }
0x1dd: {  	[hbm4b:s1+s2] =	stream.linear.scatter [tilespmem:s2], [sflag:$0x1], $0x7D00, $0x38;
	[tilespmem:$0xFA00] =	vst v63  }
0x1de: {  	_ =	swait.ge [sflag:s4], $0x7D00  }
0x1df: {  	[sflag:s4] =	ssyncset.done $0x0  }
0x1e0: {  	s1 =	rddreg [dreg:$0x9];
	[sflag:s4] =	ssyncadd.s32 $0xFFFF8300  }
0x1e1: {  	[hbm4b:s1+s2] =	stream.linear.scatter [tilespmem:s6], [sflag:$0x1], $0x7D00, $0x38;
	[tilespmem:$0xFA00] =	vst v63  }
0x1e2: {  	_ =	swait.ge [sflag:s4], $0x7D00  }
0x1e3: {  	[sflag:s4] =	ssyncset.done $0x0  }
0x1e4: {  	s1 =	rddreg [dreg:$0xa];
	[sflag:s4] =	ssyncadd.s32 $0xFFFF8300  }
0x1e5: {  	[hbm4b:s1+s2] =	stream.linear.scatter [tilespmem:s2], [sflag:$0x1], $0x7D00, $0x38;
	[tilespmem:$0xFA00] =	vst v63  }
0x1e6: {  	_ =	swait.ge [sflag:s4], $0x7D00  }
0x1e7: {  	[sflag:s4] =	ssyncset.done $0x0  }
0x1e8: {  	s1 =	rddreg [dreg:$0xb];
	[sflag:s4] =	ssyncadd.s32 $0xFFFF8300  }
0x1e9: {  	[hbm4b:s1+s2] =	stream.linear.scatter [tilespmem:s6], [sflag:$0x1], $0x7D00, $0x38;
	[tilespmem:$0xFA00] =	vst v63  }
0x1ea: {  	_ =	swait.ge [sflag:s4], $0x7D00  }
0x1eb: {  	[sflag:s4] =	ssyncset.done $0x0  }
0x1ec: {  	s1 =	rddreg [dreg:$0xc];
	[sflag:s4] =	ssyncadd.s32 $0xFFFF8300  }
0x1ed: {  	[hbm4b:s1+s2] =	stream.linear.scatter [tilespmem:s2], [sflag:$0x1], $0x7D00, $0x38;
	[tilespmem:$0xFA00] =	vst v63  }
0x1ee: {  	_ =	swait.ge [sflag:s4], $0x7D00  }
0x1ef: {  	[sflag:s4] =	ssyncset.done $0x0  }
0x1f0: {  	s1 =	rddreg [dreg:$0xd];
	[sflag:s4] =	ssyncadd.s32 $0xFFFF8300  }
0x1f1: {  	[hbm4b:s1+s2] =	stream.linear.scatter [tilespmem:s6], [sflag:$0x1], $0x7D00, $0x38;
	[tilespmem:$0xFA00] =	vst v63  }
0x1f2: {  	_ =	swait.ge [sflag:s4], $0x7D00  }
0x1f3: {  	[sflag:s4] =	ssyncset.done $0x0  }
0x1f4: {  	s1 =	rddreg [dreg:$0xe];
	[sflag:s4] =	ssyncadd.s32 $0xFFFF8300  }
0x1f5: {  	[hbm4b:s1+s2] =	stream.linear.scatter [tilespmem:s2], [sflag:$0x1], $0x7D00, $0x38;
	[tilespmem:$0xFA00] =	vst v63  }
0x1f6: {  	_ =	swait.ge [sflag:s4], $0x7D00  }
0x1f7: {  	[sflag:s4] =	ssyncset.done $0x0  }
0x1f8: {  	s1 =	rddreg [dreg:$0xf];
	[sflag:s4] =	ssyncadd.s32 $0xFFFF8300  }
0x1f9: {  	[hbm4b:s1+s2] =	stream.linear.scatter [tilespmem:s6], [sflag:$0x1], $0x7D00, $0x38;
	[tilespmem:$0xFA00] =	vst v63  }
0x1fa: {  	_ =	swait.ge [sflag:s4], $0x7D00  }
0x1fb: {  	[sflag:s4] =	ssyncset.done $0x0  }
0x1fc: {  	s1 =	rddreg [dreg:$0x10];
	[sflag:s4] =	ssyncadd.s32 $0xFFFF8300  }
0x1fd: {  	[hbm4b:s1+s2] =	stream.linear.scatter [tilespmem:s2], [sflag:$0x1], $0x7D00, $0x38;
	[tilespmem:$0xFA00] =	vst v63  }
0x1fe: {  	_ =	swait.ge [sflag:s4], $0x7D00  }
0x1ff: {  	[sflag:s4] =	ssyncset.done $0x0  }
0x200: {  	s1 =	rddreg [dreg:$0x11];
	[sflag:s4] =	ssyncadd.s32 $0xFFFF8300  }
0x201: {  	[hbm4b:s1+s2] =	stream.linear.scatter [tilespmem:s6], [sflag:$0x1], $0x7D00, $0x38;
	[tilespmem:$0xFA00] =	vst v63  }
0x202: {  	_ =	swait.ge [sflag:s4], $0x7D00  }
0x203: {  	[sflag:s4] =	ssyncset.done $0x0  }
0x204: {  	s1 =	rddreg [dreg:$0x12];
	[sflag:s4] =	ssyncadd.s32 $0xFFFF8300  }
0x205: {  	[hbm4b:s1+s2] =	stream.linear.scatter [tilespmem:s2], [sflag:$0x1], $0x7D00, $0x38;
	[tilespmem:$0xFA00] =	vst v63  }
0x206: {  	_ =	swait.ge [sflag:s4], $0x7D00  }
0x207: {  	[sflag:s4] =	ssyncset.done $0x0  }
0x208: {  	s1 =	rddreg [dreg:$0x13];
	[sflag:s4] =	ssyncadd.s32 $0xFFFF8300  }
0x209: {  	[hbm4b:s1+s2] =	stream.linear.scatter [tilespmem:s6], [sflag:$0x1], $0x7D00, $0x38;
	[tilespmem:$0xFA00] =	vst v63  }
0x20a: {  	_ =	swait.ge [sflag:s4], $0x7D00  }
0x20b: {  	[sflag:s4] =	ssyncset.done $0x0  }
0x20c: {  	s1 =	rddreg [dreg:$0x14];
	[sflag:s4] =	ssyncadd.s32 $0xFFFF8300  }
0x20d: {  	[hbm4b:s1+s2] =	stream.linear.scatter [tilespmem:s2], [sflag:$0x1], $0x7D00, $0x38;
	[tilespmem:$0xFA00] =	vst v63  }
0x20e: {  	_ =	swait.ge [sflag:s4], $0x7D00  }
0x20f: {  	[sflag:s4] =	ssyncset.done $0x0  }
0x210: {  	s1 =	rddreg [dreg:$0x15];
	[sflag:s4] =	ssyncadd.s32 $0xFFFF8300  }
0x211: {  	[hbm4b:s1+s2] =	stream.linear.scatter [tilespmem:s6], [sflag:$0x1], $0x7D00, $0x38;
	[tilespmem:$0xFA00] =	vst v63  }
0x212: {  	_ =	swait.ge [sflag:s4], $0x7D00  }
0x213: {  	[sflag:s4] =	ssyncset.done $0x0  }
0x214: {  	s1 =	rddreg [dreg:$0x16];
	[sflag:s4] =	ssyncadd.s32 $0xFFFF8300  }
0x215: {  	[hbm4b:s1+s2] =	stream.linear.scatter [tilespmem:s2], [sflag:$0x1], $0x7D00, $0x38;
	[tilespmem:$0xFA00] =	vst v63  }
0x216: {  	_ =	swait.ge [sflag:s4], $0x7D00  }
0x217: {  	[sflag:s4] =	ssyncset.done $0x0  }
0x218: {  	s1 =	rddreg [dreg:$0x17];
	[sflag:s4] =	ssyncadd.s32 $0xFFFF8300  }
0x219: {  	[hbm4b:s1+s2] =	stream.linear.scatter [tilespmem:s6], [sflag:$0x1], $0x7D00, $0x38;
	[tilespmem:$0xFA00] =	vst v63  }
0x21a: {  	_ =	swait.ge [sflag:s4], $0x7D00  }
0x21b: {  	[sflag:s4] =	ssyncset.done $0x0  }
0x21c: {  	s1 =	rddreg [dreg:$0x18];
	[sflag:s4] =	ssyncadd.s32 $0xFFFF8300  }
0x21d: {  	[hbm4b:s1+s2] =	stream.linear.scatter [tilespmem:s2], [sflag:$0x1], $0x7D00, $0x38;
	[tilespmem:$0xFA00] =	vst v63  }
0x21e: {  	_ =	swait.ge [sflag:s4], $0x7D00  }
0x21f: {  	[sflag:s4] =	ssyncset.done $0x0  }
0x220: {  	s1 =	rddreg [dreg:$0x19];
	[sflag:s4] =	ssyncadd.s32 $0xFFFF8300  }
0x221: {  	[hbm4b:s1+s2] =	stream.linear.scatter [tilespmem:s6], [sflag:$0x1], $0x7D00, $0x38;
	[tilespmem:$0xFA00] =	vst v63  }
0x222: {  	_ =	swait.ge [sflag:s4], $0x7D00  }
0x223: {  	[sflag:s4] =	ssyncset.done $0x0  }
0x224: {  	[sflag:s4] =	ssyncadd.s32 $0xFFFF8300  }
0x225: {  	[hbm4b:s31+s2] =	stream.linear.scatter [tilespmem:s2], [sflag:$0x1], $0x7D00, $0x38;
	[tilespmem:$0xFA00] =	vst v63  }
0x226: {  	_ =	swait.ge [sflag:s4], $0x7D00  }
0x227: {  	[sflag:s4] =	ssyncset.done $0x0  }
0x228: {  	[sflag:s4] =	ssyncadd.s32 $0xFFFF8300  }
0x229: {  	[hbm4b:s30+s2] =	stream.linear.scatter [tilespmem:s6], [sflag:$0x1], $0x7D00, $0x38;
	[tilespmem:$0xFA00] =	vst v63  }
0x22a: {  	_ =	swait.ge [sflag:s4], $0x7D00  }
0x22b: {  	[sflag:s4] =	ssyncset.done $0x0  }
0x22c: {  	[sflag:s4] =	ssyncadd.s32 $0xFFFF8300  }
0x22d: {  	[hbm4b:s29+s2] =	stream.linear.scatter [tilespmem:s2], [sflag:$0x1], $0x7D00, $0x38;
	[tilespmem:$0xFA00] =	vst v63  }
0x22e: {  	_ =	swait.ge [sflag:s4], $0x7D00  }
0x22f: {  	[sflag:s4] =	ssyncset.done $0x0  }
0x230: {  	[sflag:s4] =	ssyncadd.s32 $0xFFFF8300  }
0x231: {  	[hbm4b:s28+s2] =	stream.linear.scatter [tilespmem:s6], [sflag:$0x1], $0x7D00, $0x38;
	[tilespmem:$0xFA00] =	vst v63  }
0x232: {  	_ =	swait.ge [sflag:s4], $0x7D00  }
0x233: {  	[sflag:s4] =	ssyncset.done $0x0  }
0x234: {  	[sflag:s4] =	ssyncadd.s32 $0xFFFF8300  }
0x235: {  	[hbm4b:s26+s2] =	stream.linear.scatter [tilespmem:s2], [sflag:$0x1], $0x7D00, $0x38;
	[tilespmem:$0xFA00] =	vst v63  }
0x236: {  	_ =	swait.ge [sflag:s4], $0x7D00  }
0x237: {  	[sflag:s4] =	ssyncset.done $0x0  }
0x238: {  	[sflag:s4] =	ssyncadd.s32 $0xFFFF8300  }
0x239: {  	[hbm4b:s25+s2] =	stream.linear.scatter [tilespmem:s6], [sflag:$0x1], $0x7D00, $0x38;
	[tilespmem:$0xFA00] =	vst v63  }
0x23a: {  	_ =	swait.ge [sflag:s4], $0x7D00  }
0x23b: {  	[sflag:s4] =	ssyncset.done $0x0  }
0x23c: {  	[sflag:s4] =	ssyncadd.s32 $0xFFFF8300  }
0x23d: {  	[hbm4b:s24+s2] =	stream.linear.scatter [tilespmem:s2], [sflag:$0x1], $0x7D00, $0x38;
	[tilespmem:$0xFA00] =	vst v63  }
0x23e: {  	_ =	swait.ge [sflag:s4], $0x7D00  }
0x23f: {  	[sflag:s4] =	ssyncset.done $0x0  }
0x240: {  	[sflag:s4] =	ssyncadd.s32 $0xFFFF8300  }
0x241: {  	[hbm4b:s22+s2] =	stream.linear.scatter [tilespmem:s6], [sflag:$0x1], $0x7D00, $0x38;
	[tilespmem:$0xFA00] =	vst v63  }
0x242: {  	_ =	swait.ge [sflag:s4], $0x7D00  }
0x243: {  	[sflag:s4] =	ssyncset.done $0x0  }
0x244: {  	[sflag:s4] =	ssyncadd.s32 $0xFFFF8300  }
0x245: {  	[hbm4b:s23+s2] =	stream.linear.scatter [tilespmem:s2], [sflag:$0x1], $0x7D00, $0x38;
	[tilespmem:$0xFA00] =	vst v63  }
0x246: {  	_ =	swait.ge [sflag:s4], $0x7D00  }
0x247: {  	[sflag:s4] =	ssyncset.done $0x0  }
0x248: {  	[sflag:s4] =	ssyncadd.s32 $0xFFFF8300  }
0x249: {  	[hbm4b:s21+s2] =	stream.linear.scatter [tilespmem:s6], [sflag:$0x1], $0x7D00, $0x38;
	[tilespmem:$0xFA00] =	vst v63  }
0x24a: {  	_ =	swait.ge [sflag:s4], $0x7D00  }
0x24b: {  	[sflag:s4] =	ssyncset.done $0x0  }
0x24c: {  	[sflag:s4] =	ssyncadd.s32 $0xFFFF8300  }
0x24d: {  	[hbm4b:s20+s2] =	stream.linear.scatter [tilespmem:s2], [sflag:$0x1], $0x7D00, $0x38;
	[tilespmem:$0xFA00] =	vst v63  }
0x24e: {  	_ =	swait.ge [sflag:s4], $0x7D00  }
0x24f: {  	[sflag:s4] =	ssyncset.done $0x0  }
0x250: {  	[sflag:s4] =	ssyncadd.s32 $0xFFFF8300  }
0x251: {  	[hbm4b:s19+s2] =	stream.linear.scatter [tilespmem:s6], [sflag:$0x1], $0x7D00, $0x38;
	[tilespmem:$0xFA00] =	vst v63  }
0x252: {  	_ =	swait.ge [sflag:s4], $0x7D00  }
0x253: {  	[sflag:s4] =	ssyncset.done $0x0  }
0x254: {  	[sflag:s4] =	ssyncadd.s32 $0xFFFF8300  }
0x255: {  	[hbm4b:s18+s2] =	stream.linear.scatter [tilespmem:s2], [sflag:$0x1], $0x7D00, $0x38;
	[tilespmem:$0xFA00] =	vst v63  }
0x256: {  	_ =	swait.ge [sflag:s4], $0x7D00  }
0x257: {  	[sflag:s4] =	ssyncset.done $0x0  }
0x258: {  	[sflag:s4] =	ssyncadd.s32 $0xFFFF8300  }
0x259: {  	[hbm4b:s17+s2] =	stream.linear.scatter [tilespmem:s6], [sflag:$0x1], $0x7D00, $0x38;
	[tilespmem:$0xFA00] =	vst v63  }
0x25a: {  	_ =	swait.ge [sflag:s4], $0x7D00  }
0x25b: {  	[sflag:s4] =	ssyncset.done $0x0  }
0x25c: {  	[sflag:s4] =	ssyncadd.s32 $0xFFFF8300  }
0x25d: {  	[hbm4b:s16+s2] =	stream.linear.scatter [tilespmem:s2], [sflag:$0x1], $0x7D00, $0x38;
	[tilespmem:$0xFA00] =	vst v63  }
0x25e: {  	_ =	swait.ge [sflag:s4], $0x7D00  }
0x25f: {  	[sflag:s4] =	ssyncset.done $0x0  }
0x260: {  	[sflag:s4] =	ssyncadd.s32 $0xFFFF8300  }
0x261: {  	[hbm4b:s14+s2] =	stream.linear.scatter [tilespmem:s6], [sflag:$0x1], $0x7D00, $0x38;
	[tilespmem:$0xFA00] =	vst v63  }
0x262: {  	_ =	swait.ge [sflag:s4], $0x7D00  }
0x263: {  	[sflag:s4] =	ssyncset.done $0x0  }
0x264: {  	[sflag:s4] =	ssyncadd.s32 $0xFFFF8300  }
0x265: {  	[hbm4b:s15+s2] =	stream.linear.scatter [tilespmem:s2], [sflag:$0x1], $0x7D00, $0x38;
	[tilespmem:$0xFA00] =	vst v63  }
0x266: {  	_ =	swait.ge [sflag:s4], $0x7D00  }
0x267: {  	[sflag:s4] =	ssyncset.done $0x0  }
0x268: {  	[sflag:s4] =	ssyncadd.s32 $0xFFFF8300  }
0x269: {  	[hbm4b:s13+s2] =	stream.linear.scatter [tilespmem:s6], [sflag:$0x1], $0x7D00, $0x38;
	[tilespmem:$0xFA00] =	vst v63  }
0x26a: {  	_ =	swait.ge [sflag:s4], $0x7D00  }
0x26b: {  	[sflag:s4] =	ssyncset.done $0x0  }
0x26c: {  	[sflag:s4] =	ssyncadd.s32 $0xFFFF8300  }
0x26d: {  	[hbm4b:s12+s2] =	stream.linear.scatter [tilespmem:s2], [sflag:$0x1], $0x7D00, $0x38;
	[tilespmem:$0xFA00] =	vst v63  }
0x26e: {  	_ =	swait.ge [sflag:s4], $0x7D00  }
0x26f: {  	[sflag:s4] =	ssyncset.done $0x0  }
0x270: {  	[sflag:s4] =	ssyncadd.s32 $0xFFFF8300  }
0x271: {  	[hbm4b:s11+s2] =	stream.linear.scatter [tilespmem:s6], [sflag:$0x1], $0x7D00, $0x38;
	[tilespmem:$0xFA00] =	vst v63  }
0x272: {  	_ =	swait.ge [sflag:s4], $0x7D00  }
0x273: {  	[sflag:s4] =	ssyncset.done $0x0  }
0x274: {  	[sflag:s4] =	ssyncadd.s32 $0xFFFF8300  }
0x275: {  	[hbm4b:s10+s2] =	stream.linear.scatter [tilespmem:s2], [sflag:$0x1], $0x7D00, $0x38;
	[tilespmem:$0xFA00] =	vst v63  }
0x276: {  	_ =	swait.ge [sflag:s4], $0x7D00  }
0x277: {  	[sflag:s4] =	ssyncset.done $0x0  }
0x278: {  	[sflag:s4] =	ssyncadd.s32 $0xFFFF8300  }
0x279: {  	[hbm4b:s9+s2] =	stream.linear.scatter [tilespmem:s6], [sflag:$0x1], $0x7D00, $0x38;
	[tilespmem:$0xFA00] =	vst v63  }
0x27a: {  	_ =	swait.ge [sflag:s4], $0x7D00  }
0x27b: {  	[sflag:s4] =	ssyncset.done $0x0  }
0x27c: {  	[sflag:s4] =	ssyncadd.s32 $0xFFFF8300  }
0x27d: {  	[hbm4b:s8+s2] =	stream.linear.scatter [tilespmem:s2], [sflag:$0x1], $0x7D00, $0x38;
	[tilespmem:$0xFA00] =	vst v63  }
0x27e: {  	_ =	swait.ge [sflag:s4], $0x7D00  }
0x27f: {  	[sflag:s4] =	ssyncset.done $0x0  }
0x280: {  	[sflag:s4] =	ssyncadd.s32 $0xFFFF8300  }
0x281: {  	[hbm4b:s7+s2] =	stream.linear.scatter [tilespmem:s6], [sflag:$0x1], $0x7D00, $0x38;
	[tilespmem:$0xFA00] =	vst v63  }
0x282: {  	_ =	swait.ge [sflag:s4], $0x7D00  }
0x283: {  	[sflag:s4] =	ssyncset.done $0x0  }
0x284: {  	[sflag:s4] =	ssyncadd.s32 $0xFFFF8300  }
0x285: {  	[hbm4b:s5+s2] =	stream.linear.scatter [tilespmem:s2], [sflag:$0x1], $0x7D00, $0x38;
	[tilespmem:$0xFA00] =	vst v63  }
0x286: {  	_ =	swait.ge [sflag:s4], $0x7D00  }
0x287: {  	[sflag:s4] =	ssyncset.done $0x0  }
0x288: {  	[sflag:s4] =	ssyncadd.s32 $0xFFFF8300  }
0x289: {  	[hbm4b:s3+s2] =	stream.linear.scatter [tilespmem:s6], [sflag:$0x1], $0x7D00, $0x38;
	[tilespmem:$0xFA00] =	vst v63  }
0x28a: {  	_ =	swait.ge [sflag:s4], $0x7D00  }
0x28b: {  	[sflag:s4] =	ssyncset.done $0x0  }
0x28c: {  	[sflag:s4] =	ssyncadd.s32 $0xFFFF8300  }
0x28d: {  	_ =	swait.ge [sflag:s4], $0x7D00  }
0x28e: {  	[sflag:s4] =	ssyncset.done $0x0  }
0x28f: {  	[sflag:s4] =	ssyncadd.s32 $0xFFFF8300  }
0x290: {  	_ =	sfence.sel $0x180000  }
0x291: {  	[bflag:$0x0] =	sbarrier.arrive $0xFFFF  }
0x292: {  	_ =	strace $0x90000047  }
0x293: {  	s31 =	stileid.u32;
	[bflag:$0x2] =	sbarrier.arrive $0xFFFF  }
0x294: {  	p0 =	sne.s32 s31, $0x0;
	s0 =	rddreg [dreg:$0x1]  }
0x295: {  	s0 =	sadd.s32 @!p0 $0x100000, s0  }
0x296: {  	[sflag:s0] =	ssyncadd.tile.s32 @!p0 $0x1;
	_ =	shalt  }
.Lfunc_end2:
_tile_overlayer_lowered:
.L_overlay_start_2:
0x297: {  	(tag) =	ssettag $0x2  }
0x298: {  	s0 =	rddreg [dreg:$0x0];
	s2 =	stileid.u32  }
0x299: {  	s1 =	rddreg [dreg:$0x1];
	p0 =	sne.s32 s2, $0x0  }
0x29a: {  	s3 =	rddreg [dreg:$0x2];
	[bflag:$0x3] =	sbarrier.arrive $0xFFFF;
	s2 =	simm.s32 @!p0 $0x1C02  }
0x29b: {  	[timem:s3], [sflag:s2] =	dma.local @!p0 [hbm:s0], s1  }
0x29c: {  	s0 =	simm.s32 @!p0 $0x2  }
0x29d: {  	_ =	swait.ge @!p0 [sflag:s0], s1  }
0x29e: {  	s1 =	ssub.s32 @!p0 $0x0, s1;
	[sflag:s0] =	ssyncset.done @!p0 $0x0  }
0x29f: {  	[sflag:s0] =	ssyncadd.s32 @!p0 s1  }
0x2a0: {  	[bflag:$0x3] =	sbarrier.arrive $0xFFFF  }
0x2a1: {  	_ =	shalt  }

// kernel: sparse-core-data-format-call.cloned.1.call-start
scs
called_computation_lowered:
.L_overlay_start_0:
0x0: {  	s2 =	sld [smem:$0x3FD9]  }
0x1: {  	s3 =	sld [smem:$0x3FFE];
	_ =	sdelay $0x1  }
0x2: {  	s1 =	srdreg.scid  }
0x3: {  	s0 =	sand.u32 $0x1, s1  }
0x4: {  	s18 =	sshll.u32 s0, $0xA;
	s2 =	sadd.s32 s3, s2  }
0x5: {  	s2 =	sadd.s32 s2, s18  }
0x6: {  	[smem:$0x3FC6] =	sst s2  }
0x7: {  	_ = 	snop  }
0x8: {  	s2 =	sld [smem:$0x3FD0];
	(tm) =	ssettm $0x1  }
0x9: {  	s19 =	sld [smem:$0x3FFB];
	_ =	sdelay $0x3  }
0xa: {  	_ =	strace s19  }
0xb: {  	s3 =	sld [smem:$0x3FFC];
	_ =	sdelay $0x3  }
0xc: {  	_ =	strace s3  }
0xd: {  	s3 =	sld [smem:$0x3FFD];
	_ =	sdelay $0x3  }
0xe: {  	_ =	strace s3  }
0xf: {  	_ =	strace $0x8FFFFFFF  }
0x10: {  	s20 =	sld [smem:$0x3FDB];
	_ =	sdelay $0x1  }
0x11: {  	s4 =	simm.s32 $_scs_section_size  }
0x12: {  	s5 =	simm.s32 $_size__tile_overlayer_lowered;
	s6 =	simm.s32 $_tile_overlayer_lowered  }
0x13: {  	s23 =	simm.s32 $0x1BFF;
	s22 =	sshll.u32 s6, $0x1;
	s3 =	sadd.s32 s4, s20  }
0x14: {  	s7 =	simm.s32 $0x0;
	s21 =	sshll.u32 s5, $0x1;
	s5 =	sadd.s32 s22, s3  }
0x15: {  	[timem:s7], [sflag:s23] =	dma.local [hbm:s5], s21  }
0x16: {  	_ =	swait.ge [sflag:s23], s21  }
0x17: {  	s4 =	ssub.s32 $0x0, s21;
	[sflag:s23] =	ssyncset.done $0x0  }
0x18: {  	[sflag:s23] =	ssyncadd.s32 s4;
	_ =	sdelay $0x1  }
0x19: {  	s24 =	simm.s32 $0x1B8B  }
0x1a: {  	_ =	swait.ge [sflag:s24], $0x1  }
0x1b: {  	[sflag:s24] =	ssyncset.done $0x0  }
0x1c: {  	s26 =	simm.s32 $0x1B8E;
	s25 =	sld [smem:$0x3FFE];
	[sflag:s24] =	ssyncadd.s32 $0xFFFFFFFF  }
0x1d: {  	s27 =	simm.s32 $execute0_lowered;
	[smem:$0x3FD2] =	sst s26  }
0x1e: {  	s5 =	sshll.u32 s27, $0x1;
	_ =	strace $0x80000049;
	[dreg:$0x1] =	wrdreg $0xFFFFFFFF  }
0x1f: {  	s28 =	simm.s32 $_size_execute0_lowered;
	s3 =	sadd.s32 s3, s5;
	[dreg:$0x0] =	wrdreg $0x0  }
0x20: {  	s5 =	sshll.u32 s28, $0x1;
	[dreg:$0x2] =	wrdreg s3  }
0x21: {  	[dreg:$0x3] =	wrdreg s5  }
0x22: {  	[dreg:$0x4] =	wrdreg $0xC0  }
0x23: {  	_ =	task [dreg:s7], $0x5FFFF  }
0x24: {  	[dreg:$0x1] =	wrdreg $0xFFFFFFFF  }
0x25: {  	[dreg:$0x0] =	wrdreg $0x60  }
0x26: {  	[dreg:$0x2] =	wrdreg s25  }
0x27: {  	[dreg:$0x3] =	wrdreg s2  }
0x28: {  	[dreg:$0x4] =	wrdreg $0x9  }
0x29: {  	_ =	task.clear_ibuf [dreg:s7], $0x5FFFF;
	_ =	strace $0x90000049  }
0x2a: {  	s29 =	simm.s32 $0x9;
	_ =	strace $0x8000004B  }
0x2b: {  	_ =	swait.ge [sflag:s29], $0x1  }
0x2c: {  	[sflag:s29] =	ssyncadd.s32 $0xFFFFFFFF  }
0x2d: {  	_ =	strace $0x9000004B  }
0x2e: {  	_ =	sfence  }
0x2f: {  	s30 =	sld [smem:$0x0];
	_ =	sdelay $0x2  }
0x30: {  	s31 =	sshll.u32 s1, $0xD;
	s1 =	sshrl.u32 s1, $0x2  }
0x31: {  	s3 =	sand.u32 $0x4000, s31;
	s1 =	sadd.s32 s1, s30  }
0x32: {  	s0 =	sor.u32 s3, s0;
	s1 =	sshll.u32 s1, $0x11  }
0x33: {  	s0 =	sor.u32 s1, s0  }
0x34: {  	s0 =	sadd.s32 $0x8F2B, s0  }
0x35: {  	[sflag:s0] =	ssyncadd.remote.s32 $0x1  }
0x36: {  	_ =	sfence.sel $0xFFFF  }
0x37: {  	[dreg:$0x0] =	wrdreg $0xFFFFFFFF;
	(pc) =	sbr.abs _section_cstart, $3  }
0x38: {  	[dreg:$0x1] =	wrdreg $0xFFFFFFFF  }
0x39: {  	_ =	task.clear_ibuf [dreg:s7], $0x2FFFF;
	_ =	strace $0x9FFFFFFF  }
0x3a: {  	(tm) =	ssettm $0x7FFFFFFF  }
0x3b: {  	_ =	shalt  }
tec
execute0_lowered:
.L_overlay_start_1:
0x0: {  	(tag) =	ssettag $0x1  }
0x1: {  	s4 =	rddreg [dreg:$0x0]  }
0x2: {  	s0 =	stileid.u32;
	s2 =	rddreg [dreg:$0x1]  }
0x3: {  	s7 =	srdreg.scid;
	s31 =	simm.s32 $0x2;
	s17 =	simm.s32 $0x0  }
0x4: {  	s9 =	simm.s32 $0x2000;
	s19 =	simm.s32 $0x0;
	s18 =	simm.s32 $0x0  }
0x5: {  	s10 =	simm.s32 $0x0;
	s11 =	simm.s32 $0x0;
	s1 =	sshll.u32 s0, $0x7  }
0x6: {  	s12 =	simm.s32 $0x0;
	s14 =	simm.s32 $0x0;
	s3 =	sand.u32 $0x380, s1  }
0x7: {  	s16 =	simm.s32 $0x0;
	s4 =	sadd.s32 $0x800, s4;
	s5 =	ssub.s32 $0x400, s3  }
0x8: {  	s8 =	sshll.u32 s0, $0x4;
	s7 =	sshll.u32 s7, $0x8;
	s6 =	sand.u32 $0x380, s5  }
0x9: {  	s1 =	rddreg [dreg:$0x2];
	p0 =	sne.s32 s6, $0x0;
	s6 =	simm.s32 $0x1  }
.Ltmp0:
0xa: {  	s5 =	sshrl.u32 s5, $0xA;
	s6 =	simm.s32 @!p0 $0x0;
	(pc) =	sbr.rel .LBB1_1-.Ltmp0, $4  }
0xb: {  	_ =	strace $0x8000004A;
	s7 =	sor.u32 s8, s7;
	s6 =	sadd.s32 s6, s5  }
0xc: {  	s7 =	sand.u32 $0x180, s7;
	s5 =	simm.s32 $0x1;
	s6 =	smul.u32 $0x64, s6  }
0xd: {  	s15 =	smov.u32 s3;
	s13 =	smov.u32 s7;
	[sflag:s5] =	ssyncpa.u1 $0x0  }
0xe: {  	p0 =	por $0x0, $0x0;
	[sflag:s31] =	ssyncpa.u1 $0x0;
	s8 =	sor.u32 $0x1, s6  }
.LBB1_4:
0xf: {  	s25 =	sshll.u32 s10, $0xA;
	s24 =	sshra.s32 s24, $0x2;
	s26 =	sshll.u32 s12, $0x3  }
0x10: {  	p1 =	sgt.s32 s11, $0x31;
	s27 =	smov.u32 s11;
	s28 =	sshra.s32 s11, $0x1F  }
0x11: {  	p2 =	sgt.s32 s12, $0x380;
	s31 =	sshra.s32 s12, $0x1F;
	s25 =	sand.u32 $0xFFFFE000, s25  }
0x12: {  	s26 =	sand.u32 $0xFFFFFC00, s26;
	s27 =	simm.s32 @!p1 $0x31;
	s28 =	sand.u32 s28, s11  }
0x13: {  	[tilespmem:s22+$0x2040 ss:$0x81] =	vst.msk $0xffff, v4;
	s23 =	sadd.s32 s24, s23;
	s29 =	sadd.s32 s26, s25;
	s25 =	ssub.s32 s27, s28  }
0x14: {  	[tilespmem:s22+$0x2850 ss:$0x81] =	vst.msk $0xffff, v3;
	s27 =	smov.u32 s12;
	s28 =	smov.u32 s10;
	s26 =	sand.u32 s31, s12  }
0x15: {  	[tilespmem:s22+$0x3060 ss:$0x81] =	vst.msk $0xffff, v2;
	s24 =	sshrl.u32 s29, $0xA;
	s30 =	sadd.s32 $0xFFFFFFCF, s25;
	s27 =	simm.s32 @!p2 $0x380  }
0x16: {  	v5 =	vld [tilespmem:s21+$0xFFFFFFD0];
	[tilespmem:s22+$0x0 ss:$0x81] =	vst.msk $0xffff, v1;
	p2 =	sgt.s32 s10, $0x368;
	s29 =	sshra.s32 s10, $0x1F;
	s22 =	ssub.s32 $0x32, s25  }
0x17: {  	v58 =	vld [tilespmem:s21+$0xFFFFFFE0];
	p1 =	sgt.s32 s30, $0x0;
	s28 =	simm.s32 @!p2 $0x368;
	s29 =	sand.u32 s29, s10  }
0x18: {  	v59 =	vld [tilespmem:s21+$0xFFFFFFF0];
	s26 =	ssub.s32 s27, s26;
	s27 =	smulhi.u32 $0x418938, s24;
	s28 =	ssub.s32 s28, s29  }
0x19: {  	v60 =	vld [tilespmem:s21+$0x0];
	s30 =	sadd.s32 $0xFFFFFC80, s26;
	s25 =	ssub.s32 $0x400, s26;
	s22 =	simm.s32 @p1 $0x0  }
0x1a: {  	v61 =	vld [tilespmem:s21+$0x10];
	[tilespmem:s23+$0x3870 ss:$0x81] =	vst.msk $0xffff, v0;
	s29 =	sand.u32 $0x78, s12;
	p2 =	sgt.s32 s30, $0x7F;
	s31 =	sadd.s32 $0xFFFFFC98, s28  }
0x1b: {  	v62 =	vld [tilespmem:s21+$0x20];
	[tilespmem:s23+$0x810 ss:$0x81] =	vst.msk $0xffff, v5;
	s27 =	smul.u32 $0x3E8, s27;
	s30 =	sshll.u32 s10, $0x7;
	s28 =	ssub.s32 $0x3E8, s28  }
0x1c: {  	v63 =	vld [tilespmem:s21+$0xFFFFFFC0];
	[tilespmem:s23+$0x1020 ss:$0x81] =	vst.msk $0xffff, v58;
	s25 =	simm.s32 @p2 $0x0;
	p1 =	sgt.s32 s31, $0x7F;
	s31 =	smul.u32 $0x1F400, s11  }
0x1d: {  	[tilespmem:s23+$0x1830 ss:$0x81] =	vst.msk $0xffff, v59;
	s21 =	sand.u32 $0x380, s30;
	s22 =	smul.u32 s25, s22;
	s28 =	simm.s32 @p1 $0x0  }
0x1e: {  	[tilespmem:s23+$0x2040 ss:$0x81] =	vst.msk $0xffff, v60;
	s21 =	sor.u32 s29, s21;
	s24 =	ssub.s32 s24, s27;
	s29 =	sand.u32 $0x7, s12  }
0x1f: {  	[tilespmem:s23+$0x2850 ss:$0x81] =	vst.msk $0xffff, v61;
	s21 =	sshrl.u32 s21, $0x3;
	s25 =	sadd.s32 s2, s31;
	s22 =	smul.u32 s28, s22  }
0x20: {  	[tilespmem:s23+$0x3060 ss:$0x81] =	vst.msk $0xffff, v62;
	s24 =	sshll.u32 s24, $0x7;
	s30 =	sshll.u32 s29, $0x12;
	s21 =	sadd.s32 s21, s25  }
0x21: {  	[tilespmem:s23+$0x0 ss:$0x81] =	vst.msk $0xffff, v63;
	s31 =	sor.u32 $0x400, s30;
	s21 =	sadd.s32 s24, s21;
	s22 =	sand.u32 $0x3FFFFFFF, s22  }
0x22: {  	[hbm4b:s21+s31] =	stream.strided.scatter [tilespmem:s20], [sflag:$0x2], s22, s9, s31, $0x20;
	[tilespmem:$0x10100] =	vst v63  }
.LBB1_5:
0x23: {  	p1 =	slt.u32 s16, $0x2  }
0x24: {  	p2 =	sgt.s32 @!p1 s19, $0x31  }
0x25: {  	s20 =	smov.u32 s19;
	s21 =	sshra.s32 @!p1 s19, $0x1F;
	p2 =	por !p2, p1  }
0x26: {  	s19 =	sand.u32 @!p1 s21, s19;
	s20 =	simm.s32 @p2 $0x31  }
0x27: {  	p3 =	sgt.s32 @!p1 s17, $0x368;
	s19 =	ssub.s32 @!p1 s20, s19  }
0x28: {  	p4 =	sgt.s32 @!p1 s18, $0x380;
	s22 =	sshra.s32 @!p1 s18, $0x1F;
	s20 =	sadd.s32 @!p1 $0xFFFFFFCF, s19  }
0x29: {  	s21 =	smov.u32 s17;
	p2 =	sgt.s32 @!p1 s20, $0x0;
	s20 =	sshra.s32 @!p1 s17, $0x1F  }
0x2a: {  	p4 =	por !p4, p1;
	s17 =	sand.u32 @!p1 s20, s17;
	s20 =	smov.u32 s18  }
0x2b: {  	p3 =	por !p3, p1;
	s18 =	sand.u32 @!p1 s22, s18;
	s20 =	simm.s32 @p4 $0x380  }
0x2c: {  	s21 =	simm.s32 @p3 $0x368;
	s19 =	ssub.s32 @!p1 $0x32, s19;
	s18 =	ssub.s32 @!p1 s20, s18  }
0x2d: {  	p2 =	por !p2, p1;
	s17 =	ssub.s32 @!p1 s21, s17;
	s21 =	sadd.s32 @!p1 $0xFFFFFC80, s18  }
0x2e: {  	s19 =	simm.s32 @!p2 $0x0;
	p3 =	sgt.s32 @!p1 s21, $0x7F  }
0x2f: {  	s20 =	sadd.s32 @!p1 $0xFFFFFC98, s17;
	s18 =	ssub.s32 @!p1 $0x400, s18;
	p3 =	por !p3, p1  }
0x30: {  	p2 =	sgt.s32 @!p1 s20, $0x7F;
	s20 =	sadd.s32 $0x200, s13;
	s18 =	simm.s32 @!p3 $0x0  }
0x31: {  	p3 =	sgt.s32 s20, $0x3E7;
	s18 =	smul.u32 @!p1 s18, s19;
	s19 =	simm.s32 $0x1  }
0x32: {  	s17 =	ssub.s32 @!p1 $0x3E8, s17;
	p2 =	por !p2, p1;
	s19 =	simm.s32 @!p3 $0x0  }
0x33: {  	s22 =	smov.u32 s15;
	s17 =	simm.s32 @!p2 $0x0;
	s21 =	sadd.s32 s19, s14  }
0x34: {  	s17 =	smul.u32 @!p1 s17, s18;
	s18 =	sadd.s32 $0x400, s15;
	p2 =	sgt.s32 s21, $0x31  }
0x35: {  	p0 =	por !p0, !p0;
	s23 =	simm.s32 @!p1 $0x2;
	s22 =	smov.u32 @p2 s18  }
0x36: {  	s20 =	smov.u32 @p3 s7;
	s21 =	simm.s32 @p2 $0x0;
	p2 =	sgt.s32 s22, $0x3FF  }
0x37: {  	s19 =	smov.u32 s11;
	s22 =	smov.u32 @p2 s3;
	p2 =	sne.s32 s16, s8  }
.Ltmp1:
0x38: {  	s11 =	smov.u32 s14;
	s17 =	sand.u32 @!p1 $0x3FFFFFFF, s17;
	(pc) =	sbr.rel @!p2 .LBB1_6-.Ltmp1, $4  }
0x39: {  	s18 =	smov.u32 s12;
	s12 =	smov.u32 s15;
	_ =	swait.ge @!p1 [sflag:s23], s17  }
0x3a: {  	s24 =	ssub.s32 @!p1 $0x0, s17;
	s17 =	smov.u32 s10;
	s10 =	smov.u32 s13  }
0x3b: {  	s13 =	smov.u32 s20;
	s14 =	smov.u32 s21;
	[sflag:s23] =	ssyncset.done @!p1 $0x0  }
0x3c: {  	s16 =	sadd.s32 $0x1, s16;
	[sflag:s23] =	ssyncadd.s32 @!p1 s24;
	s15 =	smov.u32 s22  }
.LBB1_1:
0x3d: {  	p1 =	sge.u32 s16, s6  }
0x3e: {  	s20 =	sshll.u32 @!p1 s14, $0xA  }
0x3f: {  	s21 =	sshll.u32 @!p1 s13, $0x3;
	s20 =	sand.u32 @!p1 $0xFFFFE000, s20  }
0x40: {  	s20 =	sadd.s32 @!p1 s20, s21  }
0x41: {  	s20 =	sshrl.u32 @!p1 s20, $0xA  }
0x42: {  	s21 =	smulhi.u32 @!p1 $0x4924925, s20  }
0x43: {  	s22 =	sshll.u32 @!p1 s14, $0x7;
	s24 =	smul.u32 @!p1 $0x1C00, s15  }
0x44: {  	s23 =	sand.u32 @!p1 $0x78, s13;
	s22 =	sand.u32 @!p1 $0x380, s22;
	s21 =	smul.u32 @!p1 $0x38, s21  }
0x45: {  	s31 =	sadd.s32 $0xFFFFFFFF, s16;
	s22 =	sor.u32 @!p1 s23, s22;
	s23 =	sadd.s32 @!p1 s4, s24  }
0x46: {  	s22 =	sshrl.u32 @!p1 s22, $0x3;
	s20 =	ssub.s32 @!p1 s20, s21;
	s21 =	sxor.u32 @!p1 $0xFFFFFFFF, s16  }
0x47: {  	s22 =	sadd.s32 @!p1 s22, s23;
	s23 =	sand.u32 @!p1 $0x7, s13;
	s21 =	sshll.u32 @!p1 s21, $0xE  }
0x48: {  	s23 =	sshll.u32 @!p1 s23, $0x12;
	s20 =	sshll.u32 @!p1 s20, $0x7;
	s21 =	sand.u32 @!p1 $0x4000, s21  }
0x49: {  	s20 =	sadd.s32 @!p1 s20, s22;
	s22 =	sor.u32 @!p1 $0x80, s23;
	s23 =	simm.s32 @!p1 $0xE000  }
0x4a: {  	[tilespmem:s21], [sflag:$0x1] =	stream.strided.gather @!p1 [hbm4b:s20+s22], $0x4000, s23, s22, $0x38;
	[tilespmem:$0x10100] =	vst v63  }
0x4b: {  	p1 =	sge.u32 s31, s6  }
.Ltmp2:
0x4c: {  	_ = 	snop;
	(pc) =	sbr.rel @p1 .LBB1_5-.Ltmp2, $1  }
0x4d: {  	_ =	sdelay $0x3  }
0x4e: {  	s20 =	simm.s32 $0x1  }
0x4f: {  	_ =	swait.ge [sflag:s5], $0x4000;
	s20 =	simm.s32 @!p0 $0x0  }
0x50: {  	[sflag:s5] =	ssyncset.done $0x0;
	s21 =	sshll.u32 s20, $0xE  }
0x51: {  	[sflag:s5] =	ssyncadd.s32 $0xFFFFC000;
	s21 =	sor.u32 $0x40, s21  }
0x52: {  	s20 =	smul.u32 $0x10200, s20;
	v0 =	vld [tilespmem:s21+$0x30]  }
0x53: {  	v1 =	vld [tilespmem:s21+$0xFFFFFFD0]  }
0x54: {  	s20 =	sshrl.u32 s20, $0x2;
	v5 =	vld [tilespmem:s21+$0xFFFFFFE0]  }
0x55: {  	v6 =	vld [tilespmem:s21+$0xFFFFFFF0];
	s23 =	sor.u32 $0x8000, s20  }
0x56: {  	s31 =	sand.u32 $0x1, s16;
	v4 =	vld [tilespmem:s21+$0x0];
	s22 =	sadd.s32 $0x0, s23  }
0x57: {  	v3 =	vld [tilespmem:s21+$0x10];
	s20 =	smul.u32 $0x10200, s31;
	[tilespmem:s22+$0x3870 ss:$0x81] =	vst.msk $0xffff, v0  }
0x58: {  	v2 =	vld [tilespmem:s21+$0x20];
	[tilespmem:s22+$0x810 ss:$0x81] =	vst.msk $0xffff, v1  }
0x59: {  	s20 =	sshrl.u32 s20, $0x2;
	v1 =	vld [tilespmem:s21+$0xFFFFFFC0];
	[tilespmem:s22+$0x1020 ss:$0x81] =	vst.msk $0xffff, v5;
	s21 =	sadd.s32 $0x80, s21  }
0x5a: {  	s24 =	simm.s32 $0x4;
	s25 =	simm.s32 $0x8;
	s20 =	sor.u32 $0x8000, s20;
	[tilespmem:s22+$0x1830 ss:$0x81] =	vst.msk $0xffff, v6;
	v0 =	vld [tilespmem:s21+$0x30]  }
.LBB1_3:
0x5b: {  	p1 =	sne.s32 s25, $0x1FC;
	v5 =	vld [tilespmem:s21+$0xFFFFFFD0];
	[tilespmem:s22+$0x2040 ss:$0x81] =	vst.msk $0xffff, v4  }
0x5c: {  	v6 =	vld [tilespmem:s21+$0xFFFFFFE0];
	[tilespmem:s22+$0x2850 ss:$0x81] =	vst.msk $0xffff, v3  }
0x5d: {  	s26 =	sshra.s32 s24, $0x2;
	s24 =	smov.u32 s25;
	v7 =	vld [tilespmem:s21+$0xFFFFFFF0];
	[tilespmem:s22+$0x3060 ss:$0x81] =	vst.msk $0xffff, v2  }
.Ltmp3:
0x5e: {  	v4 =	vld [tilespmem:s21+$0x0];
	[tilespmem:s22+$0x0 ss:$0x81] =	vst.msk $0xffff, v1;
	s22 =	sadd.s32 s26, s23;
	(pc) =	sbr.rel @p1 .LBB1_3-.Ltmp3, $4  }
0x5f: {  	v3 =	vld [tilespmem:s21+$0x10];
	[tilespmem:s22+$0x3870 ss:$0x81] =	vst.msk $0xffff, v0  }
0x60: {  	[tilespmem:s22+$0x810 ss:$0x81] =	vst.msk $0xffff, v5;
	v2 =	vld [tilespmem:s21+$0x20]  }
0x61: {  	v1 =	vld [tilespmem:s21+$0xFFFFFFC0];
	[tilespmem:s22+$0x1020 ss:$0x81] =	vst.msk $0xffff, v6;
	s21 =	sadd.s32 $0x80, s21  }
0x62: {  	s25 =	sadd.s32 $0x4, s25;
	v0 =	vld [tilespmem:s21+$0x30];
	[tilespmem:s22+$0x1830 ss:$0x81] =	vst.msk $0xffff, v7  }
.Ltmp4:
0x63: {  	_ = 	snop;
	(pc) =	sbr.rel .LBB1_4-.Ltmp4, $1  }
0x64: {  	_ =	sdelay $0x3  }
.LBB1_6:
0x65: {  	_ =	sfence.sel $0x180000  }
0x66: {  	s2 =	simm.s32 $0x1;
	[bflag:$0x0] =	sbarrier.arrive $0xFFFF  }
0x67: {  	s31 =	simm.s32 $0x2;
	[sflag:s2] =	ssyncpa.u1 $0x1  }
0x68: {  	[sflag:s31] =	ssyncpa.u1 $0x1  }
0x69: {  	p0 =	sne.s32 s0, $0x0;
	_ =	strace $0x9000004A  }
0x6a: {  	s0 =	sadd.s32 @!p0 $0x100000, s1;
	[bflag:$0x2] =	sbarrier.arrive $0xFFFF  }
0x6b: {  	[sflag:s0] =	ssyncadd.tile.s32 @!p0 $0x1;
	_ =	shalt  }
.Lfunc_end1:
_tile_overlayer_lowered:
.L_overlay_start_2:
0x6c: {  	(tag) =	ssettag $0x2  }
0x6d: {  	s0 =	rddreg [dreg:$0x0];
	s2 =	stileid.u32  }
0x6e: {  	s1 =	rddreg [dreg:$0x1];
	p0 =	sne.s32 s2, $0x0  }
0x6f: {  	s3 =	rddreg [dreg:$0x2];
	[bflag:$0x3] =	sbarrier.arrive $0xFFFF;
	s2 =	simm.s32 @!p0 $0x1C01  }
0x70: {  	[timem:s3], [sflag:s2] =	dma.local @!p0 [hbm:s0], s1  }
0x71: {  	s0 =	simm.s32 @!p0 $0x1  }
0x72: {  	_ =	swait.ge @!p0 [sflag:s0], s1  }
0x73: {  	s1 =	ssub.s32 @!p0 $0x0, s1;
	[sflag:s0] =	ssyncset.done @!p0 $0x0  }
0x74: {  	[sflag:s0] =	ssyncadd.s32 @!p0 s1  }
0x75: {  	[bflag:$0x3] =	sbarrier.arrive $0xFFFF  }
0x76: {  	_ =	shalt  }

</sc_bundles>
